<compile_context>
chip_gen: v7x
topology: tpu7x:2x2x1
jax: 0.10.2.dev20260603
libtpu: 0.0.44.dev20260713+nightly
codegen_flags: <defaults>
</compile_context>

<pallas_src>
import functools

import jax
import jax.numpy as jnp
import numpy as np
from jax import lax
from jax.experimental import pallas as pl
from jax.experimental.pallas import tpu as pltpu
from jax.experimental.pallas import tpu_sc as plsc

H, W = 64, 2048
N = 131072
HW = H * W
FOV_UP = 3.0 * np.pi / 180.0
FOV_DOWN = -25.0 * np.pi / 180.0
FOV = abs(FOV_DOWN) + abs(FOV_UP)

NT = 32
PPT = HW // NT
CHUNK = 4096
NCHUNK = N // CHUNK
ROWS_R, ROWS_C = 256, 512

INF_I32 = 0x7F800000


def _proj_body(x_ref, y_ref, z_ref, lab_ref, msk_ref, p_ref, kb_ref, lov_ref):
    x = x_ref[...]
    y = y_ref[...]
    z = z_ref[...]
    d2 = x * x + y * y + z * z
    depth = jnp.sqrt(d2) + 1e-12
    yaw = -lax.atan2(y, x)
    t = jnp.clip(z / depth, -1.0, 1.0)
    pitch = 2.0 * lax.atan2(t, 1.0 + jnp.sqrt((1.0 - t) * (1.0 + t)))
    proj_x = 0.5 * (yaw / float(np.pi) + 1.0) * W
    proj_y = (1.0 - (pitch + abs(FOV_DOWN)) / FOV) * H
    pxi = jnp.clip(jnp.floor(proj_x), 0, W - 1).astype(jnp.int32)
    pyi = jnp.clip(jnp.floor(proj_y), 0, H - 1).astype(jnp.int32)
    p = pyi * W + pxi
    p_ref[...] = ((p & 31) << 12) | (p >> 5)
    kb_ref[...] = lax.bitcast_convert_type(depth, jnp.int32)
    r = lax.broadcasted_iota(jnp.int32, x.shape, 0)
    c = lax.broadcasted_iota(jnp.int32, x.shape, 1)
    idx = r * ROWS_C + c
    lov_ref[...] = (idx << 6) | (lab_ref[...] << 1) | msk_ref[...]


_tc_proj = pl.pallas_call(
    _proj_body,
    out_shape=[
        jax.ShapeDtypeStruct((ROWS_R, ROWS_C), jnp.int32),
        jax.ShapeDtypeStruct((ROWS_R, ROWS_C), jnp.int32),
        jax.ShapeDtypeStruct((ROWS_R, ROWS_C), jnp.int32),
    ],
)


def _sc_body(p_hbm, kb_hbm, lov_hbm, fr_hbm, out5, olab, omsk,
             pb0, kb0, lb0, pb1, kb1, lb1, cpx, ckk, cll,
             hi, lo, widx, rows4, rows5, lab_v, msk_v,
             semA, semB, semG):
    cid = lax.axis_index("c")
    sid = lax.axis_index("s")
    wid = sid * 2 + cid
    base = wid * PPT

    def initb(j, carry):
        hi[pl.ds(j * 16, 16)] = jnp.full((16,), INF_I32, jnp.int32)
        lo[pl.ds(j * 16, 16)] = jnp.full((16,), 0x7FFFFFFF, jnp.int32)
        return carry

    lax.fori_loop(0, PPT // 16, initb, 0)

    def start(ci, pb, kb, lb, sem):
        off = ci * CHUNK
        pltpu.async_copy(p_hbm.at[pl.ds(off, CHUNK)], pb, sem)
        pltpu.async_copy(kb_hbm.at[pl.ds(off, CHUNK)], kb, sem)
        pltpu.async_copy(lov_hbm.at[pl.ds(off, CHUNK)], lb, sem)

    def drain(ci, pb, kb, lb, sem):
        off = ci * CHUNK
        pltpu.make_async_copy(p_hbm.at[pl.ds(off, CHUNK)], pb, sem).wait()
        pltpu.make_async_copy(kb_hbm.at[pl.ds(off, CHUNK)], kb, sem).wait()
        pltpu.make_async_copy(lov_hbm.at[pl.ds(off, CHUNK)], lb, sem).wait()

    def process(pb, kb, lb):
        def cb(v, cnt):
            sl = pl.ds(v * 16, 16)
            pp = pb[sl]
            idx = pp - base
            m = (idx >= 0) & (idx < PPT)
            dst = pl.ds(cnt, 16)
            plsc.store_compressed(cpx.at[dst], idx, mask=m)
            plsc.store_compressed(ckk.at[dst], kb[sl], mask=m)
            plsc.store_compressed(cll.at[dst], lb[sl], mask=m)
            return cnt + jnp.sum(m.astype(jnp.int32))

        cnt = lax.fori_loop(0, CHUNK // 16, cb, 0)

        def vb(v, c2):
            sl = pl.ds(v * 16, 16)
            kk = ckk[sl]
            ll = cll[sl]
            idx = cpx[sl]
            m0 = (v * 16 + lax.iota(jnp.int32, 16)) < cnt
            idxs = jnp.where(m0, idx, 0)

            def attempt(_unused):
                h = plsc.load_gather(hi, [idxs], mask=m0)
                l = plsc.load_gather(lo, [idxs], mask=m0)
                win = m0 & ((kk < h) | ((kk == h) & (ll < l)))
                plsc.store_scatter(hi, [idxs], kk, mask=win)
                plsc.store_scatter(lo, [idxs], ll, mask=win)
                return win

            attempt(None)
            win2 = attempt(None)

            @pl.when(jnp.max(win2.astype(jnp.int32)) > 0)
            def _fixup():
                lax.fori_loop(0, 14, lambda t, c3: (attempt(None), c3)[1], 0)

            return c2

        lax.fori_loop(0, (cnt + 15) // 16, vb, 0)

    start(0, pb0, kb0, lb0, semA)

    def pairb(q, carry):
        ci0 = 2 * q

        @pl.when(ci0 + 1 < NCHUNK)
        def _s1():
            start(ci0 + 1, pb1, kb1, lb1, semB)

        drain(ci0, pb0, kb0, lb0, semA)
        process(pb0, kb0, lb0)

        @pl.when(ci0 + 2 < NCHUNK)
        def _s2():
            start(ci0 + 2, pb0, kb0, lb0, semA)

        @pl.when(ci0 + 1 < NCHUNK)
        def _p1():
            drain(ci0 + 1, pb1, kb1, lb1, semB)
            process(pb1, kb1, lb1)

        return carry

    lax.fori_loop(0, (NCHUNK + 1) // 2, pairb, 0)

    def resb(j, carry):
        h = hi[pl.ds(j * 16, 16)]
        l = lo[pl.ds(j * 16, 16)]
        empty = h == INF_I32
        w = jnp.where(empty, N, l >> 6)
        widx[j // 8, pl.ds((j % 8) * 16, 16)] = w
        rowv = j * 16 + lax.iota(jnp.int32, 16)
        dvec = jnp.where(empty, 0.0, plsc.bitcast(h, jnp.float32))
        plsc.store_scatter(rows5, [rowv, jnp.full((16,), 4, jnp.int32)], dvec)
        lab_v[pl.ds(j * 16, 16)] = jnp.where(empty, -1, (l >> 1) & 31)
        msk_v[pl.ds(j * 16, 16)] = jnp.where(empty, 0, l & 1)
        return carry

    lax.fori_loop(0, PPT // 16, resb, 0)

    for g in range(2):
        handles = [
            pltpu.async_copy(fr_hbm.at[widx.at[g * 16 + r]],
                             rows4.at[pl.ds((g * 16 + r) * 128, 128)], semG)
            for r in range(16)
        ]
        for h_ in handles:
            h_.wait()

    def sb(v, carry):
        e = v * 16 + lax.iota(jnp.int32, 16)
        r4 = e >> 2
        c4 = e & 3
        vals = plsc.load_gather(rows4, [r4, c4])
        plsc.store_scatter(rows5, [r4, c4], vals)
        return carry

    lax.fori_loop(0, PPT * 4 // 16, sb, 0)

    pltpu.sync_copy(rows5, out5.at[pl.ds(base, PPT)])
    pltpu.sync_copy(lab_v, olab.at[pl.ds(base, PPT)])
    pltpu.sync_copy(msk_v, omsk.at[pl.ds(base, PPT)])


_sc_resolve = pl.kernel(
    _sc_body,
    out_type=[
        jax.ShapeDtypeStruct((HW, 5), jnp.float32),
        jax.ShapeDtypeStruct((HW,), jnp.int32),
        jax.ShapeDtypeStruct((HW,), jnp.int32),
    ],
    mesh=plsc.VectorSubcoreMesh(core_axis_name="c", subcore_axis_name="s"),
    compiler_params=pltpu.CompilerParams(
        needs_layout_passes=False, use_tc_tiling_on_sc=False),
    scratch_types=[
        pltpu.VMEM((CHUNK,), jnp.int32),
        pltpu.VMEM((CHUNK,), jnp.int32),
        pltpu.VMEM((CHUNK,), jnp.int32),
        pltpu.VMEM((CHUNK,), jnp.int32),
        pltpu.VMEM((CHUNK,), jnp.int32),
        pltpu.VMEM((CHUNK,), jnp.int32),
        pltpu.VMEM((CHUNK + 16,), jnp.int32),
        pltpu.VMEM((CHUNK + 16,), jnp.int32),
        pltpu.VMEM((CHUNK + 16,), jnp.int32),
        pltpu.VMEM((PPT,), jnp.int32),
        pltpu.VMEM((PPT,), jnp.int32),
        pltpu.VMEM((32, 128), jnp.int32),
        pltpu.VMEM((PPT, 4), jnp.float32),
        pltpu.VMEM((PPT, 5), jnp.float32),
        pltpu.VMEM((PPT,), jnp.int32),
        pltpu.VMEM((PPT,), jnp.int32),
        pltpu.SemaphoreType.DMA,
        pltpu.SemaphoreType.DMA,
        pltpu.SemaphoreType.DMA,
    ],
)


def kernel(frame, label, mask):
    xs = frame[:, 0].reshape(ROWS_R, ROWS_C)
    ys = frame[:, 1].reshape(ROWS_R, ROWS_C)
    zs = frame[:, 2].reshape(ROWS_R, ROWS_C)
    labs = label.reshape(ROWS_R, ROWS_C)
    msks = mask.astype(jnp.int32).reshape(ROWS_R, ROWS_C)
    p, kb, lov = _tc_proj(xs, ys, zs, labs, msks)
    fr_pad = jnp.concatenate(
        [frame, jnp.zeros((8, 4), jnp.float32)], axis=0)
    out5, olab, omsk = _sc_resolve(
        p.reshape(N), kb.reshape(N), lov.reshape(N), fr_pad)
    frame_img = out5.reshape(NT, HW // NT, 5).swapaxes(0, 1).reshape(H, W, 5)
    label_img = olab.reshape(NT, HW // NT).swapaxes(0, 1).reshape(H, W)
    mask_img = (omsk.reshape(NT, HW // NT).swapaxes(0, 1)
                .reshape(H, W).astype(bool))
    return frame_img, label_img, mask_img

# --- scband reference (transcript-rebuilt; emitter-appended) ---
"""Pipeline reference for scband-projection-transform-49916109914336 (READ-ONLY COPY).

The authoritative reference and input builder live on the scoring server;
editing this copy changes nothing except your own understanding.
"""

import jax, jax.numpy as jnp
import numpy as np

H, W = 64, 2048
FOV_UP = 3.0 * np.pi / 180.0
FOV_DOWN = -25.0 * np.pi / 180.0
FOV = abs(FOV_DOWN) + abs(FOV_UP)


def get_xy_projections(scan_xyz, depth):
    yaw = -jnp.arctan2(scan_xyz[:, 1], scan_xyz[:, 0])
    pitch = jnp.arcsin(jnp.clip(scan_xyz[:, 2] / depth, -1.0, 1.0))
    proj_x = 0.5 * (yaw / jnp.pi + 1.0) * W
    proj_y = (1.0 - (pitch + abs(FOV_DOWN)) / FOV) * H
    proj_x = jnp.clip(jnp.floor(proj_x), 0, W - 1).astype(jnp.int32)
    proj_y = jnp.clip(jnp.floor(proj_y), 0, H - 1).astype(jnp.int32)
    return proj_x, proj_y


def setup_inputs(seed: int = 0):
    key = jax.random.key(seed)
    k1, k2, k3, k4 = jax.random.split(key, 4)
    N = 131072
    xyz = (jax.random.uniform(k1, (N, 3), dtype=jnp.float32) - 0.5) * 100.0
    refl = jax.random.uniform(k2, (N,), dtype=jnp.float32)
    frame = jnp.concatenate([xyz, refl[:, None]], axis=-1)
    label = jax.random.randint(k3, (N,), 0, 20, dtype=jnp.int32)
    mask = jax.random.randint(k4, (N,), 0, 2, dtype=jnp.int32) > 0
    return {"frame": frame, "label": label, "mask": mask}


def reference(frame, label, mask):
    scan_xyz = frame[:, :3]
    reflectance = frame[:, 3]
    depth = jnp.linalg.norm(scan_xyz, axis=1) + 1e-12
    proj_x, proj_y = get_xy_projections(scan_xyz, depth)
    # sort by depth descending so nearest points are written last (win conflicts)
    order = jnp.argsort(depth)[::-1]
    info_list = [scan_xyz,
                 reflectance[:, None],
                 depth[:, None],
                 mask.astype(jnp.float32)[:, None],
                 label.astype(jnp.float32)[:, None]]
    scan_info = jnp.concatenate(info_list, axis=-1)
    scan_info = scan_info[order]
    py = proj_y[order]
    px = proj_x[order]
    img = jnp.zeros((H, W, 7), dtype=jnp.float32)
    img = img.at[:, :, -1].add(-1.0)
    img = img.at[py, px].set(scan_info)
    frame_img = img[:, :, :-2]
    label_img = img[:, :, -1].astype(jnp.int32)
    mask_img = img[:, :, -2].astype(bool) & (label_img > -1)
    return frame_img, label_img, mask_img

if __name__ == "__main__":
    import jax
    _d = setup_inputs()
    print(jax.jit(kernel)(*tuple(_d.values())))

</pallas_src>

<mosaic_0001>
#map = affine_map<(d0, d1) -> (0)>
#map1 = affine_map<(d0, d1) -> (0, 0)>
module attributes {stable_mosaic.version = 14 : i64} {
  func.func @_sc_body(%arg0: i32, %arg1: i32, %arg2: memref<131072xi32, #tpu.memory_space<hbm>>, %arg3: memref<131072xi32, #tpu.memory_space<hbm>>, %arg4: memref<131072xi32, #tpu.memory_space<hbm>>, %arg5: memref<131080x4xf32, #tpu.memory_space<hbm>>, %arg6: memref<131072x5xf32, #tpu.memory_space<hbm>>, %arg7: memref<131072xi32, #tpu.memory_space<hbm>>, %arg8: memref<131072xi32, #tpu.memory_space<hbm>>, %arg9: memref<4096xi32, #tpu.memory_space<vmem>>, %arg10: memref<4096xi32, #tpu.memory_space<vmem>>, %arg11: memref<4096xi32, #tpu.memory_space<vmem>>, %arg12: memref<4096xi32, #tpu.memory_space<vmem>>, %arg13: memref<4096xi32, #tpu.memory_space<vmem>>, %arg14: memref<4096xi32, #tpu.memory_space<vmem>>, %arg15: memref<4112xi32, #tpu.memory_space<vmem>>, %arg16: memref<4112xi32, #tpu.memory_space<vmem>>, %arg17: memref<4112xi32, #tpu.memory_space<vmem>>, %arg18: memref<4096xi32, #tpu.memory_space<vmem>>, %arg19: memref<4096xi32, #tpu.memory_space<vmem>>, %arg20: memref<32x128xi32, #tpu.memory_space<vmem>>, %arg21: memref<4096x4xf32, #tpu.memory_space<vmem>>, %arg22: memref<4096x5xf32, #tpu.memory_space<vmem>>, %arg23: memref<4096xi32, #tpu.memory_space<vmem>>, %arg24: memref<4096xi32, #tpu.memory_space<vmem>>, %arg25: memref<!tpu.dma_semaphore, #tpu.memory_space<semaphore_mem>>, %arg26: memref<!tpu.dma_semaphore, #tpu.memory_space<semaphore_mem>>, %arg27: memref<!tpu.dma_semaphore, #tpu.memory_space<semaphore_mem>>) attributes {dimension_semantics = [#tpu.dimension_semantics<core_parallel>, #tpu.dimension_semantics<subcore_parallel>], iteration_bounds = array<i64: 2, 16>, scalar_prefetch = 0 : i64, scratch_operands = 19 : i64, tpu.core_type = #tpu.core_type<sc_vector_subcore>, window_params = [{transform_indices = #map}, {transform_indices = #map}, {transform_indices = #map}, {transform_indices = #map1}, {transform_indices = #map1}, {transform_indices = #map}, {transform_indices = #map}]} {
    %mul3A = arith.constant 2 : i32
    %mul3A_0 = arith.muli %arg1, %mul3A : i32
    %add3A = arith.addi %mul3A_0, %arg0 : i32
    %mul3A_1 = arith.constant 4096 : i32
    %mul3A_2 = arith.muli %add3A, %mul3A_1 : i32
    %scan3A = arith.constant 0 : i32
    %scan3A_3 = arith.constant 0 : i32
    %scan3A_4 = arith.constant 256 : i32
    %scan3A_5 = arith.addi %scan3A_3, %scan3A_4 : i32
    %scan3A_6 = arith.constant 1 : i32
    scf.for %scan3A_676 = %scan3A_3 to %scan3A_5 step %scan3A_6  : i32 {
      %broadcast_in_dim3A = arith.constant 2139095040 : i32
      %broadcast_in_dim3A_677 = vector.broadcast %broadcast_in_dim3A : i32 to vector<16xi32>
      %mul3A_678 = arith.constant 16 : i32
      %mul3A_679 = arith.muli %scan3A_676, %mul3A_678 : i32
      %swap3A = arith.index_cast %mul3A_679 : i32 to index
      %swap3A_680 = tpu.vector_load %arg18[%swap3A] {strides = array<i32>} : memref<4096xi32, #tpu.memory_space<vmem>>, vector<16xi32>,
      tpu.vector_store %arg18[%swap3A], %broadcast_in_dim3A_677 {strides = array<i32>} : memref<4096xi32, #tpu.memory_space<vmem>>, vector<16xi32>,
      %broadcast_in_dim3A_681 = arith.constant 2147483647 : i32
      %broadcast_in_dim3A_682 = vector.broadcast %broadcast_in_dim3A_681 : i32 to vector<16xi32>
      %mul3A_683 = arith.constant 16 : i32
      %mul3A_684 = arith.muli %scan3A_676, %mul3A_683 : i32
      %swap3A_685 = arith.index_cast %mul3A_684 : i32 to index
      %swap3A_686 = tpu.vector_load %arg19[%swap3A_685] {strides = array<i32>} : memref<4096xi32, #tpu.memory_space<vmem>>, vector<16xi32>,
      tpu.vector_store %arg19[%swap3A_685], %broadcast_in_dim3A_682 {strides = array<i32>} : memref<4096xi32, #tpu.memory_space<vmem>>, vector<16xi32>,
    }
    %scan3A_7 = arith.constant 256 : i32
    %dma_start3A = arith.constant 0 : i32
    %dma_start3A_8 = tpu.memref_slice %arg2[%dma_start3A] : memref<131072xi32, #tpu.memory_space<hbm>> -> memref<4096xi32, #tpu.memory_space<hbm>>
    %dma_start3A_9 = arith.constant 0 : i32
    %dma_start3A_10 = tpu.memref_slice %arg2[%dma_start3A_9] : memref<131072xi32, #tpu.memory_space<hbm>> -> memref<4096xi32, #tpu.memory_space<hbm>>
    tpu.enqueue_dma source(%dma_start3A_10 : memref<4096xi32, #tpu.memory_space<hbm>>) target(%arg9 : memref<4096xi32, #tpu.memory_space<vmem>>) target_semaphore(%arg25 : memref<!tpu.dma_semaphore, #tpu.memory_space<semaphore_mem>>)
    %dma_start3A_11 = arith.constant 0 : i32
    %dma_start3A_12 = tpu.memref_slice %arg3[%dma_start3A_11] : memref<131072xi32, #tpu.memory_space<hbm>> -> memref<4096xi32, #tpu.memory_space<hbm>>
    %dma_start3A_13 = arith.constant 0 : i32
    %dma_start3A_14 = tpu.memref_slice %arg3[%dma_start3A_13] : memref<131072xi32, #tpu.memory_space<hbm>> -> memref<4096xi32, #tpu.memory_space<hbm>>
    tpu.enqueue_dma source(%dma_start3A_14 : memref<4096xi32, #tpu.memory_space<hbm>>) target(%arg10 : memref<4096xi32, #tpu.memory_space<vmem>>) target_semaphore(%arg25 : memref<!tpu.dma_semaphore, #tpu.memory_space<semaphore_mem>>)
    %dma_start3A_15 = arith.constant 0 : i32
    %dma_start3A_16 = tpu.memref_slice %arg4[%dma_start3A_15] : memref<131072xi32, #tpu.memory_space<hbm>> -> memref<4096xi32, #tpu.memory_space<hbm>>
    %dma_start3A_17 = arith.constant 0 : i32
    %dma_start3A_18 = tpu.memref_slice %arg4[%dma_start3A_17] : memref<131072xi32, #tpu.memory_space<hbm>> -> memref<4096xi32, #tpu.memory_space<hbm>>
    tpu.enqueue_dma source(%dma_start3A_18 : memref<4096xi32, #tpu.memory_space<hbm>>) target(%arg11 : memref<4096xi32, #tpu.memory_space<vmem>>) target_semaphore(%arg25 : memref<!tpu.dma_semaphore, #tpu.memory_space<semaphore_mem>>)
    %scan3A_19 = arith.constant 0 : i32
    %scan3A_20 = arith.constant 0 : i32
    %scan3A_21 = arith.constant 16 : i32
    %scan3A_22 = arith.addi %scan3A_20, %scan3A_21 : i32
    %scan3A_23 = arith.constant 1 : i32
    scf.for %scan3A_676 = %scan3A_20 to %scan3A_22 step %scan3A_23  : i32 {
      %mul3A_677 = arith.constant 2 : i32
      %mul3A_678 = arith.muli %mul3A_677, %scan3A_676 : i32
      %add3A_679 = arith.constant 1 : i32
      %add3A_680 = arith.addi %mul3A_678, %add3A_679 : i32
      %lt3A = arith.constant 32 : i32
      %lt3A_681 = arith.cmpi slt, %add3A_680, %lt3A : i32
      %convert_element_type3A = arith.extui %lt3A_681 : i1 to i32
      %cond3A = arith.constant 0 : i32
      %cond3A_682 = arith.cmpi ne, %convert_element_type3A, %cond3A : i32
      scf.if %cond3A_682 {
        %add3A_739 = arith.constant 1 : i32
        %add3A_740 = arith.addi %mul3A_678, %add3A_739 : i32
        %mul3A_741 = arith.constant 4096 : i32
        %mul3A_742 = arith.muli %add3A_740, %mul3A_741 : i32
        %dma_start3A_743 = tpu.memref_slice %arg2[%mul3A_742] : memref<131072xi32, #tpu.memory_space<hbm>> -> memref<4096xi32, #tpu.memory_space<hbm>>
        %dma_start3A_744 = tpu.memref_slice %arg2[%mul3A_742] : memref<131072xi32, #tpu.memory_space<hbm>> -> memref<4096xi32, #tpu.memory_space<hbm>>
        tpu.enqueue_dma source(%dma_start3A_744 : memref<4096xi32, #tpu.memory_space<hbm>>) target(%arg12 : memref<4096xi32, #tpu.memory_space<vmem>>) target_semaphore(%arg26 : memref<!tpu.dma_semaphore, #tpu.memory_space<semaphore_mem>>)
        %dma_start3A_745 = tpu.memref_slice %arg3[%mul3A_742] : memref<131072xi32, #tpu.memory_space<hbm>> -> memref<4096xi32, #tpu.memory_space<hbm>>
        %dma_start3A_746 = tpu.memref_slice %arg3[%mul3A_742] : memref<131072xi32, #tpu.memory_space<hbm>> -> memref<4096xi32, #tpu.memory_space<hbm>>
        tpu.enqueue_dma source(%dma_start3A_746 : memref<4096xi32, #tpu.memory_space<hbm>>) target(%arg13 : memref<4096xi32, #tpu.memory_space<vmem>>) target_semaphore(%arg26 : memref<!tpu.dma_semaphore, #tpu.memory_space<semaphore_mem>>)
        %dma_start3A_747 = tpu.memref_slice %arg4[%mul3A_742] : memref<131072xi32, #tpu.memory_space<hbm>> -> memref<4096xi32, #tpu.memory_space<hbm>>
        %dma_start3A_748 = tpu.memref_slice %arg4[%mul3A_742] : memref<131072xi32, #tpu.memory_space<hbm>> -> memref<4096xi32, #tpu.memory_space<hbm>>
        tpu.enqueue_dma source(%dma_start3A_748 : memref<4096xi32, #tpu.memory_space<hbm>>) target(%arg14 : memref<4096xi32, #tpu.memory_space<vmem>>) target_semaphore(%arg26 : memref<!tpu.dma_semaphore, #tpu.memory_space<semaphore_mem>>)
      } else {
      }
      %mul3A_683 = arith.constant 4096 : i32
      %mul3A_684 = arith.muli %mul3A_678, %mul3A_683 : i32
      %dma_wait3A_685 = tpu.memref_slice %arg2[%mul3A_684] : memref<131072xi32, #tpu.memory_space<hbm>> -> memref<4096xi32, #tpu.memory_space<hbm>>
      %dma_wait3A_686 = tpu.memref_slice %arg2[%mul3A_684] : memref<131072xi32, #tpu.memory_space<hbm>> -> memref<4096xi32, #tpu.memory_space<hbm>>
      tpu.wait_dma2 semaphore(%arg25 : memref<!tpu.dma_semaphore, #tpu.memory_space<semaphore_mem>>) src(%dma_wait3A_686 : memref<4096xi32, #tpu.memory_space<hbm>>) dst(%arg9 : memref<4096xi32, #tpu.memory_space<vmem>>)
      %dma_wait3A_687 = tpu.memref_slice %arg3[%mul3A_684] : memref<131072xi32, #tpu.memory_space<hbm>> -> memref<4096xi32, #tpu.memory_space<hbm>>
      %dma_wait3A_688 = tpu.memref_slice %arg3[%mul3A_684] : memref<131072xi32, #tpu.memory_space<hbm>> -> memref<4096xi32, #tpu.memory_space<hbm>>
      tpu.wait_dma2 semaphore(%arg25 : memref<!tpu.dma_semaphore, #tpu.memory_space<semaphore_mem>>) src(%dma_wait3A_688 : memref<4096xi32, #tpu.memory_space<hbm>>) dst(%arg10 : memref<4096xi32, #tpu.memory_space<vmem>>)
      %dma_wait3A_689 = tpu.memref_slice %arg4[%mul3A_684] : memref<131072xi32, #tpu.memory_space<hbm>> -> memref<4096xi32, #tpu.memory_space<hbm>>
      %dma_wait3A_690 = tpu.memref_slice %arg4[%mul3A_684] : memref<131072xi32, #tpu.memory_space<hbm>> -> memref<4096xi32, #tpu.memory_space<hbm>>
      tpu.wait_dma2 semaphore(%arg25 : memref<!tpu.dma_semaphore, #tpu.memory_space<semaphore_mem>>) src(%dma_wait3A_690 : memref<4096xi32, #tpu.memory_space<hbm>>) dst(%arg11 : memref<4096xi32, #tpu.memory_space<vmem>>)
      %scan3A_691 = arith.constant 0 : i32
      %scan3A_692 = arith.constant 0 : i32
      %scan3A_693 = arith.constant 256 : i32
      %scan3A_694 = arith.addi %scan3A_692, %scan3A_693 : i32
      %scan3A_695 = arith.constant 1 : i32
      %scan3A_696 = scf.for %scan3A_739 = %scan3A_692 to %scan3A_694 step %scan3A_695 iter_args(%scan3A_740 = %scan3A_691) -> (i32)  : i32 {
        %mul3A_741 = arith.constant 16 : i32
        %mul3A_742 = arith.muli %scan3A_739, %mul3A_741 : i32
        %get3A = arith.index_cast %mul3A_742 : i32 to index
        %get3A_743 = tpu.vector_load %arg9[%get3A] {strides = array<i32>} : memref<4096xi32, #tpu.memory_space<vmem>>, vector<16xi32>,
        %sub3A_744 = vector.broadcast %mul3A_2 : i32 to vector<16xi32>
        %sub3A_745 = arith.subi %get3A_743, %sub3A_744 : vector<16xi32>
        %ge3A = arith.constant 0 : i32
        %ge3A_746 = vector.broadcast %ge3A : i32 to vector<16xi32>
        %ge3A_747 = arith.cmpi sge, %sub3A_745, %ge3A_746 : vector<16xi32>
        %lt3A_748 = arith.constant 4096 : i32
        %lt3A_749 = vector.broadcast %lt3A_748 : i32 to vector<16xi32>
        %lt3A_750 = arith.cmpi slt, %sub3A_745, %lt3A_749 : vector<16xi32>
        %and3A_751 = arith.andi %ge3A_747, %lt3A_750 : vector<16xi1>
        %swap3A = arith.index_cast %scan3A_740 : i32 to index
        %swap3A_752 = tpu.vector_load %arg15[%swap3A] masked %and3A_751 {strides = array<i32>} : memref<4112xi32, #tpu.memory_space<vmem>>, vector<16xi32>, vector<16xi1>
        tpu.vector_store %arg15[%swap3A], %sub3A_745 masked %and3A_751 {strides = array<i32>} : memref<4112xi32, #tpu.memory_space<vmem>>, vector<16xi32>, vector<16xi1>
        %get3A_753 = arith.index_cast %mul3A_742 : i32 to index
        %get3A_754 = tpu.vector_load %arg10[%get3A_753] {strides = array<i32>} : memref<4096xi32, #tpu.memory_space<vmem>>, vector<16xi32>,
        %swap3A_755 = arith.index_cast %scan3A_740 : i32 to index
        %swap3A_756 = tpu.vector_load %arg16[%swap3A_755] masked %and3A_751 {strides = array<i32>} : memref<4112xi32, #tpu.memory_space<vmem>>, vector<16xi32>, vector<16xi1>
        tpu.vector_store %arg16[%swap3A_755], %get3A_754 masked %and3A_751 {strides = array<i32>} : memref<4112xi32, #tpu.memory_space<vmem>>, vector<16xi32>, vector<16xi1>
        %get3A_757 = arith.index_cast %mul3A_742 : i32 to index
        %get3A_758 = tpu.vector_load %arg11[%get3A_757] {strides = array<i32>} : memref<4096xi32, #tpu.memory_space<vmem>>, vector<16xi32>,
        %swap3A_759 = arith.index_cast %scan3A_740 : i32 to index
        %swap3A_760 = tpu.vector_load %arg17[%swap3A_759] masked %and3A_751 {strides = array<i32>} : memref<4112xi32, #tpu.memory_space<vmem>>, vector<16xi32>, vector<16xi1>
        tpu.vector_store %arg17[%swap3A_759], %get3A_758 masked %and3A_751 {strides = array<i32>} : memref<4112xi32, #tpu.memory_space<vmem>>, vector<16xi32>, vector<16xi1>
        %convert_element_type3A_761 = arith.extui %and3A_751 : vector<16xi1> to vector<16xi32>
        %reduce_sum3A = arith.constant true
        %reduce_sum3A_762 = vector.broadcast %reduce_sum3A : i1 to vector<16xi1>
        %reduce_sum3A_763 = tpu.scan <sum>, %convert_element_type3A_761 masked %reduce_sum3A_762 : vector<16xi32>, vector<16xi1> -> vector<16xi32>
        %reduce_sum3A_764 = vector.extract %reduce_sum3A_763[15] : i32 from vector<16xi32>
        %add3A_765 = arith.addi %scan3A_740, %reduce_sum3A_764 : i32
        scf.yield %add3A_765 : i32
      }
      %scan3A_697 = arith.constant 256 : i32
      %add3A_698 = arith.constant 15 : i32
      %add3A_699 = arith.addi %scan3A_696, %add3A_698 : i32
      %jit3A = arith.constant 16 : i32
      %div3A = arith.divsi %add3A_699, %jit3A : i32
      %sign3A = arith.constant 0 : i32
      %sign3A_700 = arith.cmpi sgt, %add3A_699, %sign3A : i32
      %sign3A_701 = arith.extui %sign3A_700 : i1 to i32
      %sign3A_702 = arith.constant 0 : i32
      %sign3A_703 = arith.cmpi slt, %add3A_699, %sign3A_702 : i32
      %sign3A_704 = arith.extui %sign3A_703 : i1 to i32
      %sign3A_705 = arith.subi %sign3A_701, %sign3A_704 : i32
      %sign3A_706 = arith.constant 0 : i32
      %sign3A_707 = arith.cmpi sgt, %jit3A, %sign3A_706 : i32
      %sign3A_708 = arith.extui %sign3A_707 : i1 to i32
      %sign3A_709 = arith.constant 0 : i32
      %sign3A_710 = arith.cmpi slt, %jit3A, %sign3A_709 : i32
      %sign3A_711 = arith.extui %sign3A_710 : i1 to i32
      %sign3A_712 = arith.subi %sign3A_708, %sign3A_711 : i32
      %ne3A = arith.cmpi ne, %sign3A_705, %sign3A_712 : i32
      %rem3A = arith.remsi %add3A_699, %jit3A : i32
      %ne3A_713 = arith.constant 0 : i32
      %ne3A_714 = arith.cmpi ne, %rem3A, %ne3A_713 : i32
      %and3A = arith.andi %ne3A, %ne3A_714 : i1
      %sub3A = arith.constant 1 : i32
      %sub3A_715 = arith.subi %div3A, %sub3A : i32
      %select_n3A = arith.select %and3A, %sub3A_715, %div3A : i32
      %while3A = arith.constant 0 : i32
      %while3A_716 = arith.constant 0 : i32
      %while3A_717 = arith.subi %select_n3A, %while3A_716 : i32
      %while3A_718 = arith.addi %while3A_716, %while3A_717 : i32
      %while3A_719 = arith.constant 1 : i32
      %while3A_720 = arith.divsi %while3A_717, %while3A_719 : i32
      %while3A_721 = arith.muli %while3A_720, %while3A_719 : i32
      %while3A_722 = arith.addi %while3A_716, %while3A_721 : i32
      %while3A_723 = arith.constant 1 : i32
      scf.for %while3A_739 = %while3A_716 to %while3A_722 step %while3A_723  : i32 {
        %mul3A_740 = arith.constant 16 : i32
        %mul3A_741 = arith.muli %while3A_739, %mul3A_740 : i32
        %get3A = arith.index_cast %mul3A_741 : i32 to index
        %get3A_742 = tpu.vector_load %arg16[%get3A] {strides = array<i32>} : memref<4112xi32, #tpu.memory_space<vmem>>, vector<16xi32>,
        %get3A_743 = arith.index_cast %mul3A_741 : i32 to index
        %get3A_744 = tpu.vector_load %arg17[%get3A_743] {strides = array<i32>} : memref<4112xi32, #tpu.memory_space<vmem>>, vector<16xi32>,
        %get3A_745 = arith.index_cast %mul3A_741 : i32 to index
        %get3A_746 = tpu.vector_load %arg15[%get3A_745] {strides = array<i32>} : memref<4112xi32, #tpu.memory_space<vmem>>, vector<16xi32>,
        %mul3A_747 = arith.constant 16 : i32
        %mul3A_748 = arith.muli %while3A_739, %mul3A_747 : i32
        %iota3A = tpu.iota {dimensions = array<i32: 0>} : vector<16xi32>
        %add3A_749 = vector.broadcast %mul3A_748 : i32 to vector<16xi32>
        %add3A_750 = arith.addi %add3A_749, %iota3A : vector<16xi32>
        %lt3A_751 = vector.broadcast %scan3A_696 : i32 to vector<16xi32>
        %lt3A_752 = arith.cmpi slt, %add3A_750, %lt3A_751 : vector<16xi32>
        %jit3A_753 = arith.constant 0 : i32
        %broadcast_in_dim3A = vector.broadcast %jit3A_753 : i32 to vector<16xi32>
        %select_n3A_754 = arith.select %lt3A_752, %get3A_746, %broadcast_in_dim3A : vector<16xi1>, vector<16xi32>
        %gather3A = tpu.vector_load_idx %arg18[%select_n3A_754] masked %lt3A_752 : memref<4096xi32, #tpu.memory_space<vmem>>[vector<16xi32>], vector<16xi32>, vector<16xi1>
        %gather3A_755 = tpu.vector_load_idx %arg19[%select_n3A_754] masked %lt3A_752 : memref<4096xi32, #tpu.memory_space<vmem>>[vector<16xi32>], vector<16xi32>, vector<16xi1>
        %lt3A_756 = arith.cmpi slt, %get3A_742, %gather3A : vector<16xi32>
        %eq3A = arith.cmpi eq, %get3A_742, %gather3A : vector<16xi32>
        %lt3A_757 = arith.cmpi slt, %get3A_744, %gather3A_755 : vector<16xi32>
        %and3A_758 = arith.andi %eq3A, %lt3A_757 : vector<16xi1>
        %or3A = arith.ori %lt3A_756, %and3A_758 : vector<16xi1>
        %and3A_759 = arith.andi %lt3A_752, %or3A : vector<16xi1>
        tpu.vector_store_idx %arg18[%select_n3A_754], %get3A_742 masked %and3A_759 : memref<4096xi32, #tpu.memory_space<vmem>>[vector<16xi32>], vector<16xi32>, vector<16xi1>
        tpu.vector_store_idx %arg19[%select_n3A_754], %get3A_744 masked %and3A_759 : memref<4096xi32, #tpu.memory_space<vmem>>[vector<16xi32>], vector<16xi32>, vector<16xi1>
        %gather3A_760 = tpu.vector_load_idx %arg18[%select_n3A_754] masked %lt3A_752 : memref<4096xi32, #tpu.memory_space<vmem>>[vector<16xi32>], vector<16xi32>, vector<16xi1>
        %gather3A_761 = tpu.vector_load_idx %arg19[%select_n3A_754] masked %lt3A_752 : memref<4096xi32, #tpu.memory_space<vmem>>[vector<16xi32>], vector<16xi32>, vector<16xi1>
        %lt3A_762 = arith.cmpi slt, %get3A_742, %gather3A_760 : vector<16xi32>
        %eq3A_763 = arith.cmpi eq, %get3A_742, %gather3A_760 : vector<16xi32>
        %lt3A_764 = arith.cmpi slt, %get3A_744, %gather3A_761 : vector<16xi32>
        %and3A_765 = arith.andi %eq3A_763, %lt3A_764 : vector<16xi1>
        %or3A_766 = arith.ori %lt3A_762, %and3A_765 : vector<16xi1>
        %and3A_767 = arith.andi %lt3A_752, %or3A_766 : vector<16xi1>
        tpu.vector_store_idx %arg18[%select_n3A_754], %get3A_742 masked %and3A_767 : memref<4096xi32, #tpu.memory_space<vmem>>[vector<16xi32>], vector<16xi32>, vector<16xi1>
        tpu.vector_store_idx %arg19[%select_n3A_754], %get3A_744 masked %and3A_767 : memref<4096xi32, #tpu.memory_space<vmem>>[vector<16xi32>], vector<16xi32>, vector<16xi1>
        %convert_element_type3A_768 = arith.extui %and3A_767 : vector<16xi1> to vector<16xi32>
        %reduce_max3A = arith.constant true
        %reduce_max3A_769 = vector.broadcast %reduce_max3A : i1 to vector<16xi1>
        %reduce_max3A_770 = arith.constant -2147483648 : i32
        %reduce_max3A_771 = vector.broadcast %reduce_max3A_770 : i32 to vector<16xi32>
        %reduce_max3A_772 = arith.xori %convert_element_type3A_768, %reduce_max3A_771 : vector<16xi32>
        %reduce_max3A_773 = tpu.scan <max>, %reduce_max3A_772 masked %reduce_max3A_769 : vector<16xi32>, vector<16xi1> -> vector<16xi32>
        %reduce_max3A_774 = arith.xori %reduce_max3A_773, %reduce_max3A_771 : vector<16xi32>
        %reduce_max3A_775 = vector.extract %reduce_max3A_774[15] : i32 from vector<16xi32>
        %gt3A = arith.constant 0 : i32
        %gt3A_776 = arith.cmpi sgt, %reduce_max3A_775, %gt3A : i32
        %convert_element_type3A_777 = arith.extui %gt3A_776 : i1 to i32
        %cond3A_778 = arith.constant 0 : i32
        %cond3A_779 = arith.cmpi ne, %convert_element_type3A_777, %cond3A_778 : i32
        scf.if %cond3A_779 {
          %scan3A_780 = arith.constant 0 : i32
          %scan3A_781 = arith.constant 0 : i32
          %scan3A_782 = arith.constant 14 : i32
          %scan3A_783 = arith.addi %scan3A_781, %scan3A_782 : i32
          %scan3A_784 = arith.constant 1 : i32
          scf.for %scan3A_786 = %scan3A_781 to %scan3A_783 step %scan3A_784  : i32 {
            %gather3A_787 = tpu.vector_load_idx %arg18[%select_n3A_754] masked %lt3A_752 : memref<4096xi32, #tpu.memory_space<vmem>>[vector<16xi32>], vector<16xi32>, vector<16xi1>
            %gather3A_788 = tpu.vector_load_idx %arg19[%select_n3A_754] masked %lt3A_752 : memref<4096xi32, #tpu.memory_space<vmem>>[vector<16xi32>], vector<16xi32>, vector<16xi1>
            %lt3A_789 = arith.cmpi slt, %get3A_742, %gather3A_787 : vector<16xi32>
            %eq3A_790 = arith.cmpi eq, %get3A_742, %gather3A_787 : vector<16xi32>
            %lt3A_791 = arith.cmpi slt, %get3A_744, %gather3A_788 : vector<16xi32>
            %and3A_792 = arith.andi %eq3A_790, %lt3A_791 : vector<16xi1>
            %or3A_793 = arith.ori %lt3A_789, %and3A_792 : vector<16xi1>
            %and3A_794 = arith.andi %lt3A_752, %or3A_793 : vector<16xi1>
            tpu.vector_store_idx %arg18[%select_n3A_754], %get3A_742 masked %and3A_794 : memref<4096xi32, #tpu.memory_space<vmem>>[vector<16xi32>], vector<16xi32>, vector<16xi1>
            tpu.vector_store_idx %arg19[%select_n3A_754], %get3A_744 masked %and3A_794 : memref<4096xi32, #tpu.memory_space<vmem>>[vector<16xi32>], vector<16xi32>, vector<16xi1>
          }
          %scan3A_785 = arith.constant 14 : i32
        } else {
        }
      }
      %while3A_724 = arith.constant 1 : i32
      scf.for %while3A_739 = %while3A_722 to %while3A_718 step %while3A_724  : i32 {
        %mul3A_740 = arith.constant 16 : i32
        %mul3A_741 = arith.muli %while3A_739, %mul3A_740 : i32
        %get3A = arith.index_cast %mul3A_741 : i32 to index
        %get3A_742 = tpu.vector_load %arg16[%get3A] {strides = array<i32>} : memref<4112xi32, #tpu.memory_space<vmem>>, vector<16xi32>,
        %get3A_743 = arith.index_cast %mul3A_741 : i32 to index
        %get3A_744 = tpu.vector_load %arg17[%get3A_743] {strides = array<i32>} : memref<4112xi32, #tpu.memory_space<vmem>>, vector<16xi32>,
        %get3A_745 = arith.index_cast %mul3A_741 : i32 to index
        %get3A_746 = tpu.vector_load %arg15[%get3A_745] {strides = array<i32>} : memref<4112xi32, #tpu.memory_space<vmem>>, vector<16xi32>,
        %mul3A_747 = arith.constant 16 : i32
        %mul3A_748 = arith.muli %while3A_739, %mul3A_747 : i32
        %iota3A = tpu.iota {dimensions = array<i32: 0>} : vector<16xi32>
        %add3A_749 = vector.broadcast %mul3A_748 : i32 to vector<16xi32>
        %add3A_750 = arith.addi %add3A_749, %iota3A : vector<16xi32>
        %lt3A_751 = vector.broadcast %scan3A_696 : i32 to vector<16xi32>
        %lt3A_752 = arith.cmpi slt, %add3A_750, %lt3A_751 : vector<16xi32>
        %jit3A_753 = arith.constant 0 : i32
        %broadcast_in_dim3A = vector.broadcast %jit3A_753 : i32 to vector<16xi32>
        %select_n3A_754 = arith.select %lt3A_752, %get3A_746, %broadcast_in_dim3A : vector<16xi1>, vector<16xi32>
        %gather3A = tpu.vector_load_idx %arg18[%select_n3A_754] masked %lt3A_752 : memref<4096xi32, #tpu.memory_space<vmem>>[vector<16xi32>], vector<16xi32>, vector<16xi1>
        %gather3A_755 = tpu.vector_load_idx %arg19[%select_n3A_754] masked %lt3A_752 : memref<4096xi32, #tpu.memory_space<vmem>>[vector<16xi32>], vector<16xi32>, vector<16xi1>
        %lt3A_756 = arith.cmpi slt, %get3A_742, %gather3A : vector<16xi32>
        %eq3A = arith.cmpi eq, %get3A_742, %gather3A : vector<16xi32>
        %lt3A_757 = arith.cmpi slt, %get3A_744, %gather3A_755 : vector<16xi32>
        %and3A_758 = arith.andi %eq3A, %lt3A_757 : vector<16xi1>
        %or3A = arith.ori %lt3A_756, %and3A_758 : vector<16xi1>
        %and3A_759 = arith.andi %lt3A_752, %or3A : vector<16xi1>
        tpu.vector_store_idx %arg18[%select_n3A_754], %get3A_742 masked %and3A_759 : memref<4096xi32, #tpu.memory_space<vmem>>[vector<16xi32>], vector<16xi32>, vector<16xi1>
        tpu.vector_store_idx %arg19[%select_n3A_754], %get3A_744 masked %and3A_759 : memref<4096xi32, #tpu.memory_space<vmem>>[vector<16xi32>], vector<16xi32>, vector<16xi1>
        %gather3A_760 = tpu.vector_load_idx %arg18[%select_n3A_754] masked %lt3A_752 : memref<4096xi32, #tpu.memory_space<vmem>>[vector<16xi32>], vector<16xi32>, vector<16xi1>
        %gather3A_761 = tpu.vector_load_idx %arg19[%select_n3A_754] masked %lt3A_752 : memref<4096xi32, #tpu.memory_space<vmem>>[vector<16xi32>], vector<16xi32>, vector<16xi1>
        %lt3A_762 = arith.cmpi slt, %get3A_742, %gather3A_760 : vector<16xi32>
        %eq3A_763 = arith.cmpi eq, %get3A_742, %gather3A_760 : vector<16xi32>
        %lt3A_764 = arith.cmpi slt, %get3A_744, %gather3A_761 : vector<16xi32>
        %and3A_765 = arith.andi %eq3A_763, %lt3A_764 : vector<16xi1>
        %or3A_766 = arith.ori %lt3A_762, %and3A_765 : vector<16xi1>
        %and3A_767 = arith.andi %lt3A_752, %or3A_766 : vector<16xi1>
        tpu.vector_store_idx %arg18[%select_n3A_754], %get3A_742 masked %and3A_767 : memref<4096xi32, #tpu.memory_space<vmem>>[vector<16xi32>], vector<16xi32>, vector<16xi1>
        tpu.vector_store_idx %arg19[%select_n3A_754], %get3A_744 masked %and3A_767 : memref<4096xi32, #tpu.memory_space<vmem>>[vector<16xi32>], vector<16xi32>, vector<16xi1>
        %convert_element_type3A_768 = arith.extui %and3A_767 : vector<16xi1> to vector<16xi32>
        %reduce_max3A = arith.constant true
        %reduce_max3A_769 = vector.broadcast %reduce_max3A : i1 to vector<16xi1>
        %reduce_max3A_770 = arith.constant -2147483648 : i32
        %reduce_max3A_771 = vector.broadcast %reduce_max3A_770 : i32 to vector<16xi32>
        %reduce_max3A_772 = arith.xori %convert_element_type3A_768, %reduce_max3A_771 : vector<16xi32>
        %reduce_max3A_773 = tpu.scan <max>, %reduce_max3A_772 masked %reduce_max3A_769 : vector<16xi32>, vector<16xi1> -> vector<16xi32>
        %reduce_max3A_774 = arith.xori %reduce_max3A_773, %reduce_max3A_771 : vector<16xi32>
        %reduce_max3A_775 = vector.extract %reduce_max3A_774[15] : i32 from vector<16xi32>
        %gt3A = arith.constant 0 : i32
        %gt3A_776 = arith.cmpi sgt, %reduce_max3A_775, %gt3A : i32
        %convert_element_type3A_777 = arith.extui %gt3A_776 : i1 to i32
        %cond3A_778 = arith.constant 0 : i32
        %cond3A_779 = arith.cmpi ne, %convert_element_type3A_777, %cond3A_778 : i32
        scf.if %cond3A_779 {
          %scan3A_780 = arith.constant 0 : i32
          %scan3A_781 = arith.constant 0 : i32
          %scan3A_782 = arith.constant 14 : i32
          %scan3A_783 = arith.addi %scan3A_781, %scan3A_782 : i32
          %scan3A_784 = arith.constant 1 : i32
          scf.for %scan3A_786 = %scan3A_781 to %scan3A_783 step %scan3A_784  : i32 {
            %gather3A_787 = tpu.vector_load_idx %arg18[%select_n3A_754] masked %lt3A_752 : memref<4096xi32, #tpu.memory_space<vmem>>[vector<16xi32>], vector<16xi32>, vector<16xi1>
            %gather3A_788 = tpu.vector_load_idx %arg19[%select_n3A_754] masked %lt3A_752 : memref<4096xi32, #tpu.memory_space<vmem>>[vector<16xi32>], vector<16xi32>, vector<16xi1>
            %lt3A_789 = arith.cmpi slt, %get3A_742, %gather3A_787 : vector<16xi32>
            %eq3A_790 = arith.cmpi eq, %get3A_742, %gather3A_787 : vector<16xi32>
            %lt3A_791 = arith.cmpi slt, %get3A_744, %gather3A_788 : vector<16xi32>
            %and3A_792 = arith.andi %eq3A_790, %lt3A_791 : vector<16xi1>
            %or3A_793 = arith.ori %lt3A_789, %and3A_792 : vector<16xi1>
            %and3A_794 = arith.andi %lt3A_752, %or3A_793 : vector<16xi1>
            tpu.vector_store_idx %arg18[%select_n3A_754], %get3A_742 masked %and3A_794 : memref<4096xi32, #tpu.memory_space<vmem>>[vector<16xi32>], vector<16xi32>, vector<16xi1>
            tpu.vector_store_idx %arg19[%select_n3A_754], %get3A_744 masked %and3A_794 : memref<4096xi32, #tpu.memory_space<vmem>>[vector<16xi32>], vector<16xi32>, vector<16xi1>
          }
          %scan3A_785 = arith.constant 14 : i32
        } else {
        }
      }
      %add3A_725 = arith.constant 2 : i32
      %add3A_726 = arith.addi %mul3A_678, %add3A_725 : i32
      %lt3A_727 = arith.constant 32 : i32
      %lt3A_728 = arith.cmpi slt, %add3A_726, %lt3A_727 : i32
      %convert_element_type3A_729 = arith.extui %lt3A_728 : i1 to i32
      %cond3A_730 = arith.constant 0 : i32
      %cond3A_731 = arith.cmpi ne, %convert_element_type3A_729, %cond3A_730 : i32
      scf.if %cond3A_731 {
        %add3A_739 = arith.constant 2 : i32
        %add3A_740 = arith.addi %mul3A_678, %add3A_739 : i32
        %mul3A_741 = arith.constant 4096 : i32
        %mul3A_742 = arith.muli %add3A_740, %mul3A_741 : i32
        %dma_start3A_743 = tpu.memref_slice %arg2[%mul3A_742] : memref<131072xi32, #tpu.memory_space<hbm>> -> memref<4096xi32, #tpu.memory_space<hbm>>
        %dma_start3A_744 = tpu.memref_slice %arg2[%mul3A_742] : memref<131072xi32, #tpu.memory_space<hbm>> -> memref<4096xi32, #tpu.memory_space<hbm>>
        tpu.enqueue_dma source(%dma_start3A_744 : memref<4096xi32, #tpu.memory_space<hbm>>) target(%arg9 : memref<4096xi32, #tpu.memory_space<vmem>>) target_semaphore(%arg25 : memref<!tpu.dma_semaphore, #tpu.memory_space<semaphore_mem>>)
        %dma_start3A_745 = tpu.memref_slice %arg3[%mul3A_742] : memref<131072xi32, #tpu.memory_space<hbm>> -> memref<4096xi32, #tpu.memory_space<hbm>>
        %dma_start3A_746 = tpu.memref_slice %arg3[%mul3A_742] : memref<131072xi32, #tpu.memory_space<hbm>> -> memref<4096xi32, #tpu.memory_space<hbm>>
        tpu.enqueue_dma source(%dma_start3A_746 : memref<4096xi32, #tpu.memory_space<hbm>>) target(%arg10 : memref<4096xi32, #tpu.memory_space<vmem>>) target_semaphore(%arg25 : memref<!tpu.dma_semaphore, #tpu.memory_space<semaphore_mem>>)
        %dma_start3A_747 = tpu.memref_slice %arg4[%mul3A_742] : memref<131072xi32, #tpu.memory_space<hbm>> -> memref<4096xi32, #tpu.memory_space<hbm>>
        %dma_start3A_748 = tpu.memref_slice %arg4[%mul3A_742] : memref<131072xi32, #tpu.memory_space<hbm>> -> memref<4096xi32, #tpu.memory_space<hbm>>
        tpu.enqueue_dma source(%dma_start3A_748 : memref<4096xi32, #tpu.memory_space<hbm>>) target(%arg11 : memref<4096xi32, #tpu.memory_space<vmem>>) target_semaphore(%arg25 : memref<!tpu.dma_semaphore, #tpu.memory_space<semaphore_mem>>)
      } else {
      }
      %add3A_732 = arith.constant 1 : i32
      %add3A_733 = arith.addi %mul3A_678, %add3A_732 : i32
      %lt3A_734 = arith.constant 32 : i32
      %lt3A_735 = arith.cmpi slt, %add3A_733, %lt3A_734 : i32
      %convert_element_type3A_736 = arith.extui %lt3A_735 : i1 to i32
      %cond3A_737 = arith.constant 0 : i32
      %cond3A_738 = arith.cmpi ne, %convert_element_type3A_736, %cond3A_737 : i32
      scf.if %cond3A_738 {
        %add3A_739 = arith.constant 1 : i32
        %add3A_740 = arith.addi %mul3A_678, %add3A_739 : i32
        %mul3A_741 = arith.constant 4096 : i32
        %mul3A_742 = arith.muli %add3A_740, %mul3A_741 : i32
        %dma_wait3A_743 = tpu.memref_slice %arg2[%mul3A_742] : memref<131072xi32, #tpu.memory_space<hbm>> -> memref<4096xi32, #tpu.memory_space<hbm>>
        %dma_wait3A_744 = tpu.memref_slice %arg2[%mul3A_742] : memref<131072xi32, #tpu.memory_space<hbm>> -> memref<4096xi32, #tpu.memory_space<hbm>>
        tpu.wait_dma2 semaphore(%arg26 : memref<!tpu.dma_semaphore, #tpu.memory_space<semaphore_mem>>) src(%dma_wait3A_744 : memref<4096xi32, #tpu.memory_space<hbm>>) dst(%arg12 : memref<4096xi32, #tpu.memory_space<vmem>>)
        %dma_wait3A_745 = tpu.memref_slice %arg3[%mul3A_742] : memref<131072xi32, #tpu.memory_space<hbm>> -> memref<4096xi32, #tpu.memory_space<hbm>>
        %dma_wait3A_746 = tpu.memref_slice %arg3[%mul3A_742] : memref<131072xi32, #tpu.memory_space<hbm>> -> memref<4096xi32, #tpu.memory_space<hbm>>
        tpu.wait_dma2 semaphore(%arg26 : memref<!tpu.dma_semaphore, #tpu.memory_space<semaphore_mem>>) src(%dma_wait3A_746 : memref<4096xi32, #tpu.memory_space<hbm>>) dst(%arg13 : memref<4096xi32, #tpu.memory_space<vmem>>)
        %dma_wait3A_747 = tpu.memref_slice %arg4[%mul3A_742] : memref<131072xi32, #tpu.memory_space<hbm>> -> memref<4096xi32, #tpu.memory_space<hbm>>
        %dma_wait3A_748 = tpu.memref_slice %arg4[%mul3A_742] : memref<131072xi32, #tpu.memory_space<hbm>> -> memref<4096xi32, #tpu.memory_space<hbm>>
        tpu.wait_dma2 semaphore(%arg26 : memref<!tpu.dma_semaphore, #tpu.memory_space<semaphore_mem>>) src(%dma_wait3A_748 : memref<4096xi32, #tpu.memory_space<hbm>>) dst(%arg14 : memref<4096xi32, #tpu.memory_space<vmem>>)
        %scan3A_749 = arith.constant 0 : i32
        %scan3A_750 = arith.constant 0 : i32
        %scan3A_751 = arith.constant 256 : i32
        %scan3A_752 = arith.addi %scan3A_750, %scan3A_751 : i32
        %scan3A_753 = arith.constant 1 : i32
        %scan3A_754 = scf.for %scan3A_792 = %scan3A_750 to %scan3A_752 step %scan3A_753 iter_args(%scan3A_793 = %scan3A_749) -> (i32)  : i32 {
          %mul3A_794 = arith.constant 16 : i32
          %mul3A_795 = arith.muli %scan3A_792, %mul3A_794 : i32
          %get3A = arith.index_cast %mul3A_795 : i32 to index
          %get3A_796 = tpu.vector_load %arg12[%get3A] {strides = array<i32>} : memref<4096xi32, #tpu.memory_space<vmem>>, vector<16xi32>,
          %sub3A_797 = vector.broadcast %mul3A_2 : i32 to vector<16xi32>
          %sub3A_798 = arith.subi %get3A_796, %sub3A_797 : vector<16xi32>
          %ge3A = arith.constant 0 : i32
          %ge3A_799 = vector.broadcast %ge3A : i32 to vector<16xi32>
          %ge3A_800 = arith.cmpi sge, %sub3A_798, %ge3A_799 : vector<16xi32>
          %lt3A_801 = arith.constant 4096 : i32
          %lt3A_802 = vector.broadcast %lt3A_801 : i32 to vector<16xi32>
          %lt3A_803 = arith.cmpi slt, %sub3A_798, %lt3A_802 : vector<16xi32>
          %and3A_804 = arith.andi %ge3A_800, %lt3A_803 : vector<16xi1>
          %swap3A = arith.index_cast %scan3A_793 : i32 to index
          %swap3A_805 = tpu.vector_load %arg15[%swap3A] masked %and3A_804 {strides = array<i32>} : memref<4112xi32, #tpu.memory_space<vmem>>, vector<16xi32>, vector<16xi1>
          tpu.vector_store %arg15[%swap3A], %sub3A_798 masked %and3A_804 {strides = array<i32>} : memref<4112xi32, #tpu.memory_space<vmem>>, vector<16xi32>, vector<16xi1>
          %get3A_806 = arith.index_cast %mul3A_795 : i32 to index
          %get3A_807 = tpu.vector_load %arg13[%get3A_806] {strides = array<i32>} : memref<4096xi32, #tpu.memory_space<vmem>>, vector<16xi32>,
          %swap3A_808 = arith.index_cast %scan3A_793 : i32 to index
          %swap3A_809 = tpu.vector_load %arg16[%swap3A_808] masked %and3A_804 {strides = array<i32>} : memref<4112xi32, #tpu.memory_space<vmem>>, vector<16xi32>, vector<16xi1>
          tpu.vector_store %arg16[%swap3A_808], %get3A_807 masked %and3A_804 {strides = array<i32>} : memref<4112xi32, #tpu.memory_space<vmem>>, vector<16xi32>, vector<16xi1>
          %get3A_810 = arith.index_cast %mul3A_795 : i32 to index
          %get3A_811 = tpu.vector_load %arg14[%get3A_810] {strides = array<i32>} : memref<4096xi32, #tpu.memory_space<vmem>>, vector<16xi32>,
          %swap3A_812 = arith.index_cast %scan3A_793 : i32 to index
          %swap3A_813 = tpu.vector_load %arg17[%swap3A_812] masked %and3A_804 {strides = array<i32>} : memref<4112xi32, #tpu.memory_space<vmem>>, vector<16xi32>, vector<16xi1>
          tpu.vector_store %arg17[%swap3A_812], %get3A_811 masked %and3A_804 {strides = array<i32>} : memref<4112xi32, #tpu.memory_space<vmem>>, vector<16xi32>, vector<16xi1>
          %convert_element_type3A_814 = arith.extui %and3A_804 : vector<16xi1> to vector<16xi32>
          %reduce_sum3A = arith.constant true
          %reduce_sum3A_815 = vector.broadcast %reduce_sum3A : i1 to vector<16xi1>
          %reduce_sum3A_816 = tpu.scan <sum>, %convert_element_type3A_814 masked %reduce_sum3A_815 : vector<16xi32>, vector<16xi1> -> vector<16xi32>
          %reduce_sum3A_817 = vector.extract %reduce_sum3A_816[15] : i32 from vector<16xi32>
          %add3A_818 = arith.addi %scan3A_793, %reduce_sum3A_817 : i32
          scf.yield %add3A_818 : i32
        }
        %scan3A_755 = arith.constant 256 : i32
        %add3A_756 = arith.constant 15 : i32
        %add3A_757 = arith.addi %scan3A_754, %add3A_756 : i32
        %jit3A_758 = arith.constant 16 : i32
        %div3A_759 = arith.divsi %add3A_757, %jit3A_758 : i32
        %sign3A_760 = arith.constant 0 : i32
        %sign3A_761 = arith.cmpi sgt, %add3A_757, %sign3A_760 : i32
        %sign3A_762 = arith.extui %sign3A_761 : i1 to i32
        %sign3A_763 = arith.constant 0 : i32
        %sign3A_764 = arith.cmpi slt, %add3A_757, %sign3A_763 : i32
        %sign3A_765 = arith.extui %sign3A_764 : i1 to i32
        %sign3A_766 = arith.subi %sign3A_762, %sign3A_765 : i32
        %sign3A_767 = arith.constant 0 : i32
        %sign3A_768 = arith.cmpi sgt, %jit3A_758, %sign3A_767 : i32
        %sign3A_769 = arith.extui %sign3A_768 : i1 to i32
        %sign3A_770 = arith.constant 0 : i32
        %sign3A_771 = arith.cmpi slt, %jit3A_758, %sign3A_770 : i32
        %sign3A_772 = arith.extui %sign3A_771 : i1 to i32
        %sign3A_773 = arith.subi %sign3A_769, %sign3A_772 : i32
        %ne3A_774 = arith.cmpi ne, %sign3A_766, %sign3A_773 : i32
        %rem3A_775 = arith.remsi %add3A_757, %jit3A_758 : i32
        %ne3A_776 = arith.constant 0 : i32
        %ne3A_777 = arith.cmpi ne, %rem3A_775, %ne3A_776 : i32
        %and3A_778 = arith.andi %ne3A_774, %ne3A_777 : i1
        %sub3A_779 = arith.constant 1 : i32
        %sub3A_780 = arith.subi %div3A_759, %sub3A_779 : i32
        %select_n3A_781 = arith.select %and3A_778, %sub3A_780, %div3A_759 : i32
        %while3A_782 = arith.constant 0 : i32
        %while3A_783 = arith.constant 0 : i32
        %while3A_784 = arith.subi %select_n3A_781, %while3A_783 : i32
        %while3A_785 = arith.addi %while3A_783, %while3A_784 : i32
        %while3A_786 = arith.constant 1 : i32
        %while3A_787 = arith.divsi %while3A_784, %while3A_786 : i32
        %while3A_788 = arith.muli %while3A_787, %while3A_786 : i32
        %while3A_789 = arith.addi %while3A_783, %while3A_788 : i32
        %while3A_790 = arith.constant 1 : i32
        scf.for %while3A_792 = %while3A_783 to %while3A_789 step %while3A_790  : i32 {
          %mul3A_793 = arith.constant 16 : i32
          %mul3A_794 = arith.muli %while3A_792, %mul3A_793 : i32
          %get3A = arith.index_cast %mul3A_794 : i32 to index
          %get3A_795 = tpu.vector_load %arg16[%get3A] {strides = array<i32>} : memref<4112xi32, #tpu.memory_space<vmem>>, vector<16xi32>,
          %get3A_796 = arith.index_cast %mul3A_794 : i32 to index
          %get3A_797 = tpu.vector_load %arg17[%get3A_796] {strides = array<i32>} : memref<4112xi32, #tpu.memory_space<vmem>>, vector<16xi32>,
          %get3A_798 = arith.index_cast %mul3A_794 : i32 to index
          %get3A_799 = tpu.vector_load %arg15[%get3A_798] {strides = array<i32>} : memref<4112xi32, #tpu.memory_space<vmem>>, vector<16xi32>,
          %mul3A_800 = arith.constant 16 : i32
          %mul3A_801 = arith.muli %while3A_792, %mul3A_800 : i32
          %iota3A = tpu.iota {dimensions = array<i32: 0>} : vector<16xi32>
          %add3A_802 = vector.broadcast %mul3A_801 : i32 to vector<16xi32>
          %add3A_803 = arith.addi %add3A_802, %iota3A : vector<16xi32>
          %lt3A_804 = vector.broadcast %scan3A_754 : i32 to vector<16xi32>
          %lt3A_805 = arith.cmpi slt, %add3A_803, %lt3A_804 : vector<16xi32>
          %jit3A_806 = arith.constant 0 : i32
          %broadcast_in_dim3A = vector.broadcast %jit3A_806 : i32 to vector<16xi32>
          %select_n3A_807 = arith.select %lt3A_805, %get3A_799, %broadcast_in_dim3A : vector<16xi1>, vector<16xi32>
          %gather3A = tpu.vector_load_idx %arg18[%select_n3A_807] masked %lt3A_805 : memref<4096xi32, #tpu.memory_space<vmem>>[vector<16xi32>], vector<16xi32>, vector<16xi1>
          %gather3A_808 = tpu.vector_load_idx %arg19[%select_n3A_807] masked %lt3A_805 : memref<4096xi32, #tpu.memory_space<vmem>>[vector<16xi32>], vector<16xi32>, vector<16xi1>
          %lt3A_809 = arith.cmpi slt, %get3A_795, %gather3A : vector<16xi32>
          %eq3A = arith.cmpi eq, %get3A_795, %gather3A : vector<16xi32>
          %lt3A_810 = arith.cmpi slt, %get3A_797, %gather3A_808 : vector<16xi32>
          %and3A_811 = arith.andi %eq3A, %lt3A_810 : vector<16xi1>
          %or3A = arith.ori %lt3A_809, %and3A_811 : vector<16xi1>
          %and3A_812 = arith.andi %lt3A_805, %or3A : vector<16xi1>
          tpu.vector_store_idx %arg18[%select_n3A_807], %get3A_795 masked %and3A_812 : memref<4096xi32, #tpu.memory_space<vmem>>[vector<16xi32>], vector<16xi32>, vector<16xi1>
          tpu.vector_store_idx %arg19[%select_n3A_807], %get3A_797 masked %and3A_812 : memref<4096xi32, #tpu.memory_space<vmem>>[vector<16xi32>], vector<16xi32>, vector<16xi1>
          %gather3A_813 = tpu.vector_load_idx %arg18[%select_n3A_807] masked %lt3A_805 : memref<4096xi32, #tpu.memory_space<vmem>>[vector<16xi32>], vector<16xi32>, vector<16xi1>
          %gather3A_814 = tpu.vector_load_idx %arg19[%select_n3A_807] masked %lt3A_805 : memref<4096xi32, #tpu.memory_space<vmem>>[vector<16xi32>], vector<16xi32>, vector<16xi1>
          %lt3A_815 = arith.cmpi slt, %get3A_795, %gather3A_813 : vector<16xi32>
          %eq3A_816 = arith.cmpi eq, %get3A_795, %gather3A_813 : vector<16xi32>
          %lt3A_817 = arith.cmpi slt, %get3A_797, %gather3A_814 : vector<16xi32>
          %and3A_818 = arith.andi %eq3A_816, %lt3A_817 : vector<16xi1>
          %or3A_819 = arith.ori %lt3A_815, %and3A_818 : vector<16xi1>
          %and3A_820 = arith.andi %lt3A_805, %or3A_819 : vector<16xi1>
          tpu.vector_store_idx %arg18[%select_n3A_807], %get3A_795 masked %and3A_820 : memref<4096xi32, #tpu.memory_space<vmem>>[vector<16xi32>], vector<16xi32>, vector<16xi1>
          tpu.vector_store_idx %arg19[%select_n3A_807], %get3A_797 masked %and3A_820 : memref<4096xi32, #tpu.memory_space<vmem>>[vector<16xi32>], vector<16xi32>, vector<16xi1>
          %convert_element_type3A_821 = arith.extui %and3A_820 : vector<16xi1> to vector<16xi32>
          %reduce_max3A = arith.constant true
          %reduce_max3A_822 = vector.broadcast %reduce_max3A : i1 to vector<16xi1>
          %reduce_max3A_823 = arith.constant -2147483648 : i32
          %reduce_max3A_824 = vector.broadcast %reduce_max3A_823 : i32 to vector<16xi32>
          %reduce_max3A_825 = arith.xori %convert_element_type3A_821, %reduce_max3A_824 : vector<16xi32>
          %reduce_max3A_826 = tpu.scan <max>, %reduce_max3A_825 masked %reduce_max3A_822 : vector<16xi32>, vector<16xi1> -> vector<16xi32>
          %reduce_max3A_827 = arith.xori %reduce_max3A_826, %reduce_max3A_824 : vector<16xi32>
          %reduce_max3A_828 = vector.extract %reduce_max3A_827[15] : i32 from vector<16xi32>
          %gt3A = arith.constant 0 : i32
          %gt3A_829 = arith.cmpi sgt, %reduce_max3A_828, %gt3A : i32
          %convert_element_type3A_830 = arith.extui %gt3A_829 : i1 to i32
          %cond3A_831 = arith.constant 0 : i32
          %cond3A_832 = arith.cmpi ne, %convert_element_type3A_830, %cond3A_831 : i32
          scf.if %cond3A_832 {
            %scan3A_833 = arith.constant 0 : i32
            %scan3A_834 = arith.constant 0 : i32
            %scan3A_835 = arith.constant 14 : i32
            %scan3A_836 = arith.addi %scan3A_834, %scan3A_835 : i32
            %scan3A_837 = arith.constant 1 : i32
            scf.for %scan3A_839 = %scan3A_834 to %scan3A_836 step %scan3A_837  : i32 {
              %gather3A_840 = tpu.vector_load_idx %arg18[%select_n3A_807] masked %lt3A_805 : memref<4096xi32, #tpu.memory_space<vmem>>[vector<16xi32>], vector<16xi32>, vector<16xi1>
              %gather3A_841 = tpu.vector_load_idx %arg19[%select_n3A_807] masked %lt3A_805 : memref<4096xi32, #tpu.memory_space<vmem>>[vector<16xi32>], vector<16xi32>, vector<16xi1>
              %lt3A_842 = arith.cmpi slt, %get3A_795, %gather3A_840 : vector<16xi32>
              %eq3A_843 = arith.cmpi eq, %get3A_795, %gather3A_840 : vector<16xi32>
              %lt3A_844 = arith.cmpi slt, %get3A_797, %gather3A_841 : vector<16xi32>
              %and3A_845 = arith.andi %eq3A_843, %lt3A_844 : vector<16xi1>
              %or3A_846 = arith.ori %lt3A_842, %and3A_845 : vector<16xi1>
              %and3A_847 = arith.andi %lt3A_805, %or3A_846 : vector<16xi1>
              tpu.vector_store_idx %arg18[%select_n3A_807], %get3A_795 masked %and3A_847 : memref<4096xi32, #tpu.memory_space<vmem>>[vector<16xi32>], vector<16xi32>, vector<16xi1>
              tpu.vector_store_idx %arg19[%select_n3A_807], %get3A_797 masked %and3A_847 : memref<4096xi32, #tpu.memory_space<vmem>>[vector<16xi32>], vector<16xi32>, vector<16xi1>
            }
            %scan3A_838 = arith.constant 14 : i32
          } else {
          }
        }
        %while3A_791 = arith.constant 1 : i32
        scf.for %while3A_792 = %while3A_789 to %while3A_785 step %while3A_791  : i32 {
          %mul3A_793 = arith.constant 16 : i32
          %mul3A_794 = arith.muli %while3A_792, %mul3A_793 : i32
          %get3A = arith.index_cast %mul3A_794 : i32 to index
          %get3A_795 = tpu.vector_load %arg16[%get3A] {strides = array<i32>} : memref<4112xi32, #tpu.memory_space<vmem>>, vector<16xi32>,
          %get3A_796 = arith.index_cast %mul3A_794 : i32 to index
          %get3A_797 = tpu.vector_load %arg17[%get3A_796] {strides = array<i32>} : memref<4112xi32, #tpu.memory_space<vmem>>, vector<16xi32>,
          %get3A_798 = arith.index_cast %mul3A_794 : i32 to index
          %get3A_799 = tpu.vector_load %arg15[%get3A_798] {strides = array<i32>} : memref<4112xi32, #tpu.memory_space<vmem>>, vector<16xi32>,
          %mul3A_800 = arith.constant 16 : i32
          %mul3A_801 = arith.muli %while3A_792, %mul3A_800 : i32
          %iota3A = tpu.iota {dimensions = array<i32: 0>} : vector<16xi32>
          %add3A_802 = vector.broadcast %mul3A_801 : i32 to vector<16xi32>
          %add3A_803 = arith.addi %add3A_802, %iota3A : vector<16xi32>
          %lt3A_804 = vector.broadcast %scan3A_754 : i32 to vector<16xi32>
          %lt3A_805 = arith.cmpi slt, %add3A_803, %lt3A_804 : vector<16xi32>
          %jit3A_806 = arith.constant 0 : i32
          %broadcast_in_dim3A = vector.broadcast %jit3A_806 : i32 to vector<16xi32>
          %select_n3A_807 = arith.select %lt3A_805, %get3A_799, %broadcast_in_dim3A : vector<16xi1>, vector<16xi32>
          %gather3A = tpu.vector_load_idx %arg18[%select_n3A_807] masked %lt3A_805 : memref<4096xi32, #tpu.memory_space<vmem>>[vector<16xi32>], vector<16xi32>, vector<16xi1>
          %gather3A_808 = tpu.vector_load_idx %arg19[%select_n3A_807] masked %lt3A_805 : memref<4096xi32, #tpu.memory_space<vmem>>[vector<16xi32>], vector<16xi32>, vector<16xi1>
          %lt3A_809 = arith.cmpi slt, %get3A_795, %gather3A : vector<16xi32>
          %eq3A = arith.cmpi eq, %get3A_795, %gather3A : vector<16xi32>
          %lt3A_810 = arith.cmpi slt, %get3A_797, %gather3A_808 : vector<16xi32>
          %and3A_811 = arith.andi %eq3A, %lt3A_810 : vector<16xi1>
          %or3A = arith.ori %lt3A_809, %and3A_811 : vector<16xi1>
          %and3A_812 = arith.andi %lt3A_805, %or3A : vector<16xi1>
          tpu.vector_store_idx %arg18[%select_n3A_807], %get3A_795 masked %and3A_812 : memref<4096xi32, #tpu.memory_space<vmem>>[vector<16xi32>], vector<16xi32>, vector<16xi1>
          tpu.vector_store_idx %arg19[%select_n3A_807], %get3A_797 masked %and3A_812 : memref<4096xi32, #tpu.memory_space<vmem>>[vector<16xi32>], vector<16xi32>, vector<16xi1>
          %gather3A_813 = tpu.vector_load_idx %arg18[%select_n3A_807] masked %lt3A_805 : memref<4096xi32, #tpu.memory_space<vmem>>[vector<16xi32>], vector<16xi32>, vector<16xi1>
          %gather3A_814 = tpu.vector_load_idx %arg19[%select_n3A_807] masked %lt3A_805 : memref<4096xi32, #tpu.memory_space<vmem>>[vector<16xi32>], vector<16xi32>, vector<16xi1>
          %lt3A_815 = arith.cmpi slt, %get3A_795, %gather3A_813 : vector<16xi32>
          %eq3A_816 = arith.cmpi eq, %get3A_795, %gather3A_813 : vector<16xi32>
          %lt3A_817 = arith.cmpi slt, %get3A_797, %gather3A_814 : vector<16xi32>
          %and3A_818 = arith.andi %eq3A_816, %lt3A_817 : vector<16xi1>
          %or3A_819 = arith.ori %lt3A_815, %and3A_818 : vector<16xi1>
          %and3A_820 = arith.andi %lt3A_805, %or3A_819 : vector<16xi1>
          tpu.vector_store_idx %arg18[%select_n3A_807], %get3A_795 masked %and3A_820 : memref<4096xi32, #tpu.memory_space<vmem>>[vector<16xi32>], vector<16xi32>, vector<16xi1>
          tpu.vector_store_idx %arg19[%select_n3A_807], %get3A_797 masked %and3A_820 : memref<4096xi32, #tpu.memory_space<vmem>>[vector<16xi32>], vector<16xi32>, vector<16xi1>
          %convert_element_type3A_821 = arith.extui %and3A_820 : vector<16xi1> to vector<16xi32>
          %reduce_max3A = arith.constant true
          %reduce_max3A_822 = vector.broadcast %reduce_max3A : i1 to vector<16xi1>
          %reduce_max3A_823 = arith.constant -2147483648 : i32
          %reduce_max3A_824 = vector.broadcast %reduce_max3A_823 : i32 to vector<16xi32>
          %reduce_max3A_825 = arith.xori %convert_element_type3A_821, %reduce_max3A_824 : vector<16xi32>
          %reduce_max3A_826 = tpu.scan <max>, %reduce_max3A_825 masked %reduce_max3A_822 : vector<16xi32>, vector<16xi1> -> vector<16xi32>
          %reduce_max3A_827 = arith.xori %reduce_max3A_826, %reduce_max3A_824 : vector<16xi32>
          %reduce_max3A_828 = vector.extract %reduce_max3A_827[15] : i32 from vector<16xi32>
          %gt3A = arith.constant 0 : i32
          %gt3A_829 = arith.cmpi sgt, %reduce_max3A_828, %gt3A : i32
          %convert_element_type3A_830 = arith.extui %gt3A_829 : i1 to i32
          %cond3A_831 = arith.constant 0 : i32
          %cond3A_832 = arith.cmpi ne, %convert_element_type3A_830, %cond3A_831 : i32
          scf.if %cond3A_832 {
            %scan3A_833 = arith.constant 0 : i32
            %scan3A_834 = arith.constant 0 : i32
            %scan3A_835 = arith.constant 14 : i32
            %scan3A_836 = arith.addi %scan3A_834, %scan3A_835 : i32
            %scan3A_837 = arith.constant 1 : i32
            scf.for %scan3A_839 = %scan3A_834 to %scan3A_836 step %scan3A_837  : i32 {
              %gather3A_840 = tpu.vector_load_idx %arg18[%select_n3A_807] masked %lt3A_805 : memref<4096xi32, #tpu.memory_space<vmem>>[vector<16xi32>], vector<16xi32>, vector<16xi1>
              %gather3A_841 = tpu.vector_load_idx %arg19[%select_n3A_807] masked %lt3A_805 : memref<4096xi32, #tpu.memory_space<vmem>>[vector<16xi32>], vector<16xi32>, vector<16xi1>
              %lt3A_842 = arith.cmpi slt, %get3A_795, %gather3A_840 : vector<16xi32>
              %eq3A_843 = arith.cmpi eq, %get3A_795, %gather3A_840 : vector<16xi32>
              %lt3A_844 = arith.cmpi slt, %get3A_797, %gather3A_841 : vector<16xi32>
              %and3A_845 = arith.andi %eq3A_843, %lt3A_844 : vector<16xi1>
              %or3A_846 = arith.ori %lt3A_842, %and3A_845 : vector<16xi1>
              %and3A_847 = arith.andi %lt3A_805, %or3A_846 : vector<16xi1>
              tpu.vector_store_idx %arg18[%select_n3A_807], %get3A_795 masked %and3A_847 : memref<4096xi32, #tpu.memory_space<vmem>>[vector<16xi32>], vector<16xi32>, vector<16xi1>
              tpu.vector_store_idx %arg19[%select_n3A_807], %get3A_797 masked %and3A_847 : memref<4096xi32, #tpu.memory_space<vmem>>[vector<16xi32>], vector<16xi32>, vector<16xi1>
            }
            %scan3A_838 = arith.constant 14 : i32
          } else {
          }
        }
      } else {
      }
    }
    %scan3A_24 = arith.constant 16 : i32
    %scan3A_25 = arith.constant 0 : i32
    %scan3A_26 = arith.constant 0 : i32
    %scan3A_27 = arith.constant 256 : i32
    %scan3A_28 = arith.addi %scan3A_26, %scan3A_27 : i32
    %scan3A_29 = arith.constant 1 : i32
    scf.for %scan3A_676 = %scan3A_26 to %scan3A_28 step %scan3A_29  : i32 {
      %mul3A_677 = arith.constant 16 : i32
      %mul3A_678 = arith.muli %scan3A_676, %mul3A_677 : i32
      %get3A = arith.index_cast %mul3A_678 : i32 to index
      %get3A_679 = tpu.vector_load %arg18[%get3A] {strides = array<i32>} : memref<4096xi32, #tpu.memory_space<vmem>>, vector<16xi32>,
      %mul3A_680 = arith.constant 16 : i32
      %mul3A_681 = arith.muli %scan3A_676, %mul3A_680 : i32
      %get3A_682 = arith.index_cast %mul3A_681 : i32 to index
      %get3A_683 = tpu.vector_load %arg19[%get3A_682] {strides = array<i32>} : memref<4096xi32, #tpu.memory_space<vmem>>, vector<16xi32>,
      %eq3A = arith.constant 2139095040 : i32
      %eq3A_684 = vector.broadcast %eq3A : i32 to vector<16xi32>
      %eq3A_685 = arith.cmpi eq, %get3A_679, %eq3A_684 : vector<16xi32>
      %shift_right_arithmetic3A = arith.constant 6 : i32
      %shift_right_arithmetic3A_686 = vector.broadcast %shift_right_arithmetic3A : i32 to vector<16xi32>
      %shift_right_arithmetic3A_687 = arith.shrsi %get3A_683, %shift_right_arithmetic3A_686 : vector<16xi32>
      %jit3A = arith.constant 131072 : i32
      %broadcast_in_dim3A = vector.broadcast %jit3A : i32 to vector<16xi32>
      %select_n3A = arith.select %eq3A_685, %broadcast_in_dim3A, %shift_right_arithmetic3A_687 : vector<16xi1>, vector<16xi32>
      %jit3A_688 = arith.constant 8 : i32
      %div3A = arith.divsi %scan3A_676, %jit3A_688 : i32
      %sign3A = arith.constant 0 : i32
      %sign3A_689 = arith.cmpi sgt, %scan3A_676, %sign3A : i32
      %sign3A_690 = arith.extui %sign3A_689 : i1 to i32
      %sign3A_691 = arith.constant 0 : i32
      %sign3A_692 = arith.cmpi slt, %scan3A_676, %sign3A_691 : i32
      %sign3A_693 = arith.extui %sign3A_692 : i1 to i32
      %sign3A_694 = arith.subi %sign3A_690, %sign3A_693 : i32
      %sign3A_695 = arith.constant 0 : i32
      %sign3A_696 = arith.cmpi sgt, %jit3A_688, %sign3A_695 : i32
      %sign3A_697 = arith.extui %sign3A_696 : i1 to i32
      %sign3A_698 = arith.constant 0 : i32
      %sign3A_699 = arith.cmpi slt, %jit3A_688, %sign3A_698 : i32
      %sign3A_700 = arith.extui %sign3A_699 : i1 to i32
      %sign3A_701 = arith.subi %sign3A_697, %sign3A_700 : i32
      %ne3A = arith.cmpi ne, %sign3A_694, %sign3A_701 : i32
      %rem3A = arith.remsi %scan3A_676, %jit3A_688 : i32
      %ne3A_702 = arith.constant 0 : i32
      %ne3A_703 = arith.cmpi ne, %rem3A, %ne3A_702 : i32
      %and3A = arith.andi %ne3A, %ne3A_703 : i1
      %sub3A = arith.constant 1 : i32
      %sub3A_704 = arith.subi %div3A, %sub3A : i32
      %select_n3A_705 = arith.select %and3A, %sub3A_704, %div3A : i32
      %jit3A_706 = arith.constant 8 : i32
      %eq3A_707 = arith.constant 0 : i32
      %eq3A_708 = arith.cmpi eq, %jit3A_706, %eq3A_707 : i32
      %jit3A_709 = arith.constant 1 : i32
      %select_n3A_710 = arith.select %eq3A_708, %jit3A_709, %jit3A_706 : i32
      %rem3A_711 = arith.remsi %scan3A_676, %select_n3A_710 : i32
      %ne3A_712 = arith.constant 0 : i32
      %ne3A_713 = arith.cmpi ne, %rem3A_711, %ne3A_712 : i32
      %lt3A = arith.constant 0 : i32
      %lt3A_714 = arith.cmpi slt, %rem3A_711, %lt3A : i32
      %lt3A_715 = arith.constant 0 : i32
      %lt3A_716 = arith.cmpi slt, %select_n3A_710, %lt3A_715 : i32
      %ne3A_717 = arith.xori %lt3A_714, %lt3A_716 : i1
      %and3A_718 = arith.andi %ne3A_717, %ne3A_713 : i1
      %add3A_719 = arith.addi %rem3A_711, %select_n3A_710 : i32
      %select_n3A_720 = arith.select %and3A_718, %add3A_719, %rem3A_711 : i32
      %mul3A_721 = arith.constant 16 : i32
      %mul3A_722 = arith.muli %select_n3A_720, %mul3A_721 : i32
      %swap3A = arith.index_cast %select_n3A_705 : i32 to index
      %swap3A_723 = arith.index_cast %mul3A_722 : i32 to index
      %swap3A_724 = tpu.vector_load %arg20[%swap3A, %swap3A_723] {strides = array<i32>} : memref<32x128xi32, #tpu.memory_space<vmem>>, vector<16xi32>,
      tpu.vector_store %arg20[%swap3A, %swap3A_723], %select_n3A {strides = array<i32>} : memref<32x128xi32, #tpu.memory_space<vmem>>, vector<16xi32>,
      %mul3A_725 = arith.constant 16 : i32
      %mul3A_726 = arith.muli %scan3A_676, %mul3A_725 : i32
      %iota3A = tpu.iota {dimensions = array<i32: 0>} : vector<16xi32>
      %add3A_727 = vector.broadcast %mul3A_726 : i32 to vector<16xi32>
      %add3A_728 = arith.addi %add3A_727, %iota3A : vector<16xi32>
      %bitcast3A = vector.bitcast %get3A_679 : vector<16xi32> to vector<16xf32>
      %jit3A_729 = arith.constant 0.000000e+00 : f32
      %broadcast_in_dim3A_730 = vector.broadcast %jit3A_729 : f32 to vector<16xf32>
      %select_n3A_731 = arith.select %eq3A_685, %broadcast_in_dim3A_730, %bitcast3A : vector<16xi1>, vector<16xf32>
      %broadcast_in_dim3A_732 = arith.constant 4 : i32
      %broadcast_in_dim3A_733 = vector.broadcast %broadcast_in_dim3A_732 : i32 to vector<16xi32>
      tpu.vector_store_idx %arg22[%add3A_728, %broadcast_in_dim3A_733], %select_n3A_731 : memref<4096x5xf32, #tpu.memory_space<vmem>>[vector<16xi32>, vector<16xi32>], vector<16xf32>,
      %shift_right_arithmetic3A_734 = arith.constant 1 : i32
      %shift_right_arithmetic3A_735 = vector.broadcast %shift_right_arithmetic3A_734 : i32 to vector<16xi32>
      %shift_right_arithmetic3A_736 = arith.shrsi %get3A_683, %shift_right_arithmetic3A_735 : vector<16xi32>
      %and3A_737 = arith.constant 31 : i32
      %and3A_738 = vector.broadcast %and3A_737 : i32 to vector<16xi32>
      %and3A_739 = arith.andi %shift_right_arithmetic3A_736, %and3A_738 : vector<16xi32>
      %jit3A_740 = arith.constant -1 : i32
      %broadcast_in_dim3A_741 = vector.broadcast %jit3A_740 : i32 to vector<16xi32>
      %select_n3A_742 = arith.select %eq3A_685, %broadcast_in_dim3A_741, %and3A_739 : vector<16xi1>, vector<16xi32>
      %mul3A_743 = arith.constant 16 : i32
      %mul3A_744 = arith.muli %scan3A_676, %mul3A_743 : i32
      %swap3A_745 = arith.index_cast %mul3A_744 : i32 to index
      %swap3A_746 = tpu.vector_load %arg23[%swap3A_745] {strides = array<i32>} : memref<4096xi32, #tpu.memory_space<vmem>>, vector<16xi32>,
      tpu.vector_store %arg23[%swap3A_745], %select_n3A_742 {strides = array<i32>} : memref<4096xi32, #tpu.memory_space<vmem>>, vector<16xi32>,
      %and3A_747 = arith.constant 1 : i32
      %and3A_748 = vector.broadcast %and3A_747 : i32 to vector<16xi32>
      %and3A_749 = arith.andi %get3A_683, %and3A_748 : vector<16xi32>
      %jit3A_750 = arith.constant 0 : i32
      %broadcast_in_dim3A_751 = vector.broadcast %jit3A_750 : i32 to vector<16xi32>
      %select_n3A_752 = arith.select %eq3A_685, %broadcast_in_dim3A_751, %and3A_749 : vector<16xi1>, vector<16xi32>
      %mul3A_753 = arith.constant 16 : i32
      %mul3A_754 = arith.muli %scan3A_676, %mul3A_753 : i32
      %swap3A_755 = arith.index_cast %mul3A_754 : i32 to index
      %swap3A_756 = tpu.vector_load %arg24[%swap3A_755] {strides = array<i32>} : memref<4096xi32, #tpu.memory_space<vmem>>, vector<16xi32>,
      tpu.vector_store %arg24[%swap3A_755], %select_n3A_752 {strides = array<i32>} : memref<4096xi32, #tpu.memory_space<vmem>>, vector<16xi32>,
    }
    %scan3A_30 = arith.constant 256 : i32
    %dma_start3A_31 = arith.constant 0 : i32
    %dma_start3A_32 = arith.constant 0 : i32
    %dma_start3A_33 = arith.constant 0 : i32
    %dma_start3A_34 = tpu.memref_slice %arg21[%dma_start3A_32, %dma_start3A_33] : memref<4096x4xf32, #tpu.memory_space<vmem>> -> memref<128x4xf32, #tpu.memory_space<vmem>>
    %dma_start3A_35 = arith.constant 0 : i32
    %dma_start3A_36 = tpu.memref_slice %arg20[%dma_start3A_31, %dma_start3A_35] : memref<32x128xi32, #tpu.memory_space<vmem>> -> memref<1x128xi32, #tpu.memory_space<vmem>>
    %dma_start3A_37 = tpu.memref_squeeze %dma_start3A_36 : memref<1x128xi32, #tpu.memory_space<vmem>> -> memref<128xi32, #tpu.memory_space<vmem>>
    %dma_start3A_38 = arith.constant 0 : i32
    %dma_start3A_39 = arith.constant 0 : i32
    %dma_start3A_40 = tpu.memref_slice %arg5[%dma_start3A_38, %dma_start3A_39] : memref<131080x4xf32, #tpu.memory_space<hbm>> -> memref<131080x4xf32, #tpu.memory_space<hbm>>
    tpu.enqueue_indirect_dma source(%dma_start3A_40 : memref<131080x4xf32, #tpu.memory_space<hbm>>) target(%dma_start3A_34 : memref<128x4xf32, #tpu.memory_space<vmem>>) offsets(%dma_start3A_37 : memref<128xi32, #tpu.memory_space<vmem>>) semaphore(%arg27 : memref<!tpu.dma_semaphore, #tpu.memory_space<semaphore_mem>>)
    %dma_start3A_41 = arith.constant 1 : i32
    %dma_start3A_42 = arith.constant 128 : i32
    %dma_start3A_43 = arith.constant 0 : i32
    %dma_start3A_44 = tpu.memref_slice %arg21[%dma_start3A_42, %dma_start3A_43] : memref<4096x4xf32, #tpu.memory_space<vmem>> -> memref<128x4xf32, #tpu.memory_space<vmem>>
    %dma_start3A_45 = arith.constant 0 : i32
    %dma_start3A_46 = tpu.memref_slice %arg20[%dma_start3A_41, %dma_start3A_45] : memref<32x128xi32, #tpu.memory_space<vmem>> -> memref<1x128xi32, #tpu.memory_space<vmem>>
    %dma_start3A_47 = tpu.memref_squeeze %dma_start3A_46 : memref<1x128xi32, #tpu.memory_space<vmem>> -> memref<128xi32, #tpu.memory_space<vmem>>
    %dma_start3A_48 = arith.constant 0 : i32
    %dma_start3A_49 = arith.constant 0 : i32
    %dma_start3A_50 = tpu.memref_slice %arg5[%dma_start3A_48, %dma_start3A_49] : memref<131080x4xf32, #tpu.memory_space<hbm>> -> memref<131080x4xf32, #tpu.memory_space<hbm>>
    tpu.enqueue_indirect_dma source(%dma_start3A_50 : memref<131080x4xf32, #tpu.memory_space<hbm>>) target(%dma_start3A_44 : memref<128x4xf32, #tpu.memory_space<vmem>>) offsets(%dma_start3A_47 : memref<128xi32, #tpu.memory_space<vmem>>) semaphore(%arg27 : memref<!tpu.dma_semaphore, #tpu.memory_space<semaphore_mem>>)
    %dma_start3A_51 = arith.constant 2 : i32
    %dma_start3A_52 = arith.constant 256 : i32
    %dma_start3A_53 = arith.constant 0 : i32
    %dma_start3A_54 = tpu.memref_slice %arg21[%dma_start3A_52, %dma_start3A_53] : memref<4096x4xf32, #tpu.memory_space<vmem>> -> memref<128x4xf32, #tpu.memory_space<vmem>>
    %dma_start3A_55 = arith.constant 0 : i32
    %dma_start3A_56 = tpu.memref_slice %arg20[%dma_start3A_51, %dma_start3A_55] : memref<32x128xi32, #tpu.memory_space<vmem>> -> memref<1x128xi32, #tpu.memory_space<vmem>>
    %dma_start3A_57 = tpu.memref_squeeze %dma_start3A_56 : memref<1x128xi32, #tpu.memory_space<vmem>> -> memref<128xi32, #tpu.memory_space<vmem>>
    %dma_start3A_58 = arith.constant 0 : i32
    %dma_start3A_59 = arith.constant 0 : i32
    %dma_start3A_60 = tpu.memref_slice %arg5[%dma_start3A_58, %dma_start3A_59] : memref<131080x4xf32, #tpu.memory_space<hbm>> -> memref<131080x4xf32, #tpu.memory_space<hbm>>
    tpu.enqueue_indirect_dma source(%dma_start3A_60 : memref<131080x4xf32, #tpu.memory_space<hbm>>) target(%dma_start3A_54 : memref<128x4xf32, #tpu.memory_space<vmem>>) offsets(%dma_start3A_57 : memref<128xi32, #tpu.memory_space<vmem>>) semaphore(%arg27 : memref<!tpu.dma_semaphore, #tpu.memory_space<semaphore_mem>>)
    %dma_start3A_61 = arith.constant 3 : i32
    %dma_start3A_62 = arith.constant 384 : i32
    %dma_start3A_63 = arith.constant 0 : i32
    %dma_start3A_64 = tpu.memref_slice %arg21[%dma_start3A_62, %dma_start3A_63] : memref<4096x4xf32, #tpu.memory_space<vmem>> -> memref<128x4xf32, #tpu.memory_space<vmem>>
    %dma_start3A_65 = arith.constant 0 : i32
    %dma_start3A_66 = tpu.memref_slice %arg20[%dma_start3A_61, %dma_start3A_65] : memref<32x128xi32, #tpu.memory_space<vmem>> -> memref<1x128xi32, #tpu.memory_space<vmem>>
    %dma_start3A_67 = tpu.memref_squeeze %dma_start3A_66 : memref<1x128xi32, #tpu.memory_space<vmem>> -> memref<128xi32, #tpu.memory_space<vmem>>
    %dma_start3A_68 = arith.constant 0 : i32
    %dma_start3A_69 = arith.constant 0 : i32
    %dma_start3A_70 = tpu.memref_slice %arg5[%dma_start3A_68, %dma_start3A_69] : memref<131080x4xf32, #tpu.memory_space<hbm>> -> memref<131080x4xf32, #tpu.memory_space<hbm>>
    tpu.enqueue_indirect_dma source(%dma_start3A_70 : memref<131080x4xf32, #tpu.memory_space<hbm>>) target(%dma_start3A_64 : memref<128x4xf32, #tpu.memory_space<vmem>>) offsets(%dma_start3A_67 : memref<128xi32, #tpu.memory_space<vmem>>) semaphore(%arg27 : memref<!tpu.dma_semaphore, #tpu.memory_space<semaphore_mem>>)
    %dma_start3A_71 = arith.constant 4 : i32
    %dma_start3A_72 = arith.constant 512 : i32
    %dma_start3A_73 = arith.constant 0 : i32
    %dma_start3A_74 = tpu.memref_slice %arg21[%dma_start3A_72, %dma_start3A_73] : memref<4096x4xf32, #tpu.memory_space<vmem>> -> memref<128x4xf32, #tpu.memory_space<vmem>>
    %dma_start3A_75 = arith.constant 0 : i32
    %dma_start3A_76 = tpu.memref_slice %arg20[%dma_start3A_71, %dma_start3A_75] : memref<32x128xi32, #tpu.memory_space<vmem>> -> memref<1x128xi32, #tpu.memory_space<vmem>>
    %dma_start3A_77 = tpu.memref_squeeze %dma_start3A_76 : memref<1x128xi32, #tpu.memory_space<vmem>> -> memref<128xi32, #tpu.memory_space<vmem>>
    %dma_start3A_78 = arith.constant 0 : i32
    %dma_start3A_79 = arith.constant 0 : i32
    %dma_start3A_80 = tpu.memref_slice %arg5[%dma_start3A_78, %dma_start3A_79] : memref<131080x4xf32, #tpu.memory_space<hbm>> -> memref<131080x4xf32, #tpu.memory_space<hbm>>
    tpu.enqueue_indirect_dma source(%dma_start3A_80 : memref<131080x4xf32, #tpu.memory_space<hbm>>) target(%dma_start3A_74 : memref<128x4xf32, #tpu.memory_space<vmem>>) offsets(%dma_start3A_77 : memref<128xi32, #tpu.memory_space<vmem>>) semaphore(%arg27 : memref<!tpu.dma_semaphore, #tpu.memory_space<semaphore_mem>>)
    %dma_start3A_81 = arith.constant 5 : i32
    %dma_start3A_82 = arith.constant 640 : i32
    %dma_start3A_83 = arith.constant 0 : i32
    %dma_start3A_84 = tpu.memref_slice %arg21[%dma_start3A_82, %dma_start3A_83] : memref<4096x4xf32, #tpu.memory_space<vmem>> -> memref<128x4xf32, #tpu.memory_space<vmem>>
    %dma_start3A_85 = arith.constant 0 : i32
    %dma_start3A_86 = tpu.memref_slice %arg20[%dma_start3A_81, %dma_start3A_85] : memref<32x128xi32, #tpu.memory_space<vmem>> -> memref<1x128xi32, #tpu.memory_space<vmem>>
    %dma_start3A_87 = tpu.memref_squeeze %dma_start3A_86 : memref<1x128xi32, #tpu.memory_space<vmem>> -> memref<128xi32, #tpu.memory_space<vmem>>
    %dma_start3A_88 = arith.constant 0 : i32
    %dma_start3A_89 = arith.constant 0 : i32
    %dma_start3A_90 = tpu.memref_slice %arg5[%dma_start3A_88, %dma_start3A_89] : memref<131080x4xf32, #tpu.memory_space<hbm>> -> memref<131080x4xf32, #tpu.memory_space<hbm>>
    tpu.enqueue_indirect_dma source(%dma_start3A_90 : memref<131080x4xf32, #tpu.memory_space<hbm>>) target(%dma_start3A_84 : memref<128x4xf32, #tpu.memory_space<vmem>>) offsets(%dma_start3A_87 : memref<128xi32, #tpu.memory_space<vmem>>) semaphore(%arg27 : memref<!tpu.dma_semaphore, #tpu.memory_space<semaphore_mem>>)
    %dma_start3A_91 = arith.constant 6 : i32
    %dma_start3A_92 = arith.constant 768 : i32
    %dma_start3A_93 = arith.constant 0 : i32
    %dma_start3A_94 = tpu.memref_slice %arg21[%dma_start3A_92, %dma_start3A_93] : memref<4096x4xf32, #tpu.memory_space<vmem>> -> memref<128x4xf32, #tpu.memory_space<vmem>>
    %dma_start3A_95 = arith.constant 0 : i32
    %dma_start3A_96 = tpu.memref_slice %arg20[%dma_start3A_91, %dma_start3A_95] : memref<32x128xi32, #tpu.memory_space<vmem>> -> memref<1x128xi32, #tpu.memory_space<vmem>>
    %dma_start3A_97 = tpu.memref_squeeze %dma_start3A_96 : memref<1x128xi32, #tpu.memory_space<vmem>> -> memref<128xi32, #tpu.memory_space<vmem>>
    %dma_start3A_98 = arith.constant 0 : i32
    %dma_start3A_99 = arith.constant 0 : i32
    %dma_start3A_100 = tpu.memref_slice %arg5[%dma_start3A_98, %dma_start3A_99] : memref<131080x4xf32, #tpu.memory_space<hbm>> -> memref<131080x4xf32, #tpu.memory_space<hbm>>
    tpu.enqueue_indirect_dma source(%dma_start3A_100 : memref<131080x4xf32, #tpu.memory_space<hbm>>) target(%dma_start3A_94 : memref<128x4xf32, #tpu.memory_space<vmem>>) offsets(%dma_start3A_97 : memref<128xi32, #tpu.memory_space<vmem>>) semaphore(%arg27 : memref<!tpu.dma_semaphore, #tpu.memory_space<semaphore_mem>>)
    %dma_start3A_101 = arith.constant 7 : i32
    %dma_start3A_102 = arith.constant 896 : i32
    %dma_start3A_103 = arith.constant 0 : i32
    %dma_start3A_104 = tpu.memref_slice %arg21[%dma_start3A_102, %dma_start3A_103] : memref<4096x4xf32, #tpu.memory_space<vmem>> -> memref<128x4xf32, #tpu.memory_space<vmem>>
    %dma_start3A_105 = arith.constant 0 : i32
    %dma_start3A_106 = tpu.memref_slice %arg20[%dma_start3A_101, %dma_start3A_105] : memref<32x128xi32, #tpu.memory_space<vmem>> -> memref<1x128xi32, #tpu.memory_space<vmem>>
    %dma_start3A_107 = tpu.memref_squeeze %dma_start3A_106 : memref<1x128xi32, #tpu.memory_space<vmem>> -> memref<128xi32, #tpu.memory_space<vmem>>
    %dma_start3A_108 = arith.constant 0 : i32
    %dma_start3A_109 = arith.constant 0 : i32
    %dma_start3A_110 = tpu.memref_slice %arg5[%dma_start3A_108, %dma_start3A_109] : memref<131080x4xf32, #tpu.memory_space<hbm>> -> memref<131080x4xf32, #tpu.memory_space<hbm>>
    tpu.enqueue_indirect_dma source(%dma_start3A_110 : memref<131080x4xf32, #tpu.memory_space<hbm>>) target(%dma_start3A_104 : memref<128x4xf32, #tpu.memory_space<vmem>>) offsets(%dma_start3A_107 : memref<128xi32, #tpu.memory_space<vmem>>) semaphore(%arg27 : memref<!tpu.dma_semaphore, #tpu.memory_space<semaphore_mem>>)
    %dma_start3A_111 = arith.constant 8 : i32
    %dma_start3A_112 = arith.constant 1024 : i32
    %dma_start3A_113 = arith.constant 0 : i32
    %dma_start3A_114 = tpu.memref_slice %arg21[%dma_start3A_112, %dma_start3A_113] : memref<4096x4xf32, #tpu.memory_space<vmem>> -> memref<128x4xf32, #tpu.memory_space<vmem>>
    %dma_start3A_115 = arith.constant 0 : i32
    %dma_start3A_116 = tpu.memref_slice %arg20[%dma_start3A_111, %dma_start3A_115] : memref<32x128xi32, #tpu.memory_space<vmem>> -> memref<1x128xi32, #tpu.memory_space<vmem>>
    %dma_start3A_117 = tpu.memref_squeeze %dma_start3A_116 : memref<1x128xi32, #tpu.memory_space<vmem>> -> memref<128xi32, #tpu.memory_space<vmem>>
    %dma_start3A_118 = arith.constant 0 : i32
    %dma_start3A_119 = arith.constant 0 : i32
    %dma_start3A_120 = tpu.memref_slice %arg5[%dma_start3A_118, %dma_start3A_119] : memref<131080x4xf32, #tpu.memory_space<hbm>> -> memref<131080x4xf32, #tpu.memory_space<hbm>>
    tpu.enqueue_indirect_dma source(%dma_start3A_120 : memref<131080x4xf32, #tpu.memory_space<hbm>>) target(%dma_start3A_114 : memref<128x4xf32, #tpu.memory_space<vmem>>) offsets(%dma_start3A_117 : memref<128xi32, #tpu.memory_space<vmem>>) semaphore(%arg27 : memref<!tpu.dma_semaphore, #tpu.memory_space<semaphore_mem>>)
    %dma_start3A_121 = arith.constant 9 : i32
    %dma_start3A_122 = arith.constant 1152 : i32
    %dma_start3A_123 = arith.constant 0 : i32
    %dma_start3A_124 = tpu.memref_slice %arg21[%dma_start3A_122, %dma_start3A_123] : memref<4096x4xf32, #tpu.memory_space<vmem>> -> memref<128x4xf32, #tpu.memory_space<vmem>>
    %dma_start3A_125 = arith.constant 0 : i32
    %dma_start3A_126 = tpu.memref_slice %arg20[%dma_start3A_121, %dma_start3A_125] : memref<32x128xi32, #tpu.memory_space<vmem>> -> memref<1x128xi32, #tpu.memory_space<vmem>>
    %dma_start3A_127 = tpu.memref_squeeze %dma_start3A_126 : memref<1x128xi32, #tpu.memory_space<vmem>> -> memref<128xi32, #tpu.memory_space<vmem>>
    %dma_start3A_128 = arith.constant 0 : i32
    %dma_start3A_129 = arith.constant 0 : i32
    %dma_start3A_130 = tpu.memref_slice %arg5[%dma_start3A_128, %dma_start3A_129] : memref<131080x4xf32, #tpu.memory_space<hbm>> -> memref<131080x4xf32, #tpu.memory_space<hbm>>
    tpu.enqueue_indirect_dma source(%dma_start3A_130 : memref<131080x4xf32, #tpu.memory_space<hbm>>) target(%dma_start3A_124 : memref<128x4xf32, #tpu.memory_space<vmem>>) offsets(%dma_start3A_127 : memref<128xi32, #tpu.memory_space<vmem>>) semaphore(%arg27 : memref<!tpu.dma_semaphore, #tpu.memory_space<semaphore_mem>>)
    %dma_start3A_131 = arith.constant 10 : i32
    %dma_start3A_132 = arith.constant 1280 : i32
    %dma_start3A_133 = arith.constant 0 : i32
    %dma_start3A_134 = tpu.memref_slice %arg21[%dma_start3A_132, %dma_start3A_133] : memref<4096x4xf32, #tpu.memory_space<vmem>> -> memref<128x4xf32, #tpu.memory_space<vmem>>
    %dma_start3A_135 = arith.constant 0 : i32
    %dma_start3A_136 = tpu.memref_slice %arg20[%dma_start3A_131, %dma_start3A_135] : memref<32x128xi32, #tpu.memory_space<vmem>> -> memref<1x128xi32, #tpu.memory_space<vmem>>
    %dma_start3A_137 = tpu.memref_squeeze %dma_start3A_136 : memref<1x128xi32, #tpu.memory_space<vmem>> -> memref<128xi32, #tpu.memory_space<vmem>>
    %dma_start3A_138 = arith.constant 0 : i32
    %dma_start3A_139 = arith.constant 0 : i32
    %dma_start3A_140 = tpu.memref_slice %arg5[%dma_start3A_138, %dma_start3A_139] : memref<131080x4xf32, #tpu.memory_space<hbm>> -> memref<131080x4xf32, #tpu.memory_space<hbm>>
    tpu.enqueue_indirect_dma source(%dma_start3A_140 : memref<131080x4xf32, #tpu.memory_space<hbm>>) target(%dma_start3A_134 : memref<128x4xf32, #tpu.memory_space<vmem>>) offsets(%dma_start3A_137 : memref<128xi32, #tpu.memory_space<vmem>>) semaphore(%arg27 : memref<!tpu.dma_semaphore, #tpu.memory_space<semaphore_mem>>)
    %dma_start3A_141 = arith.constant 11 : i32
    %dma_start3A_142 = arith.constant 1408 : i32
    %dma_start3A_143 = arith.constant 0 : i32
    %dma_start3A_144 = tpu.memref_slice %arg21[%dma_start3A_142, %dma_start3A_143] : memref<4096x4xf32, #tpu.memory_space<vmem>> -> memref<128x4xf32, #tpu.memory_space<vmem>>
    %dma_start3A_145 = arith.constant 0 : i32
    %dma_start3A_146 = tpu.memref_slice %arg20[%dma_start3A_141, %dma_start3A_145] : memref<32x128xi32, #tpu.memory_space<vmem>> -> memref<1x128xi32, #tpu.memory_space<vmem>>
    %dma_start3A_147 = tpu.memref_squeeze %dma_start3A_146 : memref<1x128xi32, #tpu.memory_space<vmem>> -> memref<128xi32, #tpu.memory_space<vmem>>
    %dma_start3A_148 = arith.constant 0 : i32
    %dma_start3A_149 = arith.constant 0 : i32
    %dma_start3A_150 = tpu.memref_slice %arg5[%dma_start3A_148, %dma_start3A_149] : memref<131080x4xf32, #tpu.memory_space<hbm>> -> memref<131080x4xf32, #tpu.memory_space<hbm>>
    tpu.enqueue_indirect_dma source(%dma_start3A_150 : memref<131080x4xf32, #tpu.memory_space<hbm>>) target(%dma_start3A_144 : memref<128x4xf32, #tpu.memory_space<vmem>>) offsets(%dma_start3A_147 : memref<128xi32, #tpu.memory_space<vmem>>) semaphore(%arg27 : memref<!tpu.dma_semaphore, #tpu.memory_space<semaphore_mem>>)
    %dma_start3A_151 = arith.constant 12 : i32
    %dma_start3A_152 = arith.constant 1536 : i32
    %dma_start3A_153 = arith.constant 0 : i32
    %dma_start3A_154 = tpu.memref_slice %arg21[%dma_start3A_152, %dma_start3A_153] : memref<4096x4xf32, #tpu.memory_space<vmem>> -> memref<128x4xf32, #tpu.memory_space<vmem>>
    %dma_start3A_155 = arith.constant 0 : i32
    %dma_start3A_156 = tpu.memref_slice %arg20[%dma_start3A_151, %dma_start3A_155] : memref<32x128xi32, #tpu.memory_space<vmem>> -> memref<1x128xi32, #tpu.memory_space<vmem>>
    %dma_start3A_157 = tpu.memref_squeeze %dma_start3A_156 : memref<1x128xi32, #tpu.memory_space<vmem>> -> memref<128xi32, #tpu.memory_space<vmem>>
    %dma_start3A_158 = arith.constant 0 : i32
    %dma_start3A_159 = arith.constant 0 : i32
    %dma_start3A_160 = tpu.memref_slice %arg5[%dma_start3A_158, %dma_start3A_159] : memref<131080x4xf32, #tpu.memory_space<hbm>> -> memref<131080x4xf32, #tpu.memory_space<hbm>>
    tpu.enqueue_indirect_dma source(%dma_start3A_160 : memref<131080x4xf32, #tpu.memory_space<hbm>>) target(%dma_start3A_154 : memref<128x4xf32, #tpu.memory_space<vmem>>) offsets(%dma_start3A_157 : memref<128xi32, #tpu.memory_space<vmem>>) semaphore(%arg27 : memref<!tpu.dma_semaphore, #tpu.memory_space<semaphore_mem>>)
    %dma_start3A_161 = arith.constant 13 : i32
    %dma_start3A_162 = arith.constant 1664 : i32
    %dma_start3A_163 = arith.constant 0 : i32
    %dma_start3A_164 = tpu.memref_slice %arg21[%dma_start3A_162, %dma_start3A_163] : memref<4096x4xf32, #tpu.memory_space<vmem>> -> memref<128x4xf32, #tpu.memory_space<vmem>>
    %dma_start3A_165 = arith.constant 0 : i32
    %dma_start3A_166 = tpu.memref_slice %arg20[%dma_start3A_161, %dma_start3A_165] : memref<32x128xi32, #tpu.memory_space<vmem>> -> memref<1x128xi32, #tpu.memory_space<vmem>>
    %dma_start3A_167 = tpu.memref_squeeze %dma_start3A_166 : memref<1x128xi32, #tpu.memory_space<vmem>> -> memref<128xi32, #tpu.memory_space<vmem>>
    %dma_start3A_168 = arith.constant 0 : i32
    %dma_start3A_169 = arith.constant 0 : i32
    %dma_start3A_170 = tpu.memref_slice %arg5[%dma_start3A_168, %dma_start3A_169] : memref<131080x4xf32, #tpu.memory_space<hbm>> -> memref<131080x4xf32, #tpu.memory_space<hbm>>
    tpu.enqueue_indirect_dma source(%dma_start3A_170 : memref<131080x4xf32, #tpu.memory_space<hbm>>) target(%dma_start3A_164 : memref<128x4xf32, #tpu.memory_space<vmem>>) offsets(%dma_start3A_167 : memref<128xi32, #tpu.memory_space<vmem>>) semaphore(%arg27 : memref<!tpu.dma_semaphore, #tpu.memory_space<semaphore_mem>>)
    %dma_start3A_171 = arith.constant 14 : i32
    %dma_start3A_172 = arith.constant 1792 : i32
    %dma_start3A_173 = arith.constant 0 : i32
    %dma_start3A_174 = tpu.memref_slice %arg21[%dma_start3A_172, %dma_start3A_173] : memref<4096x4xf32, #tpu.memory_space<vmem>> -> memref<128x4xf32, #tpu.memory_space<vmem>>
    %dma_start3A_175 = arith.constant 0 : i32
    %dma_start3A_176 = tpu.memref_slice %arg20[%dma_start3A_171, %dma_start3A_175] : memref<32x128xi32, #tpu.memory_space<vmem>> -> memref<1x128xi32, #tpu.memory_space<vmem>>
    %dma_start3A_177 = tpu.memref_squeeze %dma_start3A_176 : memref<1x128xi32, #tpu.memory_space<vmem>> -> memref<128xi32, #tpu.memory_space<vmem>>
    %dma_start3A_178 = arith.constant 0 : i32
    %dma_start3A_179 = arith.constant 0 : i32
    %dma_start3A_180 = tpu.memref_slice %arg5[%dma_start3A_178, %dma_start3A_179] : memref<131080x4xf32, #tpu.memory_space<hbm>> -> memref<131080x4xf32, #tpu.memory_space<hbm>>
    tpu.enqueue_indirect_dma source(%dma_start3A_180 : memref<131080x4xf32, #tpu.memory_space<hbm>>) target(%dma_start3A_174 : memref<128x4xf32, #tpu.memory_space<vmem>>) offsets(%dma_start3A_177 : memref<128xi32, #tpu.memory_space<vmem>>) semaphore(%arg27 : memref<!tpu.dma_semaphore, #tpu.memory_space<semaphore_mem>>)
    %dma_start3A_181 = arith.constant 15 : i32
    %dma_start3A_182 = arith.constant 1920 : i32
    %dma_start3A_183 = arith.constant 0 : i32
    %dma_start3A_184 = tpu.memref_slice %arg21[%dma_start3A_182, %dma_start3A_183] : memref<4096x4xf32, #tpu.memory_space<vmem>> -> memref<128x4xf32, #tpu.memory_space<vmem>>
    %dma_start3A_185 = arith.constant 0 : i32
    %dma_start3A_186 = tpu.memref_slice %arg20[%dma_start3A_181, %dma_start3A_185] : memref<32x128xi32, #tpu.memory_space<vmem>> -> memref<1x128xi32, #tpu.memory_space<vmem>>
    %dma_start3A_187 = tpu.memref_squeeze %dma_start3A_186 : memref<1x128xi32, #tpu.memory_space<vmem>> -> memref<128xi32, #tpu.memory_space<vmem>>
    %dma_start3A_188 = arith.constant 0 : i32
    %dma_start3A_189 = arith.constant 0 : i32
    %dma_start3A_190 = tpu.memref_slice %arg5[%dma_start3A_188, %dma_start3A_189] : memref<131080x4xf32, #tpu.memory_space<hbm>> -> memref<131080x4xf32, #tpu.memory_space<hbm>>
    tpu.enqueue_indirect_dma source(%dma_start3A_190 : memref<131080x4xf32, #tpu.memory_space<hbm>>) target(%dma_start3A_184 : memref<128x4xf32, #tpu.memory_space<vmem>>) offsets(%dma_start3A_187 : memref<128xi32, #tpu.memory_space<vmem>>) semaphore(%arg27 : memref<!tpu.dma_semaphore, #tpu.memory_space<semaphore_mem>>)
    %dma_wait3A = arith.constant 0 : i32
    %dma_wait3A_191 = arith.constant 0 : i32
    %dma_wait3A_192 = arith.constant 0 : i32
    %dma_wait3A_193 = tpu.memref_slice %arg21[%dma_wait3A_191, %dma_wait3A_192] : memref<4096x4xf32, #tpu.memory_space<vmem>> -> memref<128x4xf32, #tpu.memory_space<vmem>>
    %dma_wait3A_194 = arith.constant 0 : i32
    %dma_wait3A_195 = tpu.memref_slice %arg20[%dma_wait3A, %dma_wait3A_194] : memref<32x128xi32, #tpu.memory_space<vmem>> -> memref<1x128xi32, #tpu.memory_space<vmem>>
    %dma_wait3A_196 = tpu.memref_squeeze %dma_wait3A_195 : memref<1x128xi32, #tpu.memory_space<vmem>> -> memref<128xi32, #tpu.memory_space<vmem>>
    %dma_wait3A_197 = arith.constant 0 : i32
    %dma_wait3A_198 = arith.constant 0 : i32
    %dma_wait3A_199 = tpu.memref_slice %arg5[%dma_wait3A_197, %dma_wait3A_198] : memref<131080x4xf32, #tpu.memory_space<hbm>> -> memref<131080x4xf32, #tpu.memory_space<hbm>>
    tpu.wait_indirect_dma semaphore(%arg27 : memref<!tpu.dma_semaphore, #tpu.memory_space<semaphore_mem>>) src(%dma_wait3A_199 : memref<131080x4xf32, #tpu.memory_space<hbm>>) dst(%dma_wait3A_193 : memref<128x4xf32, #tpu.memory_space<vmem>>)
    %dma_wait3A_200 = arith.constant 1 : i32
    %dma_wait3A_201 = arith.constant 128 : i32
    %dma_wait3A_202 = arith.constant 0 : i32
    %dma_wait3A_203 = tpu.memref_slice %arg21[%dma_wait3A_201, %dma_wait3A_202] : memref<4096x4xf32, #tpu.memory_space<vmem>> -> memref<128x4xf32, #tpu.memory_space<vmem>>
    %dma_wait3A_204 = arith.constant 0 : i32
    %dma_wait3A_205 = tpu.memref_slice %arg20[%dma_wait3A_200, %dma_wait3A_204] : memref<32x128xi32, #tpu.memory_space<vmem>> -> memref<1x128xi32, #tpu.memory_space<vmem>>
    %dma_wait3A_206 = tpu.memref_squeeze %dma_wait3A_205 : memref<1x128xi32, #tpu.memory_space<vmem>> -> memref<128xi32, #tpu.memory_space<vmem>>
    %dma_wait3A_207 = arith.constant 0 : i32
    %dma_wait3A_208 = arith.constant 0 : i32
    %dma_wait3A_209 = tpu.memref_slice %arg5[%dma_wait3A_207, %dma_wait3A_208] : memref<131080x4xf32, #tpu.memory_space<hbm>> -> memref<131080x4xf32, #tpu.memory_space<hbm>>
    tpu.wait_indirect_dma semaphore(%arg27 : memref<!tpu.dma_semaphore, #tpu.memory_space<semaphore_mem>>) src(%dma_wait3A_209 : memref<131080x4xf32, #tpu.memory_space<hbm>>) dst(%dma_wait3A_203 : memref<128x4xf32, #tpu.memory_space<vmem>>)
    %dma_wait3A_210 = arith.constant 2 : i32
    %dma_wait3A_211 = arith.constant 256 : i32
    %dma_wait3A_212 = arith.constant 0 : i32
    %dma_wait3A_213 = tpu.memref_slice %arg21[%dma_wait3A_211, %dma_wait3A_212] : memref<4096x4xf32, #tpu.memory_space<vmem>> -> memref<128x4xf32, #tpu.memory_space<vmem>>
    %dma_wait3A_214 = arith.constant 0 : i32
    %dma_wait3A_215 = tpu.memref_slice %arg20[%dma_wait3A_210, %dma_wait3A_214] : memref<32x128xi32, #tpu.memory_space<vmem>> -> memref<1x128xi32, #tpu.memory_space<vmem>>
    %dma_wait3A_216 = tpu.memref_squeeze %dma_wait3A_215 : memref<1x128xi32, #tpu.memory_space<vmem>> -> memref<128xi32, #tpu.memory_space<vmem>>
    %dma_wait3A_217 = arith.constant 0 : i32
    %dma_wait3A_218 = arith.constant 0 : i32
    %dma_wait3A_219 = tpu.memref_slice %arg5[%dma_wait3A_217, %dma_wait3A_218] : memref<131080x4xf32, #tpu.memory_space<hbm>> -> memref<131080x4xf32, #tpu.memory_space<hbm>>
    tpu.wait_indirect_dma semaphore(%arg27 : memref<!tpu.dma_semaphore, #tpu.memory_space<semaphore_mem>>) src(%dma_wait3A_219 : memref<131080x4xf32, #tpu.memory_space<hbm>>) dst(%dma_wait3A_213 : memref<128x4xf32, #tpu.memory_space<vmem>>)
    %dma_wait3A_220 = arith.constant 3 : i32
    %dma_wait3A_221 = arith.constant 384 : i32
    %dma_wait3A_222 = arith.constant 0 : i32
    %dma_wait3A_223 = tpu.memref_slice %arg21[%dma_wait3A_221, %dma_wait3A_222] : memref<4096x4xf32, #tpu.memory_space<vmem>> -> memref<128x4xf32, #tpu.memory_space<vmem>>
    %dma_wait3A_224 = arith.constant 0 : i32
    %dma_wait3A_225 = tpu.memref_slice %arg20[%dma_wait3A_220, %dma_wait3A_224] : memref<32x128xi32, #tpu.memory_space<vmem>> -> memref<1x128xi32, #tpu.memory_space<vmem>>
    %dma_wait3A_226 = tpu.memref_squeeze %dma_wait3A_225 : memref<1x128xi32, #tpu.memory_space<vmem>> -> memref<128xi32, #tpu.memory_space<vmem>>
    %dma_wait3A_227 = arith.constant 0 : i32
    %dma_wait3A_228 = arith.constant 0 : i32
    %dma_wait3A_229 = tpu.memref_slice %arg5[%dma_wait3A_227, %dma_wait3A_228] : memref<131080x4xf32, #tpu.memory_space<hbm>> -> memref<131080x4xf32, #tpu.memory_space<hbm>>
    tpu.wait_indirect_dma semaphore(%arg27 : memref<!tpu.dma_semaphore, #tpu.memory_space<semaphore_mem>>) src(%dma_wait3A_229 : memref<131080x4xf32, #tpu.memory_space<hbm>>) dst(%dma_wait3A_223 : memref<128x4xf32, #tpu.memory_space<vmem>>)
    %dma_wait3A_230 = arith.constant 4 : i32
    %dma_wait3A_231 = arith.constant 512 : i32
    %dma_wait3A_232 = arith.constant 0 : i32
    %dma_wait3A_233 = tpu.memref_slice %arg21[%dma_wait3A_231, %dma_wait3A_232] : memref<4096x4xf32, #tpu.memory_space<vmem>> -> memref<128x4xf32, #tpu.memory_space<vmem>>
    %dma_wait3A_234 = arith.constant 0 : i32
    %dma_wait3A_235 = tpu.memref_slice %arg20[%dma_wait3A_230, %dma_wait3A_234] : memref<32x128xi32, #tpu.memory_space<vmem>> -> memref<1x128xi32, #tpu.memory_space<vmem>>
    %dma_wait3A_236 = tpu.memref_squeeze %dma_wait3A_235 : memref<1x128xi32, #tpu.memory_space<vmem>> -> memref<128xi32, #tpu.memory_space<vmem>>
    %dma_wait3A_237 = arith.constant 0 : i32
    %dma_wait3A_238 = arith.constant 0 : i32
    %dma_wait3A_239 = tpu.memref_slice %arg5[%dma_wait3A_237, %dma_wait3A_238] : memref<131080x4xf32, #tpu.memory_space<hbm>> -> memref<131080x4xf32, #tpu.memory_space<hbm>>
    tpu.wait_indirect_dma semaphore(%arg27 : memref<!tpu.dma_semaphore, #tpu.memory_space<semaphore_mem>>) src(%dma_wait3A_239 : memref<131080x4xf32, #tpu.memory_space<hbm>>) dst(%dma_wait3A_233 : memref<128x4xf32, #tpu.memory_space<vmem>>)
    %dma_wait3A_240 = arith.constant 5 : i32
    %dma_wait3A_241 = arith.constant 640 : i32
    %dma_wait3A_242 = arith.constant 0 : i32
    %dma_wait3A_243 = tpu.memref_slice %arg21[%dma_wait3A_241, %dma_wait3A_242] : memref<4096x4xf32, #tpu.memory_space<vmem>> -> memref<128x4xf32, #tpu.memory_space<vmem>>
    %dma_wait3A_244 = arith.constant 0 : i32
    %dma_wait3A_245 = tpu.memref_slice %arg20[%dma_wait3A_240, %dma_wait3A_244] : memref<32x128xi32, #tpu.memory_space<vmem>> -> memref<1x128xi32, #tpu.memory_space<vmem>>
    %dma_wait3A_246 = tpu.memref_squeeze %dma_wait3A_245 : memref<1x128xi32, #tpu.memory_space<vmem>> -> memref<128xi32, #tpu.memory_space<vmem>>
    %dma_wait3A_247 = arith.constant 0 : i32
    %dma_wait3A_248 = arith.constant 0 : i32
    %dma_wait3A_249 = tpu.memref_slice %arg5[%dma_wait3A_247, %dma_wait3A_248] : memref<131080x4xf32, #tpu.memory_space<hbm>> -> memref<131080x4xf32, #tpu.memory_space<hbm>>
    tpu.wait_indirect_dma semaphore(%arg27 : memref<!tpu.dma_semaphore, #tpu.memory_space<semaphore_mem>>) src(%dma_wait3A_249 : memref<131080x4xf32, #tpu.memory_space<hbm>>) dst(%dma_wait3A_243 : memref<128x4xf32, #tpu.memory_space<vmem>>)
    %dma_wait3A_250 = arith.constant 6 : i32
    %dma_wait3A_251 = arith.constant 768 : i32
    %dma_wait3A_252 = arith.constant 0 : i32
    %dma_wait3A_253 = tpu.memref_slice %arg21[%dma_wait3A_251, %dma_wait3A_252] : memref<4096x4xf32, #tpu.memory_space<vmem>> -> memref<128x4xf32, #tpu.memory_space<vmem>>
    %dma_wait3A_254 = arith.constant 0 : i32
    %dma_wait3A_255 = tpu.memref_slice %arg20[%dma_wait3A_250, %dma_wait3A_254] : memref<32x128xi32, #tpu.memory_space<vmem>> -> memref<1x128xi32, #tpu.memory_space<vmem>>
    %dma_wait3A_256 = tpu.memref_squeeze %dma_wait3A_255 : memref<1x128xi32, #tpu.memory_space<vmem>> -> memref<128xi32, #tpu.memory_space<vmem>>
    %dma_wait3A_257 = arith.constant 0 : i32
    %dma_wait3A_258 = arith.constant 0 : i32
    %dma_wait3A_259 = tpu.memref_slice %arg5[%dma_wait3A_257, %dma_wait3A_258] : memref<131080x4xf32, #tpu.memory_space<hbm>> -> memref<131080x4xf32, #tpu.memory_space<hbm>>
    tpu.wait_indirect_dma semaphore(%arg27 : memref<!tpu.dma_semaphore, #tpu.memory_space<semaphore_mem>>) src(%dma_wait3A_259 : memref<131080x4xf32, #tpu.memory_space<hbm>>) dst(%dma_wait3A_253 : memref<128x4xf32, #tpu.memory_space<vmem>>)
    %dma_wait3A_260 = arith.constant 7 : i32
    %dma_wait3A_261 = arith.constant 896 : i32
    %dma_wait3A_262 = arith.constant 0 : i32
    %dma_wait3A_263 = tpu.memref_slice %arg21[%dma_wait3A_261, %dma_wait3A_262] : memref<4096x4xf32, #tpu.memory_space<vmem>> -> memref<128x4xf32, #tpu.memory_space<vmem>>
    %dma_wait3A_264 = arith.constant 0 : i32
    %dma_wait3A_265 = tpu.memref_slice %arg20[%dma_wait3A_260, %dma_wait3A_264] : memref<32x128xi32, #tpu.memory_space<vmem>> -> memref<1x128xi32, #tpu.memory_space<vmem>>
    %dma_wait3A_266 = tpu.memref_squeeze %dma_wait3A_265 : memref<1x128xi32, #tpu.memory_space<vmem>> -> memref<128xi32, #tpu.memory_space<vmem>>
    %dma_wait3A_267 = arith.constant 0 : i32
    %dma_wait3A_268 = arith.constant 0 : i32
    %dma_wait3A_269 = tpu.memref_slice %arg5[%dma_wait3A_267, %dma_wait3A_268] : memref<131080x4xf32, #tpu.memory_space<hbm>> -> memref<131080x4xf32, #tpu.memory_space<hbm>>
    tpu.wait_indirect_dma semaphore(%arg27 : memref<!tpu.dma_semaphore, #tpu.memory_space<semaphore_mem>>) src(%dma_wait3A_269 : memref<131080x4xf32, #tpu.memory_space<hbm>>) dst(%dma_wait3A_263 : memref<128x4xf32, #tpu.memory_space<vmem>>)
    %dma_wait3A_270 = arith.constant 8 : i32
    %dma_wait3A_271 = arith.constant 1024 : i32
    %dma_wait3A_272 = arith.constant 0 : i32
    %dma_wait3A_273 = tpu.memref_slice %arg21[%dma_wait3A_271, %dma_wait3A_272] : memref<4096x4xf32, #tpu.memory_space<vmem>> -> memref<128x4xf32, #tpu.memory_space<vmem>>
    %dma_wait3A_274 = arith.constant 0 : i32
    %dma_wait3A_275 = tpu.memref_slice %arg20[%dma_wait3A_270, %dma_wait3A_274] : memref<32x128xi32, #tpu.memory_space<vmem>> -> memref<1x128xi32, #tpu.memory_space<vmem>>
    %dma_wait3A_276 = tpu.memref_squeeze %dma_wait3A_275 : memref<1x128xi32, #tpu.memory_space<vmem>> -> memref<128xi32, #tpu.memory_space<vmem>>
    %dma_wait3A_277 = arith.constant 0 : i32
    %dma_wait3A_278 = arith.constant 0 : i32
    %dma_wait3A_279 = tpu.memref_slice %arg5[%dma_wait3A_277, %dma_wait3A_278] : memref<131080x4xf32, #tpu.memory_space<hbm>> -> memref<131080x4xf32, #tpu.memory_space<hbm>>
    tpu.wait_indirect_dma semaphore(%arg27 : memref<!tpu.dma_semaphore, #tpu.memory_space<semaphore_mem>>) src(%dma_wait3A_279 : memref<131080x4xf32, #tpu.memory_space<hbm>>) dst(%dma_wait3A_273 : memref<128x4xf32, #tpu.memory_space<vmem>>)
    %dma_wait3A_280 = arith.constant 9 : i32
    %dma_wait3A_281 = arith.constant 1152 : i32
    %dma_wait3A_282 = arith.constant 0 : i32
    %dma_wait3A_283 = tpu.memref_slice %arg21[%dma_wait3A_281, %dma_wait3A_282] : memref<4096x4xf32, #tpu.memory_space<vmem>> -> memref<128x4xf32, #tpu.memory_space<vmem>>
    %dma_wait3A_284 = arith.constant 0 : i32
    %dma_wait3A_285 = tpu.memref_slice %arg20[%dma_wait3A_280, %dma_wait3A_284] : memref<32x128xi32, #tpu.memory_space<vmem>> -> memref<1x128xi32, #tpu.memory_space<vmem>>
    %dma_wait3A_286 = tpu.memref_squeeze %dma_wait3A_285 : memref<1x128xi32, #tpu.memory_space<vmem>> -> memref<128xi32, #tpu.memory_space<vmem>>
    %dma_wait3A_287 = arith.constant 0 : i32
    %dma_wait3A_288 = arith.constant 0 : i32
    %dma_wait3A_289 = tpu.memref_slice %arg5[%dma_wait3A_287, %dma_wait3A_288] : memref<131080x4xf32, #tpu.memory_space<hbm>> -> memref<131080x4xf32, #tpu.memory_space<hbm>>
    tpu.wait_indirect_dma semaphore(%arg27 : memref<!tpu.dma_semaphore, #tpu.memory_space<semaphore_mem>>) src(%dma_wait3A_289 : memref<131080x4xf32, #tpu.memory_space<hbm>>) dst(%dma_wait3A_283 : memref<128x4xf32, #tpu.memory_space<vmem>>)
    %dma_wait3A_290 = arith.constant 10 : i32
    %dma_wait3A_291 = arith.constant 1280 : i32
    %dma_wait3A_292 = arith.constant 0 : i32
    %dma_wait3A_293 = tpu.memref_slice %arg21[%dma_wait3A_291, %dma_wait3A_292] : memref<4096x4xf32, #tpu.memory_space<vmem>> -> memref<128x4xf32, #tpu.memory_space<vmem>>
    %dma_wait3A_294 = arith.constant 0 : i32
    %dma_wait3A_295 = tpu.memref_slice %arg20[%dma_wait3A_290, %dma_wait3A_294] : memref<32x128xi32, #tpu.memory_space<vmem>> -> memref<1x128xi32, #tpu.memory_space<vmem>>
    %dma_wait3A_296 = tpu.memref_squeeze %dma_wait3A_295 : memref<1x128xi32, #tpu.memory_space<vmem>> -> memref<128xi32, #tpu.memory_space<vmem>>
    %dma_wait3A_297 = arith.constant 0 : i32
    %dma_wait3A_298 = arith.constant 0 : i32
    %dma_wait3A_299 = tpu.memref_slice %arg5[%dma_wait3A_297, %dma_wait3A_298] : memref<131080x4xf32, #tpu.memory_space<hbm>> -> memref<131080x4xf32, #tpu.memory_space<hbm>>
    tpu.wait_indirect_dma semaphore(%arg27 : memref<!tpu.dma_semaphore, #tpu.memory_space<semaphore_mem>>) src(%dma_wait3A_299 : memref<131080x4xf32, #tpu.memory_space<hbm>>) dst(%dma_wait3A_293 : memref<128x4xf32, #tpu.memory_space<vmem>>)
    %dma_wait3A_300 = arith.constant 11 : i32
    %dma_wait3A_301 = arith.constant 1408 : i32
    %dma_wait3A_302 = arith.constant 0 : i32
    %dma_wait3A_303 = tpu.memref_slice %arg21[%dma_wait3A_301, %dma_wait3A_302] : memref<4096x4xf32, #tpu.memory_space<vmem>> -> memref<128x4xf32, #tpu.memory_space<vmem>>
    %dma_wait3A_304 = arith.constant 0 : i32
    %dma_wait3A_305 = tpu.memref_slice %arg20[%dma_wait3A_300, %dma_wait3A_304] : memref<32x128xi32, #tpu.memory_space<vmem>> -> memref<1x128xi32, #tpu.memory_space<vmem>>
    %dma_wait3A_306 = tpu.memref_squeeze %dma_wait3A_305 : memref<1x128xi32, #tpu.memory_space<vmem>> -> memref<128xi32, #tpu.memory_space<vmem>>
    %dma_wait3A_307 = arith.constant 0 : i32
    %dma_wait3A_308 = arith.constant 0 : i32
    %dma_wait3A_309 = tpu.memref_slice %arg5[%dma_wait3A_307, %dma_wait3A_308] : memref<131080x4xf32, #tpu.memory_space<hbm>> -> memref<131080x4xf32, #tpu.memory_space<hbm>>
    tpu.wait_indirect_dma semaphore(%arg27 : memref<!tpu.dma_semaphore, #tpu.memory_space<semaphore_mem>>) src(%dma_wait3A_309 : memref<131080x4xf32, #tpu.memory_space<hbm>>) dst(%dma_wait3A_303 : memref<128x4xf32, #tpu.memory_space<vmem>>)
    %dma_wait3A_310 = arith.constant 12 : i32
    %dma_wait3A_311 = arith.constant 1536 : i32
    %dma_wait3A_312 = arith.constant 0 : i32
    %dma_wait3A_313 = tpu.memref_slice %arg21[%dma_wait3A_311, %dma_wait3A_312] : memref<4096x4xf32, #tpu.memory_space<vmem>> -> memref<128x4xf32, #tpu.memory_space<vmem>>
    %dma_wait3A_314 = arith.constant 0 : i32
    %dma_wait3A_315 = tpu.memref_slice %arg20[%dma_wait3A_310, %dma_wait3A_314] : memref<32x128xi32, #tpu.memory_space<vmem>> -> memref<1x128xi32, #tpu.memory_space<vmem>>
    %dma_wait3A_316 = tpu.memref_squeeze %dma_wait3A_315 : memref<1x128xi32, #tpu.memory_space<vmem>> -> memref<128xi32, #tpu.memory_space<vmem>>
    %dma_wait3A_317 = arith.constant 0 : i32
    %dma_wait3A_318 = arith.constant 0 : i32
    %dma_wait3A_319 = tpu.memref_slice %arg5[%dma_wait3A_317, %dma_wait3A_318] : memref<131080x4xf32, #tpu.memory_space<hbm>> -> memref<131080x4xf32, #tpu.memory_space<hbm>>
    tpu.wait_indirect_dma semaphore(%arg27 : memref<!tpu.dma_semaphore, #tpu.memory_space<semaphore_mem>>) src(%dma_wait3A_319 : memref<131080x4xf32, #tpu.memory_space<hbm>>) dst(%dma_wait3A_313 : memref<128x4xf32, #tpu.memory_space<vmem>>)
    %dma_wait3A_320 = arith.constant 13 : i32
    %dma_wait3A_321 = arith.constant 1664 : i32
    %dma_wait3A_322 = arith.constant 0 : i32
    %dma_wait3A_323 = tpu.memref_slice %arg21[%dma_wait3A_321, %dma_wait3A_322] : memref<4096x4xf32, #tpu.memory_space<vmem>> -> memref<128x4xf32, #tpu.memory_space<vmem>>
    %dma_wait3A_324 = arith.constant 0 : i32
    %dma_wait3A_325 = tpu.memref_slice %arg20[%dma_wait3A_320, %dma_wait3A_324] : memref<32x128xi32, #tpu.memory_space<vmem>> -> memref<1x128xi32, #tpu.memory_space<vmem>>
    %dma_wait3A_326 = tpu.memref_squeeze %dma_wait3A_325 : memref<1x128xi32, #tpu.memory_space<vmem>> -> memref<128xi32, #tpu.memory_space<vmem>>
    %dma_wait3A_327 = arith.constant 0 : i32
    %dma_wait3A_328 = arith.constant 0 : i32
    %dma_wait3A_329 = tpu.memref_slice %arg5[%dma_wait3A_327, %dma_wait3A_328] : memref<131080x4xf32, #tpu.memory_space<hbm>> -> memref<131080x4xf32, #tpu.memory_space<hbm>>
    tpu.wait_indirect_dma semaphore(%arg27 : memref<!tpu.dma_semaphore, #tpu.memory_space<semaphore_mem>>) src(%dma_wait3A_329 : memref<131080x4xf32, #tpu.memory_space<hbm>>) dst(%dma_wait3A_323 : memref<128x4xf32, #tpu.memory_space<vmem>>)
    %dma_wait3A_330 = arith.constant 14 : i32
    %dma_wait3A_331 = arith.constant 1792 : i32
    %dma_wait3A_332 = arith.constant 0 : i32
    %dma_wait3A_333 = tpu.memref_slice %arg21[%dma_wait3A_331, %dma_wait3A_332] : memref<4096x4xf32, #tpu.memory_space<vmem>> -> memref<128x4xf32, #tpu.memory_space<vmem>>
    %dma_wait3A_334 = arith.constant 0 : i32
    %dma_wait3A_335 = tpu.memref_slice %arg20[%dma_wait3A_330, %dma_wait3A_334] : memref<32x128xi32, #tpu.memory_space<vmem>> -> memref<1x128xi32, #tpu.memory_space<vmem>>
    %dma_wait3A_336 = tpu.memref_squeeze %dma_wait3A_335 : memref<1x128xi32, #tpu.memory_space<vmem>> -> memref<128xi32, #tpu.memory_space<vmem>>
    %dma_wait3A_337 = arith.constant 0 : i32
    %dma_wait3A_338 = arith.constant 0 : i32
    %dma_wait3A_339 = tpu.memref_slice %arg5[%dma_wait3A_337, %dma_wait3A_338] : memref<131080x4xf32, #tpu.memory_space<hbm>> -> memref<131080x4xf32, #tpu.memory_space<hbm>>
    tpu.wait_indirect_dma semaphore(%arg27 : memref<!tpu.dma_semaphore, #tpu.memory_space<semaphore_mem>>) src(%dma_wait3A_339 : memref<131080x4xf32, #tpu.memory_space<hbm>>) dst(%dma_wait3A_333 : memref<128x4xf32, #tpu.memory_space<vmem>>)
    %dma_wait3A_340 = arith.constant 15 : i32
    %dma_wait3A_341 = arith.constant 1920 : i32
    %dma_wait3A_342 = arith.constant 0 : i32
    %dma_wait3A_343 = tpu.memref_slice %arg21[%dma_wait3A_341, %dma_wait3A_342] : memref<4096x4xf32, #tpu.memory_space<vmem>> -> memref<128x4xf32, #tpu.memory_space<vmem>>
    %dma_wait3A_344 = arith.constant 0 : i32
    %dma_wait3A_345 = tpu.memref_slice %arg20[%dma_wait3A_340, %dma_wait3A_344] : memref<32x128xi32, #tpu.memory_space<vmem>> -> memref<1x128xi32, #tpu.memory_space<vmem>>
    %dma_wait3A_346 = tpu.memref_squeeze %dma_wait3A_345 : memref<1x128xi32, #tpu.memory_space<vmem>> -> memref<128xi32, #tpu.memory_space<vmem>>
    %dma_wait3A_347 = arith.constant 0 : i32
    %dma_wait3A_348 = arith.constant 0 : i32
    %dma_wait3A_349 = tpu.memref_slice %arg5[%dma_wait3A_347, %dma_wait3A_348] : memref<131080x4xf32, #tpu.memory_space<hbm>> -> memref<131080x4xf32, #tpu.memory_space<hbm>>
    tpu.wait_indirect_dma semaphore(%arg27 : memref<!tpu.dma_semaphore, #tpu.memory_space<semaphore_mem>>) src(%dma_wait3A_349 : memref<131080x4xf32, #tpu.memory_space<hbm>>) dst(%dma_wait3A_343 : memref<128x4xf32, #tpu.memory_space<vmem>>)
    %dma_start3A_350 = arith.constant 16 : i32
    %dma_start3A_351 = arith.constant 2048 : i32
    %dma_start3A_352 = arith.constant 0 : i32
    %dma_start3A_353 = tpu.memref_slice %arg21[%dma_start3A_351, %dma_start3A_352] : memref<4096x4xf32, #tpu.memory_space<vmem>> -> memref<128x4xf32, #tpu.memory_space<vmem>>
    %dma_start3A_354 = arith.constant 0 : i32
    %dma_start3A_355 = tpu.memref_slice %arg20[%dma_start3A_350, %dma_start3A_354] : memref<32x128xi32, #tpu.memory_space<vmem>> -> memref<1x128xi32, #tpu.memory_space<vmem>>
    %dma_start3A_356 = tpu.memref_squeeze %dma_start3A_355 : memref<1x128xi32, #tpu.memory_space<vmem>> -> memref<128xi32, #tpu.memory_space<vmem>>
    %dma_start3A_357 = arith.constant 0 : i32
    %dma_start3A_358 = arith.constant 0 : i32
    %dma_start3A_359 = tpu.memref_slice %arg5[%dma_start3A_357, %dma_start3A_358] : memref<131080x4xf32, #tpu.memory_space<hbm>> -> memref<131080x4xf32, #tpu.memory_space<hbm>>
    tpu.enqueue_indirect_dma source(%dma_start3A_359 : memref<131080x4xf32, #tpu.memory_space<hbm>>) target(%dma_start3A_353 : memref<128x4xf32, #tpu.memory_space<vmem>>) offsets(%dma_start3A_356 : memref<128xi32, #tpu.memory_space<vmem>>) semaphore(%arg27 : memref<!tpu.dma_semaphore, #tpu.memory_space<semaphore_mem>>)
    %dma_start3A_360 = arith.constant 17 : i32
    %dma_start3A_361 = arith.constant 2176 : i32
    %dma_start3A_362 = arith.constant 0 : i32
    %dma_start3A_363 = tpu.memref_slice %arg21[%dma_start3A_361, %dma_start3A_362] : memref<4096x4xf32, #tpu.memory_space<vmem>> -> memref<128x4xf32, #tpu.memory_space<vmem>>
    %dma_start3A_364 = arith.constant 0 : i32
    %dma_start3A_365 = tpu.memref_slice %arg20[%dma_start3A_360, %dma_start3A_364] : memref<32x128xi32, #tpu.memory_space<vmem>> -> memref<1x128xi32, #tpu.memory_space<vmem>>
    %dma_start3A_366 = tpu.memref_squeeze %dma_start3A_365 : memref<1x128xi32, #tpu.memory_space<vmem>> -> memref<128xi32, #tpu.memory_space<vmem>>
    %dma_start3A_367 = arith.constant 0 : i32
    %dma_start3A_368 = arith.constant 0 : i32
    %dma_start3A_369 = tpu.memref_slice %arg5[%dma_start3A_367, %dma_start3A_368] : memref<131080x4xf32, #tpu.memory_space<hbm>> -> memref<131080x4xf32, #tpu.memory_space<hbm>>
    tpu.enqueue_indirect_dma source(%dma_start3A_369 : memref<131080x4xf32, #tpu.memory_space<hbm>>) target(%dma_start3A_363 : memref<128x4xf32, #tpu.memory_space<vmem>>) offsets(%dma_start3A_366 : memref<128xi32, #tpu.memory_space<vmem>>) semaphore(%arg27 : memref<!tpu.dma_semaphore, #tpu.memory_space<semaphore_mem>>)
    %dma_start3A_370 = arith.constant 18 : i32
    %dma_start3A_371 = arith.constant 2304 : i32
    %dma_start3A_372 = arith.constant 0 : i32
    %dma_start3A_373 = tpu.memref_slice %arg21[%dma_start3A_371, %dma_start3A_372] : memref<4096x4xf32, #tpu.memory_space<vmem>> -> memref<128x4xf32, #tpu.memory_space<vmem>>
    %dma_start3A_374 = arith.constant 0 : i32
    %dma_start3A_375 = tpu.memref_slice %arg20[%dma_start3A_370, %dma_start3A_374] : memref<32x128xi32, #tpu.memory_space<vmem>> -> memref<1x128xi32, #tpu.memory_space<vmem>>
    %dma_start3A_376 = tpu.memref_squeeze %dma_start3A_375 : memref<1x128xi32, #tpu.memory_space<vmem>> -> memref<128xi32, #tpu.memory_space<vmem>>
    %dma_start3A_377 = arith.constant 0 : i32
    %dma_start3A_378 = arith.constant 0 : i32
    %dma_start3A_379 = tpu.memref_slice %arg5[%dma_start3A_377, %dma_start3A_378] : memref<131080x4xf32, #tpu.memory_space<hbm>> -> memref<131080x4xf32, #tpu.memory_space<hbm>>
    tpu.enqueue_indirect_dma source(%dma_start3A_379 : memref<131080x4xf32, #tpu.memory_space<hbm>>) target(%dma_start3A_373 : memref<128x4xf32, #tpu.memory_space<vmem>>) offsets(%dma_start3A_376 : memref<128xi32, #tpu.memory_space<vmem>>) semaphore(%arg27 : memref<!tpu.dma_semaphore, #tpu.memory_space<semaphore_mem>>)
    %dma_start3A_380 = arith.constant 19 : i32
    %dma_start3A_381 = arith.constant 2432 : i32
    %dma_start3A_382 = arith.constant 0 : i32
    %dma_start3A_383 = tpu.memref_slice %arg21[%dma_start3A_381, %dma_start3A_382] : memref<4096x4xf32, #tpu.memory_space<vmem>> -> memref<128x4xf32, #tpu.memory_space<vmem>>
    %dma_start3A_384 = arith.constant 0 : i32
    %dma_start3A_385 = tpu.memref_slice %arg20[%dma_start3A_380, %dma_start3A_384] : memref<32x128xi32, #tpu.memory_space<vmem>> -> memref<1x128xi32, #tpu.memory_space<vmem>>
    %dma_start3A_386 = tpu.memref_squeeze %dma_start3A_385 : memref<1x128xi32, #tpu.memory_space<vmem>> -> memref<128xi32, #tpu.memory_space<vmem>>
    %dma_start3A_387 = arith.constant 0 : i32
    %dma_start3A_388 = arith.constant 0 : i32
    %dma_start3A_389 = tpu.memref_slice %arg5[%dma_start3A_387, %dma_start3A_388] : memref<131080x4xf32, #tpu.memory_space<hbm>> -> memref<131080x4xf32, #tpu.memory_space<hbm>>
    tpu.enqueue_indirect_dma source(%dma_start3A_389 : memref<131080x4xf32, #tpu.memory_space<hbm>>) target(%dma_start3A_383 : memref<128x4xf32, #tpu.memory_space<vmem>>) offsets(%dma_start3A_386 : memref<128xi32, #tpu.memory_space<vmem>>) semaphore(%arg27 : memref<!tpu.dma_semaphore, #tpu.memory_space<semaphore_mem>>)
    %dma_start3A_390 = arith.constant 20 : i32
    %dma_start3A_391 = arith.constant 2560 : i32
    %dma_start3A_392 = arith.constant 0 : i32
    %dma_start3A_393 = tpu.memref_slice %arg21[%dma_start3A_391, %dma_start3A_392] : memref<4096x4xf32, #tpu.memory_space<vmem>> -> memref<128x4xf32, #tpu.memory_space<vmem>>
    %dma_start3A_394 = arith.constant 0 : i32
    %dma_start3A_395 = tpu.memref_slice %arg20[%dma_start3A_390, %dma_start3A_394] : memref<32x128xi32, #tpu.memory_space<vmem>> -> memref<1x128xi32, #tpu.memory_space<vmem>>
    %dma_start3A_396 = tpu.memref_squeeze %dma_start3A_395 : memref<1x128xi32, #tpu.memory_space<vmem>> -> memref<128xi32, #tpu.memory_space<vmem>>
    %dma_start3A_397 = arith.constant 0 : i32
    %dma_start3A_398 = arith.constant 0 : i32
    %dma_start3A_399 = tpu.memref_slice %arg5[%dma_start3A_397, %dma_start3A_398] : memref<131080x4xf32, #tpu.memory_space<hbm>> -> memref<131080x4xf32, #tpu.memory_space<hbm>>
    tpu.enqueue_indirect_dma source(%dma_start3A_399 : memref<131080x4xf32, #tpu.memory_space<hbm>>) target(%dma_start3A_393 : memref<128x4xf32, #tpu.memory_space<vmem>>) offsets(%dma_start3A_396 : memref<128xi32, #tpu.memory_space<vmem>>) semaphore(%arg27 : memref<!tpu.dma_semaphore, #tpu.memory_space<semaphore_mem>>)
    %dma_start3A_400 = arith.constant 21 : i32
    %dma_start3A_401 = arith.constant 2688 : i32
    %dma_start3A_402 = arith.constant 0 : i32
    %dma_start3A_403 = tpu.memref_slice %arg21[%dma_start3A_401, %dma_start3A_402] : memref<4096x4xf32, #tpu.memory_space<vmem>> -> memref<128x4xf32, #tpu.memory_space<vmem>>
    %dma_start3A_404 = arith.constant 0 : i32
    %dma_start3A_405 = tpu.memref_slice %arg20[%dma_start3A_400, %dma_start3A_404] : memref<32x128xi32, #tpu.memory_space<vmem>> -> memref<1x128xi32, #tpu.memory_space<vmem>>
    %dma_start3A_406 = tpu.memref_squeeze %dma_start3A_405 : memref<1x128xi32, #tpu.memory_space<vmem>> -> memref<128xi32, #tpu.memory_space<vmem>>
    %dma_start3A_407 = arith.constant 0 : i32
    %dma_start3A_408 = arith.constant 0 : i32
    %dma_start3A_409 = tpu.memref_slice %arg5[%dma_start3A_407, %dma_start3A_408] : memref<131080x4xf32, #tpu.memory_space<hbm>> -> memref<131080x4xf32, #tpu.memory_space<hbm>>
    tpu.enqueue_indirect_dma source(%dma_start3A_409 : memref<131080x4xf32, #tpu.memory_space<hbm>>) target(%dma_start3A_403 : memref<128x4xf32, #tpu.memory_space<vmem>>) offsets(%dma_start3A_406 : memref<128xi32, #tpu.memory_space<vmem>>) semaphore(%arg27 : memref<!tpu.dma_semaphore, #tpu.memory_space<semaphore_mem>>)
    %dma_start3A_410 = arith.constant 22 : i32
    %dma_start3A_411 = arith.constant 2816 : i32
    %dma_start3A_412 = arith.constant 0 : i32
    %dma_start3A_413 = tpu.memref_slice %arg21[%dma_start3A_411, %dma_start3A_412] : memref<4096x4xf32, #tpu.memory_space<vmem>> -> memref<128x4xf32, #tpu.memory_space<vmem>>
    %dma_start3A_414 = arith.constant 0 : i32
    %dma_start3A_415 = tpu.memref_slice %arg20[%dma_start3A_410, %dma_start3A_414] : memref<32x128xi32, #tpu.memory_space<vmem>> -> memref<1x128xi32, #tpu.memory_space<vmem>>
    %dma_start3A_416 = tpu.memref_squeeze %dma_start3A_415 : memref<1x128xi32, #tpu.memory_space<vmem>> -> memref<128xi32, #tpu.memory_space<vmem>>
    %dma_start3A_417 = arith.constant 0 : i32
    %dma_start3A_418 = arith.constant 0 : i32
    %dma_start3A_419 = tpu.memref_slice %arg5[%dma_start3A_417, %dma_start3A_418] : memref<131080x4xf32, #tpu.memory_space<hbm>> -> memref<131080x4xf32, #tpu.memory_space<hbm>>
    tpu.enqueue_indirect_dma source(%dma_start3A_419 : memref<131080x4xf32, #tpu.memory_space<hbm>>) target(%dma_start3A_413 : memref<128x4xf32, #tpu.memory_space<vmem>>) offsets(%dma_start3A_416 : memref<128xi32, #tpu.memory_space<vmem>>) semaphore(%arg27 : memref<!tpu.dma_semaphore, #tpu.memory_space<semaphore_mem>>)
    %dma_start3A_420 = arith.constant 23 : i32
    %dma_start3A_421 = arith.constant 2944 : i32
    %dma_start3A_422 = arith.constant 0 : i32
    %dma_start3A_423 = tpu.memref_slice %arg21[%dma_start3A_421, %dma_start3A_422] : memref<4096x4xf32, #tpu.memory_space<vmem>> -> memref<128x4xf32, #tpu.memory_space<vmem>>
    %dma_start3A_424 = arith.constant 0 : i32
    %dma_start3A_425 = tpu.memref_slice %arg20[%dma_start3A_420, %dma_start3A_424] : memref<32x128xi32, #tpu.memory_space<vmem>> -> memref<1x128xi32, #tpu.memory_space<vmem>>
    %dma_start3A_426 = tpu.memref_squeeze %dma_start3A_425 : memref<1x128xi32, #tpu.memory_space<vmem>> -> memref<128xi32, #tpu.memory_space<vmem>>
    %dma_start3A_427 = arith.constant 0 : i32
    %dma_start3A_428 = arith.constant 0 : i32
    %dma_start3A_429 = tpu.memref_slice %arg5[%dma_start3A_427, %dma_start3A_428] : memref<131080x4xf32, #tpu.memory_space<hbm>> -> memref<131080x4xf32, #tpu.memory_space<hbm>>
    tpu.enqueue_indirect_dma source(%dma_start3A_429 : memref<131080x4xf32, #tpu.memory_space<hbm>>) target(%dma_start3A_423 : memref<128x4xf32, #tpu.memory_space<vmem>>) offsets(%dma_start3A_426 : memref<128xi32, #tpu.memory_space<vmem>>) semaphore(%arg27 : memref<!tpu.dma_semaphore, #tpu.memory_space<semaphore_mem>>)
    %dma_start3A_430 = arith.constant 24 : i32
    %dma_start3A_431 = arith.constant 3072 : i32
    %dma_start3A_432 = arith.constant 0 : i32
    %dma_start3A_433 = tpu.memref_slice %arg21[%dma_start3A_431, %dma_start3A_432] : memref<4096x4xf32, #tpu.memory_space<vmem>> -> memref<128x4xf32, #tpu.memory_space<vmem>>
    %dma_start3A_434 = arith.constant 0 : i32
    %dma_start3A_435 = tpu.memref_slice %arg20[%dma_start3A_430, %dma_start3A_434] : memref<32x128xi32, #tpu.memory_space<vmem>> -> memref<1x128xi32, #tpu.memory_space<vmem>>
    %dma_start3A_436 = tpu.memref_squeeze %dma_start3A_435 : memref<1x128xi32, #tpu.memory_space<vmem>> -> memref<128xi32, #tpu.memory_space<vmem>>
    %dma_start3A_437 = arith.constant 0 : i32
    %dma_start3A_438 = arith.constant 0 : i32
    %dma_start3A_439 = tpu.memref_slice %arg5[%dma_start3A_437, %dma_start3A_438] : memref<131080x4xf32, #tpu.memory_space<hbm>> -> memref<131080x4xf32, #tpu.memory_space<hbm>>
    tpu.enqueue_indirect_dma source(%dma_start3A_439 : memref<131080x4xf32, #tpu.memory_space<hbm>>) target(%dma_start3A_433 : memref<128x4xf32, #tpu.memory_space<vmem>>) offsets(%dma_start3A_436 : memref<128xi32, #tpu.memory_space<vmem>>) semaphore(%arg27 : memref<!tpu.dma_semaphore, #tpu.memory_space<semaphore_mem>>)
    %dma_start3A_440 = arith.constant 25 : i32
    %dma_start3A_441 = arith.constant 3200 : i32
    %dma_start3A_442 = arith.constant 0 : i32
    %dma_start3A_443 = tpu.memref_slice %arg21[%dma_start3A_441, %dma_start3A_442] : memref<4096x4xf32, #tpu.memory_space<vmem>> -> memref<128x4xf32, #tpu.memory_space<vmem>>
    %dma_start3A_444 = arith.constant 0 : i32
    %dma_start3A_445 = tpu.memref_slice %arg20[%dma_start3A_440, %dma_start3A_444] : memref<32x128xi32, #tpu.memory_space<vmem>> -> memref<1x128xi32, #tpu.memory_space<vmem>>
    %dma_start3A_446 = tpu.memref_squeeze %dma_start3A_445 : memref<1x128xi32, #tpu.memory_space<vmem>> -> memref<128xi32, #tpu.memory_space<vmem>>
    %dma_start3A_447 = arith.constant 0 : i32
    %dma_start3A_448 = arith.constant 0 : i32
    %dma_start3A_449 = tpu.memref_slice %arg5[%dma_start3A_447, %dma_start3A_448] : memref<131080x4xf32, #tpu.memory_space<hbm>> -> memref<131080x4xf32, #tpu.memory_space<hbm>>
    tpu.enqueue_indirect_dma source(%dma_start3A_449 : memref<131080x4xf32, #tpu.memory_space<hbm>>) target(%dma_start3A_443 : memref<128x4xf32, #tpu.memory_space<vmem>>) offsets(%dma_start3A_446 : memref<128xi32, #tpu.memory_space<vmem>>) semaphore(%arg27 : memref<!tpu.dma_semaphore, #tpu.memory_space<semaphore_mem>>)
    %dma_start3A_450 = arith.constant 26 : i32
    %dma_start3A_451 = arith.constant 3328 : i32
    %dma_start3A_452 = arith.constant 0 : i32
    %dma_start3A_453 = tpu.memref_slice %arg21[%dma_start3A_451, %dma_start3A_452] : memref<4096x4xf32, #tpu.memory_space<vmem>> -> memref<128x4xf32, #tpu.memory_space<vmem>>
    %dma_start3A_454 = arith.constant 0 : i32
    %dma_start3A_455 = tpu.memref_slice %arg20[%dma_start3A_450, %dma_start3A_454] : memref<32x128xi32, #tpu.memory_space<vmem>> -> memref<1x128xi32, #tpu.memory_space<vmem>>
    %dma_start3A_456 = tpu.memref_squeeze %dma_start3A_455 : memref<1x128xi32, #tpu.memory_space<vmem>> -> memref<128xi32, #tpu.memory_space<vmem>>
    %dma_start3A_457 = arith.constant 0 : i32
    %dma_start3A_458 = arith.constant 0 : i32
    %dma_start3A_459 = tpu.memref_slice %arg5[%dma_start3A_457, %dma_start3A_458] : memref<131080x4xf32, #tpu.memory_space<hbm>> -> memref<131080x4xf32, #tpu.memory_space<hbm>>
    tpu.enqueue_indirect_dma source(%dma_start3A_459 : memref<131080x4xf32, #tpu.memory_space<hbm>>) target(%dma_start3A_453 : memref<128x4xf32, #tpu.memory_space<vmem>>) offsets(%dma_start3A_456 : memref<128xi32, #tpu.memory_space<vmem>>) semaphore(%arg27 : memref<!tpu.dma_semaphore, #tpu.memory_space<semaphore_mem>>)
    %dma_start3A_460 = arith.constant 27 : i32
    %dma_start3A_461 = arith.constant 3456 : i32
    %dma_start3A_462 = arith.constant 0 : i32
    %dma_start3A_463 = tpu.memref_slice %arg21[%dma_start3A_461, %dma_start3A_462] : memref<4096x4xf32, #tpu.memory_space<vmem>> -> memref<128x4xf32, #tpu.memory_space<vmem>>
    %dma_start3A_464 = arith.constant 0 : i32
    %dma_start3A_465 = tpu.memref_slice %arg20[%dma_start3A_460, %dma_start3A_464] : memref<32x128xi32, #tpu.memory_space<vmem>> -> memref<1x128xi32, #tpu.memory_space<vmem>>
    %dma_start3A_466 = tpu.memref_squeeze %dma_start3A_465 : memref<1x128xi32, #tpu.memory_space<vmem>> -> memref<128xi32, #tpu.memory_space<vmem>>
    %dma_start3A_467 = arith.constant 0 : i32
    %dma_start3A_468 = arith.constant 0 : i32
    %dma_start3A_469 = tpu.memref_slice %arg5[%dma_start3A_467, %dma_start3A_468] : memref<131080x4xf32, #tpu.memory_space<hbm>> -> memref<131080x4xf32, #tpu.memory_space<hbm>>
    tpu.enqueue_indirect_dma source(%dma_start3A_469 : memref<131080x4xf32, #tpu.memory_space<hbm>>) target(%dma_start3A_463 : memref<128x4xf32, #tpu.memory_space<vmem>>) offsets(%dma_start3A_466 : memref<128xi32, #tpu.memory_space<vmem>>) semaphore(%arg27 : memref<!tpu.dma_semaphore, #tpu.memory_space<semaphore_mem>>)
    %dma_start3A_470 = arith.constant 28 : i32
    %dma_start3A_471 = arith.constant 3584 : i32
    %dma_start3A_472 = arith.constant 0 : i32
    %dma_start3A_473 = tpu.memref_slice %arg21[%dma_start3A_471, %dma_start3A_472] : memref<4096x4xf32, #tpu.memory_space<vmem>> -> memref<128x4xf32, #tpu.memory_space<vmem>>
    %dma_start3A_474 = arith.constant 0 : i32
    %dma_start3A_475 = tpu.memref_slice %arg20[%dma_start3A_470, %dma_start3A_474] : memref<32x128xi32, #tpu.memory_space<vmem>> -> memref<1x128xi32, #tpu.memory_space<vmem>>
    %dma_start3A_476 = tpu.memref_squeeze %dma_start3A_475 : memref<1x128xi32, #tpu.memory_space<vmem>> -> memref<128xi32, #tpu.memory_space<vmem>>
    %dma_start3A_477 = arith.constant 0 : i32
    %dma_start3A_478 = arith.constant 0 : i32
    %dma_start3A_479 = tpu.memref_slice %arg5[%dma_start3A_477, %dma_start3A_478] : memref<131080x4xf32, #tpu.memory_space<hbm>> -> memref<131080x4xf32, #tpu.memory_space<hbm>>
    tpu.enqueue_indirect_dma source(%dma_start3A_479 : memref<131080x4xf32, #tpu.memory_space<hbm>>) target(%dma_start3A_473 : memref<128x4xf32, #tpu.memory_space<vmem>>) offsets(%dma_start3A_476 : memref<128xi32, #tpu.memory_space<vmem>>) semaphore(%arg27 : memref<!tpu.dma_semaphore, #tpu.memory_space<semaphore_mem>>)
    %dma_start3A_480 = arith.constant 29 : i32
    %dma_start3A_481 = arith.constant 3712 : i32
    %dma_start3A_482 = arith.constant 0 : i32
    %dma_start3A_483 = tpu.memref_slice %arg21[%dma_start3A_481, %dma_start3A_482] : memref<4096x4xf32, #tpu.memory_space<vmem>> -> memref<128x4xf32, #tpu.memory_space<vmem>>
    %dma_start3A_484 = arith.constant 0 : i32
    %dma_start3A_485 = tpu.memref_slice %arg20[%dma_start3A_480, %dma_start3A_484] : memref<32x128xi32, #tpu.memory_space<vmem>> -> memref<1x128xi32, #tpu.memory_space<vmem>>
    %dma_start3A_486 = tpu.memref_squeeze %dma_start3A_485 : memref<1x128xi32, #tpu.memory_space<vmem>> -> memref<128xi32, #tpu.memory_space<vmem>>
    %dma_start3A_487 = arith.constant 0 : i32
    %dma_start3A_488 = arith.constant 0 : i32
    %dma_start3A_489 = tpu.memref_slice %arg5[%dma_start3A_487, %dma_start3A_488] : memref<131080x4xf32, #tpu.memory_space<hbm>> -> memref<131080x4xf32, #tpu.memory_space<hbm>>
    tpu.enqueue_indirect_dma source(%dma_start3A_489 : memref<131080x4xf32, #tpu.memory_space<hbm>>) target(%dma_start3A_483 : memref<128x4xf32, #tpu.memory_space<vmem>>) offsets(%dma_start3A_486 : memref<128xi32, #tpu.memory_space<vmem>>) semaphore(%arg27 : memref<!tpu.dma_semaphore, #tpu.memory_space<semaphore_mem>>)
    %dma_start3A_490 = arith.constant 30 : i32
    %dma_start3A_491 = arith.constant 3840 : i32
    %dma_start3A_492 = arith.constant 0 : i32
    %dma_start3A_493 = tpu.memref_slice %arg21[%dma_start3A_491, %dma_start3A_492] : memref<4096x4xf32, #tpu.memory_space<vmem>> -> memref<128x4xf32, #tpu.memory_space<vmem>>
    %dma_start3A_494 = arith.constant 0 : i32
    %dma_start3A_495 = tpu.memref_slice %arg20[%dma_start3A_490, %dma_start3A_494] : memref<32x128xi32, #tpu.memory_space<vmem>> -> memref<1x128xi32, #tpu.memory_space<vmem>>
    %dma_start3A_496 = tpu.memref_squeeze %dma_start3A_495 : memref<1x128xi32, #tpu.memory_space<vmem>> -> memref<128xi32, #tpu.memory_space<vmem>>
    %dma_start3A_497 = arith.constant 0 : i32
    %dma_start3A_498 = arith.constant 0 : i32
    %dma_start3A_499 = tpu.memref_slice %arg5[%dma_start3A_497, %dma_start3A_498] : memref<131080x4xf32, #tpu.memory_space<hbm>> -> memref<131080x4xf32, #tpu.memory_space<hbm>>
    tpu.enqueue_indirect_dma source(%dma_start3A_499 : memref<131080x4xf32, #tpu.memory_space<hbm>>) target(%dma_start3A_493 : memref<128x4xf32, #tpu.memory_space<vmem>>) offsets(%dma_start3A_496 : memref<128xi32, #tpu.memory_space<vmem>>) semaphore(%arg27 : memref<!tpu.dma_semaphore, #tpu.memory_space<semaphore_mem>>)
    %dma_start3A_500 = arith.constant 31 : i32
    %dma_start3A_501 = arith.constant 3968 : i32
    %dma_start3A_502 = arith.constant 0 : i32
    %dma_start3A_503 = tpu.memref_slice %arg21[%dma_start3A_501, %dma_start3A_502] : memref<4096x4xf32, #tpu.memory_space<vmem>> -> memref<128x4xf32, #tpu.memory_space<vmem>>
    %dma_start3A_504 = arith.constant 0 : i32
    %dma_start3A_505 = tpu.memref_slice %arg20[%dma_start3A_500, %dma_start3A_504] : memref<32x128xi32, #tpu.memory_space<vmem>> -> memref<1x128xi32, #tpu.memory_space<vmem>>
    %dma_start3A_506 = tpu.memref_squeeze %dma_start3A_505 : memref<1x128xi32, #tpu.memory_space<vmem>> -> memref<128xi32, #tpu.memory_space<vmem>>
    %dma_start3A_507 = arith.constant 0 : i32
    %dma_start3A_508 = arith.constant 0 : i32
    %dma_start3A_509 = tpu.memref_slice %arg5[%dma_start3A_507, %dma_start3A_508] : memref<131080x4xf32, #tpu.memory_space<hbm>> -> memref<131080x4xf32, #tpu.memory_space<hbm>>
    tpu.enqueue_indirect_dma source(%dma_start3A_509 : memref<131080x4xf32, #tpu.memory_space<hbm>>) target(%dma_start3A_503 : memref<128x4xf32, #tpu.memory_space<vmem>>) offsets(%dma_start3A_506 : memref<128xi32, #tpu.memory_space<vmem>>) semaphore(%arg27 : memref<!tpu.dma_semaphore, #tpu.memory_space<semaphore_mem>>)
    %dma_wait3A_510 = arith.constant 16 : i32
    %dma_wait3A_511 = arith.constant 2048 : i32
    %dma_wait3A_512 = arith.constant 0 : i32
    %dma_wait3A_513 = tpu.memref_slice %arg21[%dma_wait3A_511, %dma_wait3A_512] : memref<4096x4xf32, #tpu.memory_space<vmem>> -> memref<128x4xf32, #tpu.memory_space<vmem>>
    %dma_wait3A_514 = arith.constant 0 : i32
    %dma_wait3A_515 = tpu.memref_slice %arg20[%dma_wait3A_510, %dma_wait3A_514] : memref<32x128xi32, #tpu.memory_space<vmem>> -> memref<1x128xi32, #tpu.memory_space<vmem>>
    %dma_wait3A_516 = tpu.memref_squeeze %dma_wait3A_515 : memref<1x128xi32, #tpu.memory_space<vmem>> -> memref<128xi32, #tpu.memory_space<vmem>>
    %dma_wait3A_517 = arith.constant 0 : i32
    %dma_wait3A_518 = arith.constant 0 : i32
    %dma_wait3A_519 = tpu.memref_slice %arg5[%dma_wait3A_517, %dma_wait3A_518] : memref<131080x4xf32, #tpu.memory_space<hbm>> -> memref<131080x4xf32, #tpu.memory_space<hbm>>
    tpu.wait_indirect_dma semaphore(%arg27 : memref<!tpu.dma_semaphore, #tpu.memory_space<semaphore_mem>>) src(%dma_wait3A_519 : memref<131080x4xf32, #tpu.memory_space<hbm>>) dst(%dma_wait3A_513 : memref<128x4xf32, #tpu.memory_space<vmem>>)
    %dma_wait3A_520 = arith.constant 17 : i32
    %dma_wait3A_521 = arith.constant 2176 : i32
    %dma_wait3A_522 = arith.constant 0 : i32
    %dma_wait3A_523 = tpu.memref_slice %arg21[%dma_wait3A_521, %dma_wait3A_522] : memref<4096x4xf32, #tpu.memory_space<vmem>> -> memref<128x4xf32, #tpu.memory_space<vmem>>
    %dma_wait3A_524 = arith.constant 0 : i32
    %dma_wait3A_525 = tpu.memref_slice %arg20[%dma_wait3A_520, %dma_wait3A_524] : memref<32x128xi32, #tpu.memory_space<vmem>> -> memref<1x128xi32, #tpu.memory_space<vmem>>
    %dma_wait3A_526 = tpu.memref_squeeze %dma_wait3A_525 : memref<1x128xi32, #tpu.memory_space<vmem>> -> memref<128xi32, #tpu.memory_space<vmem>>
    %dma_wait3A_527 = arith.constant 0 : i32
    %dma_wait3A_528 = arith.constant 0 : i32
    %dma_wait3A_529 = tpu.memref_slice %arg5[%dma_wait3A_527, %dma_wait3A_528] : memref<131080x4xf32, #tpu.memory_space<hbm>> -> memref<131080x4xf32, #tpu.memory_space<hbm>>
    tpu.wait_indirect_dma semaphore(%arg27 : memref<!tpu.dma_semaphore, #tpu.memory_space<semaphore_mem>>) src(%dma_wait3A_529 : memref<131080x4xf32, #tpu.memory_space<hbm>>) dst(%dma_wait3A_523 : memref<128x4xf32, #tpu.memory_space<vmem>>)
    %dma_wait3A_530 = arith.constant 18 : i32
    %dma_wait3A_531 = arith.constant 2304 : i32
    %dma_wait3A_532 = arith.constant 0 : i32
    %dma_wait3A_533 = tpu.memref_slice %arg21[%dma_wait3A_531, %dma_wait3A_532] : memref<4096x4xf32, #tpu.memory_space<vmem>> -> memref<128x4xf32, #tpu.memory_space<vmem>>
    %dma_wait3A_534 = arith.constant 0 : i32
    %dma_wait3A_535 = tpu.memref_slice %arg20[%dma_wait3A_530, %dma_wait3A_534] : memref<32x128xi32, #tpu.memory_space<vmem>> -> memref<1x128xi32, #tpu.memory_space<vmem>>
    %dma_wait3A_536 = tpu.memref_squeeze %dma_wait3A_535 : memref<1x128xi32, #tpu.memory_space<vmem>> -> memref<128xi32, #tpu.memory_space<vmem>>
    %dma_wait3A_537 = arith.constant 0 : i32
    %dma_wait3A_538 = arith.constant 0 : i32
    %dma_wait3A_539 = tpu.memref_slice %arg5[%dma_wait3A_537, %dma_wait3A_538] : memref<131080x4xf32, #tpu.memory_space<hbm>> -> memref<131080x4xf32, #tpu.memory_space<hbm>>
    tpu.wait_indirect_dma semaphore(%arg27 : memref<!tpu.dma_semaphore, #tpu.memory_space<semaphore_mem>>) src(%dma_wait3A_539 : memref<131080x4xf32, #tpu.memory_space<hbm>>) dst(%dma_wait3A_533 : memref<128x4xf32, #tpu.memory_space<vmem>>)
    %dma_wait3A_540 = arith.constant 19 : i32
    %dma_wait3A_541 = arith.constant 2432 : i32
    %dma_wait3A_542 = arith.constant 0 : i32
    %dma_wait3A_543 = tpu.memref_slice %arg21[%dma_wait3A_541, %dma_wait3A_542] : memref<4096x4xf32, #tpu.memory_space<vmem>> -> memref<128x4xf32, #tpu.memory_space<vmem>>
    %dma_wait3A_544 = arith.constant 0 : i32
    %dma_wait3A_545 = tpu.memref_slice %arg20[%dma_wait3A_540, %dma_wait3A_544] : memref<32x128xi32, #tpu.memory_space<vmem>> -> memref<1x128xi32, #tpu.memory_space<vmem>>
    %dma_wait3A_546 = tpu.memref_squeeze %dma_wait3A_545 : memref<1x128xi32, #tpu.memory_space<vmem>> -> memref<128xi32, #tpu.memory_space<vmem>>
    %dma_wait3A_547 = arith.constant 0 : i32
    %dma_wait3A_548 = arith.constant 0 : i32
    %dma_wait3A_549 = tpu.memref_slice %arg5[%dma_wait3A_547, %dma_wait3A_548] : memref<131080x4xf32, #tpu.memory_space<hbm>> -> memref<131080x4xf32, #tpu.memory_space<hbm>>
    tpu.wait_indirect_dma semaphore(%arg27 : memref<!tpu.dma_semaphore, #tpu.memory_space<semaphore_mem>>) src(%dma_wait3A_549 : memref<131080x4xf32, #tpu.memory_space<hbm>>) dst(%dma_wait3A_543 : memref<128x4xf32, #tpu.memory_space<vmem>>)
    %dma_wait3A_550 = arith.constant 20 : i32
    %dma_wait3A_551 = arith.constant 2560 : i32
    %dma_wait3A_552 = arith.constant 0 : i32
    %dma_wait3A_553 = tpu.memref_slice %arg21[%dma_wait3A_551, %dma_wait3A_552] : memref<4096x4xf32, #tpu.memory_space<vmem>> -> memref<128x4xf32, #tpu.memory_space<vmem>>
    %dma_wait3A_554 = arith.constant 0 : i32
    %dma_wait3A_555 = tpu.memref_slice %arg20[%dma_wait3A_550, %dma_wait3A_554] : memref<32x128xi32, #tpu.memory_space<vmem>> -> memref<1x128xi32, #tpu.memory_space<vmem>>
    %dma_wait3A_556 = tpu.memref_squeeze %dma_wait3A_555 : memref<1x128xi32, #tpu.memory_space<vmem>> -> memref<128xi32, #tpu.memory_space<vmem>>
    %dma_wait3A_557 = arith.constant 0 : i32
    %dma_wait3A_558 = arith.constant 0 : i32
    %dma_wait3A_559 = tpu.memref_slice %arg5[%dma_wait3A_557, %dma_wait3A_558] : memref<131080x4xf32, #tpu.memory_space<hbm>> -> memref<131080x4xf32, #tpu.memory_space<hbm>>
    tpu.wait_indirect_dma semaphore(%arg27 : memref<!tpu.dma_semaphore, #tpu.memory_space<semaphore_mem>>) src(%dma_wait3A_559 : memref<131080x4xf32, #tpu.memory_space<hbm>>) dst(%dma_wait3A_553 : memref<128x4xf32, #tpu.memory_space<vmem>>)
    %dma_wait3A_560 = arith.constant 21 : i32
    %dma_wait3A_561 = arith.constant 2688 : i32
    %dma_wait3A_562 = arith.constant 0 : i32
    %dma_wait3A_563 = tpu.memref_slice %arg21[%dma_wait3A_561, %dma_wait3A_562] : memref<4096x4xf32, #tpu.memory_space<vmem>> -> memref<128x4xf32, #tpu.memory_space<vmem>>
    %dma_wait3A_564 = arith.constant 0 : i32
    %dma_wait3A_565 = tpu.memref_slice %arg20[%dma_wait3A_560, %dma_wait3A_564] : memref<32x128xi32, #tpu.memory_space<vmem>> -> memref<1x128xi32, #tpu.memory_space<vmem>>
    %dma_wait3A_566 = tpu.memref_squeeze %dma_wait3A_565 : memref<1x128xi32, #tpu.memory_space<vmem>> -> memref<128xi32, #tpu.memory_space<vmem>>
    %dma_wait3A_567 = arith.constant 0 : i32
    %dma_wait3A_568 = arith.constant 0 : i32
    %dma_wait3A_569 = tpu.memref_slice %arg5[%dma_wait3A_567, %dma_wait3A_568] : memref<131080x4xf32, #tpu.memory_space<hbm>> -> memref<131080x4xf32, #tpu.memory_space<hbm>>
    tpu.wait_indirect_dma semaphore(%arg27 : memref<!tpu.dma_semaphore, #tpu.memory_space<semaphore_mem>>) src(%dma_wait3A_569 : memref<131080x4xf32, #tpu.memory_space<hbm>>) dst(%dma_wait3A_563 : memref<128x4xf32, #tpu.memory_space<vmem>>)
    %dma_wait3A_570 = arith.constant 22 : i32
    %dma_wait3A_571 = arith.constant 2816 : i32
    %dma_wait3A_572 = arith.constant 0 : i32
    %dma_wait3A_573 = tpu.memref_slice %arg21[%dma_wait3A_571, %dma_wait3A_572] : memref<4096x4xf32, #tpu.memory_space<vmem>> -> memref<128x4xf32, #tpu.memory_space<vmem>>
    %dma_wait3A_574 = arith.constant 0 : i32
    %dma_wait3A_575 = tpu.memref_slice %arg20[%dma_wait3A_570, %dma_wait3A_574] : memref<32x128xi32, #tpu.memory_space<vmem>> -> memref<1x128xi32, #tpu.memory_space<vmem>>
    %dma_wait3A_576 = tpu.memref_squeeze %dma_wait3A_575 : memref<1x128xi32, #tpu.memory_space<vmem>> -> memref<128xi32, #tpu.memory_space<vmem>>
    %dma_wait3A_577 = arith.constant 0 : i32
    %dma_wait3A_578 = arith.constant 0 : i32
    %dma_wait3A_579 = tpu.memref_slice %arg5[%dma_wait3A_577, %dma_wait3A_578] : memref<131080x4xf32, #tpu.memory_space<hbm>> -> memref<131080x4xf32, #tpu.memory_space<hbm>>
    tpu.wait_indirect_dma semaphore(%arg27 : memref<!tpu.dma_semaphore, #tpu.memory_space<semaphore_mem>>) src(%dma_wait3A_579 : memref<131080x4xf32, #tpu.memory_space<hbm>>) dst(%dma_wait3A_573 : memref<128x4xf32, #tpu.memory_space<vmem>>)
    %dma_wait3A_580 = arith.constant 23 : i32
    %dma_wait3A_581 = arith.constant 2944 : i32
    %dma_wait3A_582 = arith.constant 0 : i32
    %dma_wait3A_583 = tpu.memref_slice %arg21[%dma_wait3A_581, %dma_wait3A_582] : memref<4096x4xf32, #tpu.memory_space<vmem>> -> memref<128x4xf32, #tpu.memory_space<vmem>>
    %dma_wait3A_584 = arith.constant 0 : i32
    %dma_wait3A_585 = tpu.memref_slice %arg20[%dma_wait3A_580, %dma_wait3A_584] : memref<32x128xi32, #tpu.memory_space<vmem>> -> memref<1x128xi32, #tpu.memory_space<vmem>>
    %dma_wait3A_586 = tpu.memref_squeeze %dma_wait3A_585 : memref<1x128xi32, #tpu.memory_space<vmem>> -> memref<128xi32, #tpu.memory_space<vmem>>
    %dma_wait3A_587 = arith.constant 0 : i32
    %dma_wait3A_588 = arith.constant 0 : i32
    %dma_wait3A_589 = tpu.memref_slice %arg5[%dma_wait3A_587, %dma_wait3A_588] : memref<131080x4xf32, #tpu.memory_space<hbm>> -> memref<131080x4xf32, #tpu.memory_space<hbm>>
    tpu.wait_indirect_dma semaphore(%arg27 : memref<!tpu.dma_semaphore, #tpu.memory_space<semaphore_mem>>) src(%dma_wait3A_589 : memref<131080x4xf32, #tpu.memory_space<hbm>>) dst(%dma_wait3A_583 : memref<128x4xf32, #tpu.memory_space<vmem>>)
    %dma_wait3A_590 = arith.constant 24 : i32
    %dma_wait3A_591 = arith.constant 3072 : i32
    %dma_wait3A_592 = arith.constant 0 : i32
    %dma_wait3A_593 = tpu.memref_slice %arg21[%dma_wait3A_591, %dma_wait3A_592] : memref<4096x4xf32, #tpu.memory_space<vmem>> -> memref<128x4xf32, #tpu.memory_space<vmem>>
    %dma_wait3A_594 = arith.constant 0 : i32
    %dma_wait3A_595 = tpu.memref_slice %arg20[%dma_wait3A_590, %dma_wait3A_594] : memref<32x128xi32, #tpu.memory_space<vmem>> -> memref<1x128xi32, #tpu.memory_space<vmem>>
    %dma_wait3A_596 = tpu.memref_squeeze %dma_wait3A_595 : memref<1x128xi32, #tpu.memory_space<vmem>> -> memref<128xi32, #tpu.memory_space<vmem>>
    %dma_wait3A_597 = arith.constant 0 : i32
    %dma_wait3A_598 = arith.constant 0 : i32
    %dma_wait3A_599 = tpu.memref_slice %arg5[%dma_wait3A_597, %dma_wait3A_598] : memref<131080x4xf32, #tpu.memory_space<hbm>> -> memref<131080x4xf32, #tpu.memory_space<hbm>>
    tpu.wait_indirect_dma semaphore(%arg27 : memref<!tpu.dma_semaphore, #tpu.memory_space<semaphore_mem>>) src(%dma_wait3A_599 : memref<131080x4xf32, #tpu.memory_space<hbm>>) dst(%dma_wait3A_593 : memref<128x4xf32, #tpu.memory_space<vmem>>)
    %dma_wait3A_600 = arith.constant 25 : i32
    %dma_wait3A_601 = arith.constant 3200 : i32
    %dma_wait3A_602 = arith.constant 0 : i32
    %dma_wait3A_603 = tpu.memref_slice %arg21[%dma_wait3A_601, %dma_wait3A_602] : memref<4096x4xf32, #tpu.memory_space<vmem>> -> memref<128x4xf32, #tpu.memory_space<vmem>>
    %dma_wait3A_604 = arith.constant 0 : i32
    %dma_wait3A_605 = tpu.memref_slice %arg20[%dma_wait3A_600, %dma_wait3A_604] : memref<32x128xi32, #tpu.memory_space<vmem>> -> memref<1x128xi32, #tpu.memory_space<vmem>>
    %dma_wait3A_606 = tpu.memref_squeeze %dma_wait3A_605 : memref<1x128xi32, #tpu.memory_space<vmem>> -> memref<128xi32, #tpu.memory_space<vmem>>
    %dma_wait3A_607 = arith.constant 0 : i32
    %dma_wait3A_608 = arith.constant 0 : i32
    %dma_wait3A_609 = tpu.memref_slice %arg5[%dma_wait3A_607, %dma_wait3A_608] : memref<131080x4xf32, #tpu.memory_space<hbm>> -> memref<131080x4xf32, #tpu.memory_space<hbm>>
    tpu.wait_indirect_dma semaphore(%arg27 : memref<!tpu.dma_semaphore, #tpu.memory_space<semaphore_mem>>) src(%dma_wait3A_609 : memref<131080x4xf32, #tpu.memory_space<hbm>>) dst(%dma_wait3A_603 : memref<128x4xf32, #tpu.memory_space<vmem>>)
    %dma_wait3A_610 = arith.constant 26 : i32
    %dma_wait3A_611 = arith.constant 3328 : i32
    %dma_wait3A_612 = arith.constant 0 : i32
    %dma_wait3A_613 = tpu.memref_slice %arg21[%dma_wait3A_611, %dma_wait3A_612] : memref<4096x4xf32, #tpu.memory_space<vmem>> -> memref<128x4xf32, #tpu.memory_space<vmem>>
    %dma_wait3A_614 = arith.constant 0 : i32
    %dma_wait3A_615 = tpu.memref_slice %arg20[%dma_wait3A_610, %dma_wait3A_614] : memref<32x128xi32, #tpu.memory_space<vmem>> -> memref<1x128xi32, #tpu.memory_space<vmem>>
    %dma_wait3A_616 = tpu.memref_squeeze %dma_wait3A_615 : memref<1x128xi32, #tpu.memory_space<vmem>> -> memref<128xi32, #tpu.memory_space<vmem>>
    %dma_wait3A_617 = arith.constant 0 : i32
    %dma_wait3A_618 = arith.constant 0 : i32
    %dma_wait3A_619 = tpu.memref_slice %arg5[%dma_wait3A_617, %dma_wait3A_618] : memref<131080x4xf32, #tpu.memory_space<hbm>> -> memref<131080x4xf32, #tpu.memory_space<hbm>>
    tpu.wait_indirect_dma semaphore(%arg27 : memref<!tpu.dma_semaphore, #tpu.memory_space<semaphore_mem>>) src(%dma_wait3A_619 : memref<131080x4xf32, #tpu.memory_space<hbm>>) dst(%dma_wait3A_613 : memref<128x4xf32, #tpu.memory_space<vmem>>)
    %dma_wait3A_620 = arith.constant 27 : i32
    %dma_wait3A_621 = arith.constant 3456 : i32
    %dma_wait3A_622 = arith.constant 0 : i32
    %dma_wait3A_623 = tpu.memref_slice %arg21[%dma_wait3A_621, %dma_wait3A_622] : memref<4096x4xf32, #tpu.memory_space<vmem>> -> memref<128x4xf32, #tpu.memory_space<vmem>>
    %dma_wait3A_624 = arith.constant 0 : i32
    %dma_wait3A_625 = tpu.memref_slice %arg20[%dma_wait3A_620, %dma_wait3A_624] : memref<32x128xi32, #tpu.memory_space<vmem>> -> memref<1x128xi32, #tpu.memory_space<vmem>>
    %dma_wait3A_626 = tpu.memref_squeeze %dma_wait3A_625 : memref<1x128xi32, #tpu.memory_space<vmem>> -> memref<128xi32, #tpu.memory_space<vmem>>
    %dma_wait3A_627 = arith.constant 0 : i32
    %dma_wait3A_628 = arith.constant 0 : i32
    %dma_wait3A_629 = tpu.memref_slice %arg5[%dma_wait3A_627, %dma_wait3A_628] : memref<131080x4xf32, #tpu.memory_space<hbm>> -> memref<131080x4xf32, #tpu.memory_space<hbm>>
    tpu.wait_indirect_dma semaphore(%arg27 : memref<!tpu.dma_semaphore, #tpu.memory_space<semaphore_mem>>) src(%dma_wait3A_629 : memref<131080x4xf32, #tpu.memory_space<hbm>>) dst(%dma_wait3A_623 : memref<128x4xf32, #tpu.memory_space<vmem>>)
    %dma_wait3A_630 = arith.constant 28 : i32
    %dma_wait3A_631 = arith.constant 3584 : i32
    %dma_wait3A_632 = arith.constant 0 : i32
    %dma_wait3A_633 = tpu.memref_slice %arg21[%dma_wait3A_631, %dma_wait3A_632] : memref<4096x4xf32, #tpu.memory_space<vmem>> -> memref<128x4xf32, #tpu.memory_space<vmem>>
    %dma_wait3A_634 = arith.constant 0 : i32
    %dma_wait3A_635 = tpu.memref_slice %arg20[%dma_wait3A_630, %dma_wait3A_634] : memref<32x128xi32, #tpu.memory_space<vmem>> -> memref<1x128xi32, #tpu.memory_space<vmem>>
    %dma_wait3A_636 = tpu.memref_squeeze %dma_wait3A_635 : memref<1x128xi32, #tpu.memory_space<vmem>> -> memref<128xi32, #tpu.memory_space<vmem>>
    %dma_wait3A_637 = arith.constant 0 : i32
    %dma_wait3A_638 = arith.constant 0 : i32
    %dma_wait3A_639 = tpu.memref_slice %arg5[%dma_wait3A_637, %dma_wait3A_638] : memref<131080x4xf32, #tpu.memory_space<hbm>> -> memref<131080x4xf32, #tpu.memory_space<hbm>>
    tpu.wait_indirect_dma semaphore(%arg27 : memref<!tpu.dma_semaphore, #tpu.memory_space<semaphore_mem>>) src(%dma_wait3A_639 : memref<131080x4xf32, #tpu.memory_space<hbm>>) dst(%dma_wait3A_633 : memref<128x4xf32, #tpu.memory_space<vmem>>)
    %dma_wait3A_640 = arith.constant 29 : i32
    %dma_wait3A_641 = arith.constant 3712 : i32
    %dma_wait3A_642 = arith.constant 0 : i32
    %dma_wait3A_643 = tpu.memref_slice %arg21[%dma_wait3A_641, %dma_wait3A_642] : memref<4096x4xf32, #tpu.memory_space<vmem>> -> memref<128x4xf32, #tpu.memory_space<vmem>>
    %dma_wait3A_644 = arith.constant 0 : i32
    %dma_wait3A_645 = tpu.memref_slice %arg20[%dma_wait3A_640, %dma_wait3A_644] : memref<32x128xi32, #tpu.memory_space<vmem>> -> memref<1x128xi32, #tpu.memory_space<vmem>>
    %dma_wait3A_646 = tpu.memref_squeeze %dma_wait3A_645 : memref<1x128xi32, #tpu.memory_space<vmem>> -> memref<128xi32, #tpu.memory_space<vmem>>
    %dma_wait3A_647 = arith.constant 0 : i32
    %dma_wait3A_648 = arith.constant 0 : i32
    %dma_wait3A_649 = tpu.memref_slice %arg5[%dma_wait3A_647, %dma_wait3A_648] : memref<131080x4xf32, #tpu.memory_space<hbm>> -> memref<131080x4xf32, #tpu.memory_space<hbm>>
    tpu.wait_indirect_dma semaphore(%arg27 : memref<!tpu.dma_semaphore, #tpu.memory_space<semaphore_mem>>) src(%dma_wait3A_649 : memref<131080x4xf32, #tpu.memory_space<hbm>>) dst(%dma_wait3A_643 : memref<128x4xf32, #tpu.memory_space<vmem>>)
    %dma_wait3A_650 = arith.constant 30 : i32
    %dma_wait3A_651 = arith.constant 3840 : i32
    %dma_wait3A_652 = arith.constant 0 : i32
    %dma_wait3A_653 = tpu.memref_slice %arg21[%dma_wait3A_651, %dma_wait3A_652] : memref<4096x4xf32, #tpu.memory_space<vmem>> -> memref<128x4xf32, #tpu.memory_space<vmem>>
    %dma_wait3A_654 = arith.constant 0 : i32
    %dma_wait3A_655 = tpu.memref_slice %arg20[%dma_wait3A_650, %dma_wait3A_654] : memref<32x128xi32, #tpu.memory_space<vmem>> -> memref<1x128xi32, #tpu.memory_space<vmem>>
    %dma_wait3A_656 = tpu.memref_squeeze %dma_wait3A_655 : memref<1x128xi32, #tpu.memory_space<vmem>> -> memref<128xi32, #tpu.memory_space<vmem>>
    %dma_wait3A_657 = arith.constant 0 : i32
    %dma_wait3A_658 = arith.constant 0 : i32
    %dma_wait3A_659 = tpu.memref_slice %arg5[%dma_wait3A_657, %dma_wait3A_658] : memref<131080x4xf32, #tpu.memory_space<hbm>> -> memref<131080x4xf32, #tpu.memory_space<hbm>>
    tpu.wait_indirect_dma semaphore(%arg27 : memref<!tpu.dma_semaphore, #tpu.memory_space<semaphore_mem>>) src(%dma_wait3A_659 : memref<131080x4xf32, #tpu.memory_space<hbm>>) dst(%dma_wait3A_653 : memref<128x4xf32, #tpu.memory_space<vmem>>)
    %dma_wait3A_660 = arith.constant 31 : i32
    %dma_wait3A_661 = arith.constant 3968 : i32
    %dma_wait3A_662 = arith.constant 0 : i32
    %dma_wait3A_663 = tpu.memref_slice %arg21[%dma_wait3A_661, %dma_wait3A_662] : memref<4096x4xf32, #tpu.memory_space<vmem>> -> memref<128x4xf32, #tpu.memory_space<vmem>>
    %dma_wait3A_664 = arith.constant 0 : i32
    %dma_wait3A_665 = tpu.memref_slice %arg20[%dma_wait3A_660, %dma_wait3A_664] : memref<32x128xi32, #tpu.memory_space<vmem>> -> memref<1x128xi32, #tpu.memory_space<vmem>>
    %dma_wait3A_666 = tpu.memref_squeeze %dma_wait3A_665 : memref<1x128xi32, #tpu.memory_space<vmem>> -> memref<128xi32, #tpu.memory_space<vmem>>
    %dma_wait3A_667 = arith.constant 0 : i32
    %dma_wait3A_668 = arith.constant 0 : i32
    %dma_wait3A_669 = tpu.memref_slice %arg5[%dma_wait3A_667, %dma_wait3A_668] : memref<131080x4xf32, #tpu.memory_space<hbm>> -> memref<131080x4xf32, #tpu.memory_space<hbm>>
    tpu.wait_indirect_dma semaphore(%arg27 : memref<!tpu.dma_semaphore, #tpu.memory_space<semaphore_mem>>) src(%dma_wait3A_669 : memref<131080x4xf32, #tpu.memory_space<hbm>>) dst(%dma_wait3A_663 : memref<128x4xf32, #tpu.memory_space<vmem>>)
    %scan3A_670 = arith.constant 0 : i32
    %scan3A_671 = arith.constant 0 : i32
    %scan3A_672 = arith.constant 1024 : i32
    %scan3A_673 = arith.addi %scan3A_671, %scan3A_672 : i32
    %scan3A_674 = arith.constant 1 : i32
    scf.for %scan3A_676 = %scan3A_671 to %scan3A_673 step %scan3A_674  : i32 {
      %mul3A_677 = arith.constant 16 : i32
      %mul3A_678 = arith.muli %scan3A_676, %mul3A_677 : i32
      %iota3A = tpu.iota {dimensions = array<i32: 0>} : vector<16xi32>
      %add3A_679 = vector.broadcast %mul3A_678 : i32 to vector<16xi32>
      %add3A_680 = arith.addi %add3A_679, %iota3A : vector<16xi32>
      %shift_right_arithmetic3A = arith.constant 2 : i32
      %shift_right_arithmetic3A_681 = vector.broadcast %shift_right_arithmetic3A : i32 to vector<16xi32>
      %shift_right_arithmetic3A_682 = arith.shrsi %add3A_680, %shift_right_arithmetic3A_681 : vector<16xi32>
      %and3A = arith.constant 3 : i32
      %and3A_683 = vector.broadcast %and3A : i32 to vector<16xi32>
      %and3A_684 = arith.andi %add3A_680, %and3A_683 : vector<16xi32>
      %gather3A = tpu.vector_load_idx %arg21[%shift_right_arithmetic3A_682, %and3A_684] : memref<4096x4xf32, #tpu.memory_space<vmem>>[vector<16xi32>, vector<16xi32>], vector<16xf32>,
      tpu.vector_store_idx %arg22[%shift_right_arithmetic3A_682, %and3A_684], %gather3A : memref<4096x5xf32, #tpu.memory_space<vmem>>[vector<16xi32>, vector<16xi32>], vector<16xf32>,
    }
    %scan3A_675 = arith.constant 1024 : i32
    "tpu.region"() ({
      %run_scoped3A = tpu.sem_alloc : memref<!tpu.dma_semaphore, #tpu.memory_space<semaphore_mem>>
      %dma_start3A_676 = arith.constant 0 : i32
      %dma_start3A_677 = tpu.memref_slice %arg6[%mul3A_2, %dma_start3A_676] : memref<131072x5xf32, #tpu.memory_space<hbm>> -> memref<4096x5xf32, #tpu.memory_space<hbm>>
      %dma_start3A_678 = arith.constant 0 : i32
      %dma_start3A_679 = tpu.memref_slice %arg6[%mul3A_2, %dma_start3A_678] : memref<131072x5xf32, #tpu.memory_space<hbm>> -> memref<4096x5xf32, #tpu.memory_space<hbm>>
      tpu.enqueue_dma source(%arg22 : memref<4096x5xf32, #tpu.memory_space<vmem>>) target(%dma_start3A_679 : memref<4096x5xf32, #tpu.memory_space<hbm>>) target_semaphore(%run_scoped3A : memref<!tpu.dma_semaphore, #tpu.memory_space<semaphore_mem>>)
      %dma_wait3A_680 = arith.constant 0 : i32
      %dma_wait3A_681 = tpu.memref_slice %arg6[%mul3A_2, %dma_wait3A_680] : memref<131072x5xf32, #tpu.memory_space<hbm>> -> memref<4096x5xf32, #tpu.memory_space<hbm>>
      %dma_wait3A_682 = arith.constant 0 : i32
      %dma_wait3A_683 = tpu.memref_slice %arg6[%mul3A_2, %dma_wait3A_682] : memref<131072x5xf32, #tpu.memory_space<hbm>> -> memref<4096x5xf32, #tpu.memory_space<hbm>>
      tpu.wait_dma2 semaphore(%run_scoped3A : memref<!tpu.dma_semaphore, #tpu.memory_space<semaphore_mem>>) src(%arg22 : memref<4096x5xf32, #tpu.memory_space<vmem>>) dst(%dma_wait3A_683 : memref<4096x5xf32, #tpu.memory_space<hbm>>)
      tpu.yield
    }) : () -> ()
    "tpu.region"() ({
      %run_scoped3A = tpu.sem_alloc : memref<!tpu.dma_semaphore, #tpu.memory_space<semaphore_mem>>
      %dma_start3A_676 = tpu.memref_slice %arg7[%mul3A_2] : memref<131072xi32, #tpu.memory_space<hbm>> -> memref<4096xi32, #tpu.memory_space<hbm>>
      %dma_start3A_677 = tpu.memref_slice %arg7[%mul3A_2] : memref<131072xi32, #tpu.memory_space<hbm>> -> memref<4096xi32, #tpu.memory_space<hbm>>
      tpu.enqueue_dma source(%arg23 : memref<4096xi32, #tpu.memory_space<vmem>>) target(%dma_start3A_677 : memref<4096xi32, #tpu.memory_space<hbm>>) target_semaphore(%run_scoped3A : memref<!tpu.dma_semaphore, #tpu.memory_space<semaphore_mem>>)
      %dma_wait3A_678 = tpu.memref_slice %arg7[%mul3A_2] : memref<131072xi32, #tpu.memory_space<hbm>> -> memref<4096xi32, #tpu.memory_space<hbm>>
      %dma_wait3A_679 = tpu.memref_slice %arg7[%mul3A_2] : memref<131072xi32, #tpu.memory_space<hbm>> -> memref<4096xi32, #tpu.memory_space<hbm>>
      tpu.wait_dma2 semaphore(%run_scoped3A : memref<!tpu.dma_semaphore, #tpu.memory_space<semaphore_mem>>) src(%arg23 : memref<4096xi32, #tpu.memory_space<vmem>>) dst(%dma_wait3A_679 : memref<4096xi32, #tpu.memory_space<hbm>>)
      tpu.yield
    }) : () -> ()
    "tpu.region"() ({
      %run_scoped3A = tpu.sem_alloc : memref<!tpu.dma_semaphore, #tpu.memory_space<semaphore_mem>>
      %dma_start3A_676 = tpu.memref_slice %arg8[%mul3A_2] : memref<131072xi32, #tpu.memory_space<hbm>> -> memref<4096xi32, #tpu.memory_space<hbm>>
      %dma_start3A_677 = tpu.memref_slice %arg8[%mul3A_2] : memref<131072xi32, #tpu.memory_space<hbm>> -> memref<4096xi32, #tpu.memory_space<hbm>>
      tpu.enqueue_dma source(%arg24 : memref<4096xi32, #tpu.memory_space<vmem>>) target(%dma_start3A_677 : memref<4096xi32, #tpu.memory_space<hbm>>) target_semaphore(%run_scoped3A : memref<!tpu.dma_semaphore, #tpu.memory_space<semaphore_mem>>)
      %dma_wait3A_678 = tpu.memref_slice %arg8[%mul3A_2] : memref<131072xi32, #tpu.memory_space<hbm>> -> memref<4096xi32, #tpu.memory_space<hbm>>
      %dma_wait3A_679 = tpu.memref_slice %arg8[%mul3A_2] : memref<131072xi32, #tpu.memory_space<hbm>> -> memref<4096xi32, #tpu.memory_space<hbm>>
      tpu.wait_dma2 semaphore(%run_scoped3A : memref<!tpu.dma_semaphore, #tpu.memory_space<semaphore_mem>>) src(%arg24 : memref<4096xi32, #tpu.memory_space<vmem>>) dst(%dma_wait3A_679 : memref<4096xi32, #tpu.memory_space<hbm>>)
      tpu.yield
    }) : () -> ()
    return
  }
}

module attributes {stable_mosaic.version = 14 : i64} {
  func.func @_proj_body(%arg0: memref<256x512xf32, #tpu.memory_space<vmem>>, %arg1: memref<256x512xf32, #tpu.memory_space<vmem>>, %arg2: memref<256x512xf32, #tpu.memory_space<vmem>>, %arg3: memref<256x512xi32, #tpu.memory_space<vmem>>, %arg4: memref<256x512xi32, #tpu.memory_space<vmem>>, %arg5: memref<256x512xi32, #tpu.memory_space<vmem>>, %arg6: memref<256x512xi32, #tpu.memory_space<vmem>>, %arg7: memref<256x512xi32, #tpu.memory_space<vmem>>) attributes {dimension_semantics = [], scalar_prefetch = 0 : i64, scratch_operands = 0 : i64, tpu.core_type = #tpu.core_type<tc>} {
    %get3A = arith.constant 0 : index
    %get3A_0 = arith.constant 0 : index
    %get3A_1 = vector.load %arg0[%get3A, %get3A_0] : memref<256x512xf32, #tpu.memory_space<vmem>>, vector<256x512xf32>
    %get3A_2 = arith.constant 0 : index
    %get3A_3 = arith.constant 0 : index
    %get3A_4 = vector.load %arg1[%get3A_2, %get3A_3] : memref<256x512xf32, #tpu.memory_space<vmem>>, vector<256x512xf32>
    %get3A_5 = arith.constant 0 : index
    %get3A_6 = arith.constant 0 : index
    %get3A_7 = vector.load %arg2[%get3A_5, %get3A_6] : memref<256x512xf32, #tpu.memory_space<vmem>>, vector<256x512xf32>
    %mul3A = arith.mulf %get3A_1, %get3A_1 : vector<256x512xf32>
    %mul3A_8 = arith.mulf %get3A_4, %get3A_4 : vector<256x512xf32>
    %add3A = arith.addf %mul3A, %mul3A_8 : vector<256x512xf32>
    %mul3A_9 = arith.mulf %get3A_7, %get3A_7 : vector<256x512xf32>
    %add3A_10 = arith.addf %add3A, %mul3A_9 : vector<256x512xf32>
    %sqrt3A = math.sqrt %add3A_10 : vector<256x512xf32>
    %add3A_11 = arith.constant 9.99999996E-13 : f32
    %add3A_12 = vector.broadcast %add3A_11 : f32 to vector<256x512xf32>
    %add3A_13 = arith.addf %sqrt3A, %add3A_12 : vector<256x512xf32>
    %atan23A = math.atan2 %get3A_4, %get3A_1 : vector<256x512xf32>
    %neg3A = arith.constant 0.000000e+00 : f32
    %neg3A_14 = vector.broadcast %neg3A : f32 to vector<256x512xf32>
    %neg3A_15 = arith.subf %neg3A_14, %atan23A : vector<256x512xf32>
    %div3A = arith.divf %get3A_7, %add3A_13 : vector<256x512xf32>
    %jit3A = arith.constant -1.000000e+00 : f32
    %jit3A_16 = arith.constant 1.000000e+00 : f32
    %max3A = vector.broadcast %jit3A : f32 to vector<256x512xf32>
    %max3A_17 = arith.maximumf %max3A, %div3A : vector<256x512xf32>
    %min3A = vector.broadcast %jit3A_16 : f32 to vector<256x512xf32>
    %min3A_18 = arith.minimumf %min3A, %max3A_17 : vector<256x512xf32>
    %sub3A = arith.constant 1.000000e+00 : f32
    %sub3A_19 = vector.broadcast %sub3A : f32 to vector<256x512xf32>
    %sub3A_20 = arith.subf %sub3A_19, %min3A_18 : vector<256x512xf32>
    %add3A_21 = arith.constant 1.000000e+00 : f32
    %add3A_22 = vector.broadcast %add3A_21 : f32 to vector<256x512xf32>
    %add3A_23 = arith.addf %add3A_22, %min3A_18 : vector<256x512xf32>
    %mul3A_24 = arith.mulf %sub3A_20, %add3A_23 : vector<256x512xf32>
    %sqrt3A_25 = math.sqrt %mul3A_24 : vector<256x512xf32>
    %add3A_26 = arith.constant 1.000000e+00 : f32
    %add3A_27 = vector.broadcast %add3A_26 : f32 to vector<256x512xf32>
    %add3A_28 = arith.addf %add3A_27, %sqrt3A_25 : vector<256x512xf32>
    %atan23A_29 = math.atan2 %min3A_18, %add3A_28 : vector<256x512xf32>
    %mul3A_30 = arith.constant 2.000000e+00 : f32
    %mul3A_31 = vector.broadcast %mul3A_30 : f32 to vector<256x512xf32>
    %mul3A_32 = arith.mulf %mul3A_31, %atan23A_29 : vector<256x512xf32>
    %div3A_33 = arith.constant 3.14159274 : f32
    %div3A_34 = vector.broadcast %div3A_33 : f32 to vector<256x512xf32>
    %div3A_35 = arith.divf %neg3A_15, %div3A_34 : vector<256x512xf32>
    %add3A_36 = arith.constant 1.000000e+00 : f32
    %add3A_37 = vector.broadcast %add3A_36 : f32 to vector<256x512xf32>
    %add3A_38 = arith.addf %div3A_35, %add3A_37 : vector<256x512xf32>
    %mul3A_39 = arith.constant 5.000000e-01 : f32
    %mul3A_40 = vector.broadcast %mul3A_39 : f32 to vector<256x512xf32>
    %mul3A_41 = arith.mulf %mul3A_40, %add3A_38 : vector<256x512xf32>
    %mul3A_42 = arith.constant 2.048000e+03 : f32
    %mul3A_43 = vector.broadcast %mul3A_42 : f32 to vector<256x512xf32>
    %mul3A_44 = arith.mulf %mul3A_41, %mul3A_43 : vector<256x512xf32>
    %add3A_45 = arith.constant 0.436332315 : f32
    %add3A_46 = vector.broadcast %add3A_45 : f32 to vector<256x512xf32>
    %add3A_47 = arith.addf %mul3A_32, %add3A_46 : vector<256x512xf32>
    %div3A_48 = arith.constant 0.488692194 : f32
    %div3A_49 = vector.broadcast %div3A_48 : f32 to vector<256x512xf32>
    %div3A_50 = arith.divf %add3A_47, %div3A_49 : vector<256x512xf32>
    %sub3A_51 = arith.constant 1.000000e+00 : f32
    %sub3A_52 = vector.broadcast %sub3A_51 : f32 to vector<256x512xf32>
    %sub3A_53 = arith.subf %sub3A_52, %div3A_50 : vector<256x512xf32>
    %mul3A_54 = arith.constant 6.400000e+01 : f32
    %mul3A_55 = vector.broadcast %mul3A_54 : f32 to vector<256x512xf32>
    %mul3A_56 = arith.mulf %sub3A_53, %mul3A_55 : vector<256x512xf32>
    %floor3A = math.floor %mul3A_44 : vector<256x512xf32>
    %jit3A_57 = arith.constant 0 : i32
    %jit3A_58 = arith.constant 2047 : i32
    %convert_element_type3A = arith.sitofp %jit3A_57 : i32 to f32
    %max3A_59 = vector.broadcast %convert_element_type3A : f32 to vector<256x512xf32>
    %max3A_60 = arith.maximumf %max3A_59, %floor3A : vector<256x512xf32>
    %convert_element_type3A_61 = arith.sitofp %jit3A_58 : i32 to f32
    %min3A_62 = vector.broadcast %convert_element_type3A_61 : f32 to vector<256x512xf32>
    %min3A_63 = arith.minimumf %min3A_62, %max3A_60 : vector<256x512xf32>
    %convert_element_type3A_64 = arith.fptosi %min3A_63 : vector<256x512xf32> to vector<256x512xi32>
    %floor3A_65 = math.floor %mul3A_56 : vector<256x512xf32>
    %jit3A_66 = arith.constant 0 : i32
    %jit3A_67 = arith.constant 63 : i32
    %convert_element_type3A_68 = arith.sitofp %jit3A_66 : i32 to f32
    %max3A_69 = vector.broadcast %convert_element_type3A_68 : f32 to vector<256x512xf32>
    %max3A_70 = arith.maximumf %max3A_69, %floor3A_65 : vector<256x512xf32>
    %convert_element_type3A_71 = arith.sitofp %jit3A_67 : i32 to f32
    %min3A_72 = vector.broadcast %convert_element_type3A_71 : f32 to vector<256x512xf32>
    %min3A_73 = arith.minimumf %min3A_72, %max3A_70 : vector<256x512xf32>
    %convert_element_type3A_74 = arith.fptosi %min3A_73 : vector<256x512xf32> to vector<256x512xi32>
    %mul3A_75 = arith.constant 2048 : i32
    %mul3A_76 = vector.broadcast %mul3A_75 : i32 to vector<256x512xi32>
    %mul3A_77 = arith.muli %convert_element_type3A_74, %mul3A_76 : vector<256x512xi32>
    %add3A_78 = arith.addi %mul3A_77, %convert_element_type3A_64 : vector<256x512xi32>
    %and3A = arith.constant 31 : i32
    %and3A_79 = vector.broadcast %and3A : i32 to vector<256x512xi32>
    %and3A_80 = arith.andi %add3A_78, %and3A_79 : vector<256x512xi32>
    %shift_left3A = arith.constant 12 : i32
    %shift_left3A_81 = vector.broadcast %shift_left3A : i32 to vector<256x512xi32>
    %shift_left3A_82 = arith.shli %and3A_80, %shift_left3A_81 : vector<256x512xi32>
    %shift_right_arithmetic3A = arith.constant 5 : i32
    %shift_right_arithmetic3A_83 = vector.broadcast %shift_right_arithmetic3A : i32 to vector<256x512xi32>
    %shift_right_arithmetic3A_84 = arith.shrsi %add3A_78, %shift_right_arithmetic3A_83 : vector<256x512xi32>
    %or3A = arith.ori %shift_left3A_82, %shift_right_arithmetic3A_84 : vector<256x512xi32>
    %swap3A = arith.constant 0 : index
    %swap3A_85 = arith.constant 0 : index
    %swap3A_86 = vector.load %arg5[%swap3A, %swap3A_85] : memref<256x512xi32, #tpu.memory_space<vmem>>, vector<256x512xi32>
    tpu.vector_store %arg5[%swap3A, %swap3A_85], %or3A {strides = array<i32>} : memref<256x512xi32, #tpu.memory_space<vmem>>, vector<256x512xi32>,
    %bitcast_convert_type3A = tpu.bitcast %add3A_13 : vector<256x512xf32> -> vector<256x512xi32>
    %swap3A_87 = arith.constant 0 : index
    %swap3A_88 = arith.constant 0 : index
    %swap3A_89 = vector.load %arg6[%swap3A_87, %swap3A_88] : memref<256x512xi32, #tpu.memory_space<vmem>>, vector<256x512xi32>
    tpu.vector_store %arg6[%swap3A_87, %swap3A_88], %bitcast_convert_type3A {strides = array<i32>} : memref<256x512xi32, #tpu.memory_space<vmem>>, vector<256x512xi32>,
    %iota3A = tpu.iota {dimensions = array<i32: 0>} : vector<256x512xi32>
    %iota3A_90 = tpu.iota {dimensions = array<i32: 1>} : vector<256x512xi32>
    %mul3A_91 = arith.constant 512 : i32
    %mul3A_92 = vector.broadcast %mul3A_91 : i32 to vector<256x512xi32>
    %mul3A_93 = arith.muli %iota3A, %mul3A_92 : vector<256x512xi32>
    %add3A_94 = arith.addi %mul3A_93, %iota3A_90 : vector<256x512xi32>
    %shift_left3A_95 = arith.constant 6 : i32
    %shift_left3A_96 = vector.broadcast %shift_left3A_95 : i32 to vector<256x512xi32>
    %shift_left3A_97 = arith.shli %add3A_94, %shift_left3A_96 : vector<256x512xi32>
    %get3A_98 = arith.constant 0 : index
    %get3A_99 = arith.constant 0 : index
    %get3A_100 = vector.load %arg3[%get3A_98, %get3A_99] : memref<256x512xi32, #tpu.memory_space<vmem>>, vector<256x512xi32>
    %shift_left3A_101 = arith.constant 1 : i32
    %shift_left3A_102 = vector.broadcast %shift_left3A_101 : i32 to vector<256x512xi32>
    %shift_left3A_103 = arith.shli %get3A_100, %shift_left3A_102 : vector<256x512xi32>
    %or3A_104 = arith.ori %shift_left3A_97, %shift_left3A_103 : vector<256x512xi32>
    %get3A_105 = arith.constant 0 : index
    %get3A_106 = arith.constant 0 : index
    %get3A_107 = vector.load %arg4[%get3A_105, %get3A_106] : memref<256x512xi32, #tpu.memory_space<vmem>>, vector<256x512xi32>
    %or3A_108 = arith.ori %or3A_104, %get3A_107 : vector<256x512xi32>
    %swap3A_109 = arith.constant 0 : index
    %swap3A_110 = arith.constant 0 : index
    %swap3A_111 = vector.load %arg7[%swap3A_109, %swap3A_110] : memref<256x512xi32, #tpu.memory_space<vmem>>, vector<256x512xi32>
    tpu.vector_store %arg7[%swap3A_109, %swap3A_110], %or3A_108 {strides = array<i32>} : memref<256x512xi32, #tpu.memory_space<vmem>>, vector<256x512xi32>,
    return
  }
}

</mosaic_0001>

<sc_bundles>
// kernel: kernel.4.cloned.1.call-start
scs
__scs_entry_jumppad:
0x0: {  	(pc) =	sbr.rel $0x88, $3  }
0x1: {  	(tag) =	ssettag $0x0;
	lr =	simm.s32 $0x1  }
0x2: {  	[smem:$0x3F9E] =	sst lr;
	_ =	strace $0xD0000000  }
0x3: {  	_ = 	snop  }
0x4: {  	_ = 	snop  }
0x5: {  	_ = 	snop  }
0x6: {  	_ = 	snop  }
0x7: {  	_ = 	snop  }
__scs_overlays_trampoline_lowered:
0x8: {  	[smem:$0x3FAD] =	sst s0  }
0x9: {  	[smem:$0x3FAE] =	sst s1  }
0xa: {  	[smem:$0x3FAF] =	sst s2  }
0xb: {  	[smem:$0x3FB0] =	sst s3  }
0xc: {  	[smem:$0x3FB1] =	sst s4  }
0xd: {  	[smem:$0x3FB2] =	sst s5  }
0xe: {  	[smem:$0x3FB3] =	sst s6  }
0xf: {  	[smem:$0x3FB4] =	sst s7  }
0x10: {  	[smem:$0x3FB5] =	sst s8  }
0x11: {  	[smem:$0x3FB6] =	sst s9;
	s0 =	simm.s32 @!p0 $0x0  }
0x12: {  	s1 =	sld [smem:$0x3F9C];
	s0 =	simm.s32 @p0 $0x1  }
0x13: {  	[smem:$0x3FB7] =	sst s0;
	s0 =	simm.s32 @!p1 $0x0  }
0x14: {  	s2 =	sld [smem:$0x3F9B];
	s0 =	simm.s32 @p1 $0x1  }
0x15: {  	[smem:$0x3FB8] =	sst s0;
	s0 =	simm.s32 @!p2 $0x0  }
0x16: {  	s3 =	sld [smem:$0x3FDB];
	s0 =	simm.s32 @p2 $0x1  }
0x17: {  	s4 =	simm.s32 $0x1BF5;
	[smem:$0x3FBA] =	sst s0  }
0x18: {  	s0 =	sld [smem:$0x3F9D];
	_ =	swait.ge [sflag:s4], $0x0  }
0x19: {  	s7 =	sld [smem:$0x3F9E]  }
0x1a: {  	s8 =	sadd.s32 $0xFFFFE003, lr  }
0x1b: {  	s9 =	sadd.s32 $0xFFFFFEF7, lr;
	s5 =	simm.s32 $0xFFFFFFFF;
	p2 =	slt.u32 s8, $0xFFFFF086  }
0x1c: {  	p1 =	slt.u32 s9, $0xF7A;
	s5 =	simm.s32 @!p2 $0x0  }
0x1d: {  	s5 =	simm.s32 @p1 $0x1;
	p0 =	seq.s32 s7, s2  }
0x1e: {  	s7 =	smul.u32 @!p0 $0xF7A, s2;
	p2 =	seq.s32 @!p0 s5, $0x0  }
0x1f: {  	s9 =	smul.u32 $0xF7A, s1;
	s8 =	simm.s32 @!p0 $0x1BF5;
	p2 =	por !p2, p0  }
0x20: {  	[sflag:s8] =	ssyncset.s32 @!p0 $0xFFFFF086;
	s6 =	sadd.s32 @!p0 s3, s7;
	s7 =	simm.s32 @!p0 $0x108  }
0x21: {  	s3 =	sadd.s32 s3, s9;
	s6 =	sadd.s32 @!p0 $0x88, s6;
	s7 =	simm.s32 @p2 $0x1082  }
0x22: {  	[simem:s7], [sflag:s8] =	dma.local @!p0 [hbm:s6], $0xF7A  }
0x23: {  	s9 =	sor.u32 $0xD0000000, s2;
	s6 =	simm.s32 $0x108;
	_ =	swait.ge @!p0 [sflag:s8], $0x0  }
0x24: {  	s3 =	sadd.s32 $0x88, s3;
	s6 =	simm.s32 @!p1 $0x1082;
	[sflag:s4] =	ssyncset.s32 $0xFFFFF086  }
0x25: {  	[simem:s6], [sflag:s4] =	dma.local [hbm:s3], $0xF7A  }
0x26: {  	[smem:$0x3F9E] =	sst s1;
	(tag) =	ssettag s2;
	_ =	strace s9  }
0x27: {  	s1 =	sld [smem:$0x3FAE]  }
0x28: {  	s2 =	sld [smem:$0x3FAF]  }
0x29: {  	s4 =	sld [smem:$0x3FB1]  }
0x2a: {  	p0 =	seq.s32 s5, $0x0;
	s5 =	sld [smem:$0x3FB2]  }
0x2b: {  	s6 =	sld [smem:$0x3FB3]  }
0x2c: {  	s7 =	sld [smem:$0x3FB4]  }
0x2d: {  	s3 =	simm.s32 $0x108;
	s8 =	sld [smem:$0x3FB5]  }
0x2e: {  	s3 =	simm.s32 @!p0 $0x1082;
	s9 =	sld [smem:$0x3FB6]  }
0x2f: {  	lr =	sadd.s32 s0, s3;
	s0 =	sld [smem:$0x3FAD]  }
0x30: {  	s3 =	sld [smem:$0x3FB0]  }
0x31: {  	[smem:$0x3FB9] =	sst s10  }
0x32: {  	s10 =	sld [smem:$0x3FB7];
	_ =	sdelay $0x3  }
0x33: {  	p0 =	seq.s32 s10, $0x1;
	s10 =	sld [smem:$0x3FB9];
	_ =	sdelay $0x3  }
0x34: {  	[smem:$0x3FB9] =	sst s10  }
0x35: {  	s10 =	sld [smem:$0x3FB8];
	_ =	sdelay $0x3  }
0x36: {  	p1 =	seq.s32 s10, $0x1;
	s10 =	sld [smem:$0x3FB9];
	_ =	sdelay $0x3  }
0x37: {  	[smem:$0x3FB9] =	sst s10  }
0x38: {  	s10 =	sld [smem:$0x3FBA]  }
0x39: {  	_ = 	snop;
	(pc) =	sbr.ind lr, $3  }
0x3a: {  	_ = 	snop  }
0x3b: {  	_ = 	snop  }
0x3c: {  	p2 =	seq.s32 s10, $0x1;
	s10 =	sld [smem:$0x3FB9]  }
0x3d: {  	_ =	shalt  }
0x3e: {  	_ =	shalt  }
0x3f: {  	_ =	shalt  }
0x40: {  	_ =	shalt  }
0x41: {  	_ =	shalt  }
0x42: {  	_ =	shalt  }
0x43: {  	_ =	shalt  }
0x44: {  	_ =	shalt  }
0x45: {  	_ =	shalt  }
0x46: {  	_ =	shalt  }
0x47: {  	_ =	shalt  }
0x48: {  	_ =	shalt  }
0x49: {  	_ =	shalt  }
0x4a: {  	_ =	shalt  }
0x4b: {  	_ =	shalt  }
0x4c: {  	_ =	shalt  }
0x4d: {  	_ =	shalt  }
0x4e: {  	_ =	shalt  }
0x4f: {  	_ =	shalt  }
0x50: {  	_ =	shalt  }
0x51: {  	_ =	shalt  }
0x52: {  	_ =	shalt  }
0x53: {  	_ =	shalt  }
0x54: {  	_ =	shalt  }
0x55: {  	_ =	shalt  }
0x56: {  	_ =	shalt  }
0x57: {  	_ =	shalt  }
0x58: {  	_ =	shalt  }
0x59: {  	_ =	shalt  }
0x5a: {  	_ =	shalt  }
0x5b: {  	_ =	shalt  }
0x5c: {  	_ =	shalt  }
0x5d: {  	_ =	shalt  }
0x5e: {  	_ =	shalt  }
0x5f: {  	_ =	shalt  }
0x60: {  	_ =	shalt  }
0x61: {  	_ =	shalt  }
0x62: {  	_ =	shalt  }
0x63: {  	_ =	shalt  }
0x64: {  	_ =	shalt  }
0x65: {  	_ =	shalt  }
0x66: {  	_ =	shalt  }
0x67: {  	_ =	shalt  }
0x68: {  	_ =	shalt  }
0x69: {  	_ =	shalt  }
0x6a: {  	_ =	shalt  }
0x6b: {  	_ =	shalt  }
0x6c: {  	_ =	shalt  }
0x6d: {  	_ =	shalt  }
0x6e: {  	_ =	shalt  }
0x6f: {  	_ =	shalt  }
0x70: {  	_ =	shalt  }
0x71: {  	_ =	shalt  }
0x72: {  	_ =	shalt  }
0x73: {  	_ =	shalt  }
0x74: {  	_ =	shalt  }
0x75: {  	_ =	shalt  }
0x76: {  	_ =	shalt  }
0x77: {  	_ =	shalt  }
0x78: {  	_ =	shalt  }
0x79: {  	_ =	shalt  }
0x7a: {  	_ =	shalt  }
0x7b: {  	_ =	shalt  }
0x7c: {  	_ =	shalt  }
0x7d: {  	_ =	shalt  }
0x7e: {  	_ =	shalt  }
0x7f: {  	_ =	shalt  }
0x80: {  	_ =	shalt  }
0x81: {  	_ =	shalt  }
0x82: {  	_ =	shalt  }
0x83: {  	_ =	shalt  }
0x84: {  	_ =	shalt  }
0x85: {  	_ =	shalt  }
0x86: {  	_ =	shalt  }
0x87: {  	_ =	shalt  }
.Lfunc_end0:
.L_simem_size_0:
called_computation_lowered:
.L_overlay_start_0:
0x88: {  	s2 =	sld [smem:$0x3FD9]  }
0x89: {  	s3 =	sld [smem:$0x3FFE];
	_ =	sdelay $0x1  }
0x8a: {  	s1 =	srdreg.scid  }
0x8b: {  	s0 =	sand.u32 $0x1, s1  }
0x8c: {  	s14 =	sshll.u32 s0, $0xA;
	s2 =	sadd.s32 s3, s2  }
0x8d: {  	s2 =	sadd.s32 s2, s14  }
0x8e: {  	[smem:$0x3FC5] =	sst s2  }
0x8f: {  	_ = 	snop  }
0x90: {  	s2 =	sld [smem:$0x3FD0];
	_ =	sdelay $0x2  }
0x91: {  	s15 =	simm.s32 $0xA;
	s4 =	simm.s32 $0x10  }
0x92: {  	[smem:s4], [sflag:s15] =	dma.local [hbm:s2], $0x1  }
0x93: {  	_ =	swait.eq [sflag:s15], $0x1  }
0x94: {  	[sflag:s15] =	ssyncset.done $0x0  }
0x95: {  	s16 =	sld [smem:$0x10];
	[sflag:s15] =	ssyncadd.s32 $0xFFFFFFFF  }
0x96: {  	s17 =	sld [smem:$0x11];
	(tm) =	ssettm $0x1  }
0x97: {  	s18 =	sld [smem:$0x3FFB];
	_ =	sdelay $0x3  }
0x98: {  	_ =	strace s18  }
0x99: {  	s4 =	sld [smem:$0x3FFC];
	_ =	sdelay $0x3  }
0x9a: {  	_ =	strace s4  }
0x9b: {  	s4 =	sld [smem:$0x3FFD];
	_ =	sdelay $0x3  }
0x9c: {  	_ =	strace s4  }
0x9d: {  	_ =	strace $0x8FFFFFFF  }
0x9e: {  	s19 =	sld [smem:$0x3FDB];
	_ =	sdelay $0x1  }
0x9f: {  	s5 =	simm.s32 $_scs_section_size  }
0xa0: {  	s6 =	simm.s32 $_size__tile_overlayer_lowered;
	s7 =	simm.s32 $_tile_overlayer_lowered  }
0xa1: {  	s22 =	simm.s32 $0x1BFF;
	s21 =	sshll.u32 s7, $0x1;
	s4 =	sadd.s32 s5, s19  }
0xa2: {  	s8 =	simm.s32 $0x0;
	s20 =	sshll.u32 s6, $0x1;
	s6 =	sadd.s32 s21, s4  }
0xa3: {  	[timem:s8], [sflag:s22] =	dma.local [hbm:s6], s20  }
0xa4: {  	_ =	swait.ge [sflag:s22], s20  }
0xa5: {  	s5 =	ssub.s32 $0x0, s20;
	[sflag:s22] =	ssyncset.done $0x0  }
0xa6: {  	[sflag:s22] =	ssyncadd.s32 s5;
	_ =	sdelay $0x1  }
0xa7: {  	s23 =	simm.s32 $0x1B8B  }
0xa8: {  	_ =	swait.ge [sflag:s23], $0x1  }
0xa9: {  	[sflag:s23] =	ssyncset.done $0x0  }
0xaa: {  	s25 =	simm.s32 $0x1B8E;
	s24 =	sld [smem:$0x3FFE];
	[sflag:s23] =	ssyncadd.s32 $0xFFFFFFFF  }
0xab: {  	s26 =	simm.s32 $execute0_lowered;
	[smem:$0x3FD2] =	sst s25  }
0xac: {  	s6 =	sshll.u32 s26, $0x1;
	_ =	strace $0x80000046;
	[dreg:$0x1] =	wrdreg $0xFFFFFFFF  }
0xad: {  	s28 =	simm.s32 $_size_execute0_lowered;
	s4 =	sadd.s32 s4, s6;
	[dreg:$0x0] =	wrdreg $0x0  }
0xae: {  	s6 =	sshll.u32 s28, $0x1;
	[dreg:$0x2] =	wrdreg s4  }
0xaf: {  	[dreg:$0x3] =	wrdreg s6  }
0xb0: {  	[dreg:$0x4] =	wrdreg $0xC0  }
0xb1: {  	_ =	task [dreg:s8], $0x5FFFF  }
0xb2: {  	[dreg:$0x1] =	wrdreg $0xFFFFFFFF  }
0xb3: {  	[dreg:$0x0] =	wrdreg $0x60  }
0xb4: {  	[dreg:$0x2] =	wrdreg s17  }
0xb5: {  	[dreg:$0x3] =	wrdreg s16  }
0xb6: {  	[dreg:$0x4] =	wrdreg s24  }
0xb7: {  	[dreg:$0x5] =	wrdreg $0x9  }
0xb8: {  	_ =	task.clear_ibuf [dreg:s8], $0x6FFFF;
	_ =	strace $0x90000046  }
0xb9: {  	s29 =	simm.s32 $0x9;
	_ =	strace $0x80000048  }
0xba: {  	_ =	swait.ge [sflag:s29], $0x1  }
0xbb: {  	[sflag:s29] =	ssyncadd.s32 $0xFFFFFFFF  }
0xbc: {  	_ =	strace $0x90000048  }
0xbd: {  	_ =	sfence  }
0xbe: {  	s30 =	sld [smem:$0x0];
	_ =	sdelay $0x2  }
0xbf: {  	s31 =	sshll.u32 s1, $0xD;
	s1 =	sshrl.u32 s1, $0x2  }
0xc0: {  	s3 =	sand.u32 $0x4000, s31;
	s1 =	sadd.s32 s1, s30  }
0xc1: {  	s0 =	sor.u32 s3, s0;
	s1 =	sshll.u32 s1, $0x11  }
0xc2: {  	s0 =	sor.u32 s1, s0  }
0xc3: {  	s0 =	sadd.s32 $0x8F2B, s0  }
0xc4: {  	[sflag:s0] =	ssyncadd.remote.s32 $0x1  }
0xc5: {  	_ =	sfence.sel $0xFFFF  }
0xc6: {  	[dreg:$0x0] =	wrdreg $0xFFFFFFFF;
	(pc) =	sbr.abs _section_cstart, $3  }
0xc7: {  	[dreg:$0x1] =	wrdreg $0xFFFFFFFF  }
0xc8: {  	_ =	task.clear_ibuf [dreg:s8], $0x2FFFF;
	_ =	strace $0x9FFFFFFF  }
0xc9: {  	(tm) =	ssettm $0x7FFFFFFF  }
tec
execute0_lowered:
.L_overlay_start_1:
0x0: {  	(tag) =	ssettag $0x1  }
0x1: {  	s1 =	rddreg [dreg:$0x0]  }
0x2: {  	s2 =	rddreg [dreg:$0x1]  }
0x3: {  	s3 =	rddreg [dreg:$0x2];
	s4 =	simm.s32 $0x0;
	s0 =	srdreg.scid  }
0x4: {  	s5 =	stileid.u32;
	s13 =	simm.s32 $0x3000;
	s14 =	simm.s32 $0x4000  }
0x5: {  	s15 =	simm.s32 $0x5000;
	s16 =	simm.s32 $0x1;
	s17 =	simm.s32 $0x9030  }
0x6: {  	s18 =	simm.s32 $0xA030;
	s19 =	simm.s32 $0x2;
	s20 =	simm.s32 $0x14030  }
0x7: {  	s21 =	simm.s32 $0x80;
	s23 =	simm.s32 $0xC030;
	s31 =	simm.s32 $0x3  }
0x8: {  	s30 =	simm.s32 $0x4;
	[smem:$0x7FF] =	sst s4;
	s6 =	sand.u32 $0x1, s0  }
0x9: {  	s28 =	sshll.u32 s5, $0xD;
	s5 =	sadd.s32 $0x200400, s3;
	s7 =	sshll.u32 s6, $0xC  }
0xa: {  	_ =	strace $0x80000047;
	s29 =	ssub.s32 $0x2, s6;
	s0 =	sor.u32 s7, s28  }
0xb: {  	s6 =	sadd.s32 $0x400, s3;
	s9 =	sshrl.u32 s29, $0x1;
	s8 =	sshrl.u32 s0, $0x3  }
0xc: {  	v1 =	vimm.s32 $0x7F800000;
	v4 =	vlaneseq.u32;
	s10 =	sadd.s32 s0, s3;
	s11 =	ssub.s32 s29, s9;
	s3 =	sadd.s32 s8, s3  }
0xd: {  	v2 =	vimm.s32 $0x7FFFFFFF;
	v3 =	vimm.s32 $0x0;
	v5 =	vmul.u32 $0x8, v4;
	s7 =	sadd.s32 $0x28600, s10;
	s10 =	smax.u32 s11, $0x1;
	s11 =	simm.s32 $0x0  }
0xe: {  	v6 =	vmul.u32 $0x2, v4;
	v7 =	vand.u32 $0x3, v4;
	v0 =	vmov s0;
	s8 =	sadd.s32 $0x20600, s3;
	s9 =	sadd.s32 $0x24600, s3;
	s3 =	simm.s32 $0x1D030  }
.LBB2_1:
0xf: {  	s12 =	simm.s32 $0x40;
	s22 =	simm.s32 $0x0  }
.LBB2_2:
0x10: {  	p0 =	sne.s32 s12, $0x3FC0;
	[tilespmem:s22+$0x9030] =	vst v1;
	s24 =	smov.u32 s12;
	s12 =	sadd.s32 $0x40, s12  }
.Ltmp0:
0x11: {  	[tilespmem:s22+$0xA030] =	vst v2;
	(pc) =	sbr.rel @p0 .LBB2_2-.Ltmp0, $2  }
0x12: {  	_ =	sdelay $0x2  }
0x13: {  	s22 =	sshra.s32 s24, $0x2  }
0x14: {  	[tilespmem:s22+$0x9030] =	vst v1  }
0x15: {  	[tilespmem:s22+$0xA030] =	vst v2;
	s12 =	simm.s32 $0x0  }
0x16: {  	[tilespmem:s12], [sflag:$0x1] =	stream.linear.gather [hbm4b:s1+s12], $0x1000, $0x38;
	[tilespmem:$0x1E030] =	vst v63  }
.Ltmp1:
0x17: {  	_ = 	snop;
	(pc) =	sbr.rel .LBB2_4-.Ltmp1, $4  }
0x18: {  	s0 =	simm.s32 $0x1000  }
0x19: {  	[tilespmem:s0], [sflag:$0x1] =	stream.linear.gather [hbm4b:s2+s12], $0x1000, $0x38;
	[tilespmem:$0x1E030] =	vst v63  }
0x1a: {  	s29 =	simm.s32 $0x2000;
	s22 =	simm.s32 $0x0  }
0x1b: {  	[tilespmem:s29], [sflag:$0x1] =	stream.linear.gather [hbm4b:s5+s12], $0x1000, $0x38;
	[tilespmem:$0x1E030] =	vst v63  }
.LBB2_22:
0x1c: {  	s22 =	sadd.s32 $0x1, s22  }
0x1d: {  	p0 =	sne.s32 s22, $0x10  }
.Ltmp2:
0x1e: {  	_ = 	snop;
	(pc) =	sbr.rel @!p0 .LBB2_23-.Ltmp2, $1  }
0x1f: {  	_ =	sdelay $0x3  }
.LBB2_4:
0x20: {  	s24 =	sshll.u32 s22, $0xA  }
0x21: {  	s25 =	sor.u32 $0x200, s24  }
0x22: {  	s26 =	sadd.s32 s1, s25  }
0x23: {  	[tilespmem:s13], [sflag:$0x2] =	stream.linear.gather [hbm4b:s26+s12], $0x1000, $0x38;
	[tilespmem:$0x1E030] =	vst v63  }
0x24: {  	s0 =	sadd.s32 s2, s25  }
0x25: {  	[tilespmem:s14], [sflag:$0x2] =	stream.linear.gather [hbm4b:s0+s12], $0x1000, $0x38;
	[tilespmem:$0x1E030] =	vst v63  }
0x26: {  	s25 =	sadd.s32 s5, s25  }
0x27: {  	[tilespmem:s15], [sflag:$0x2] =	stream.linear.gather [hbm4b:s25+s12], $0x1000, $0x38;
	[tilespmem:$0x1E030] =	vst v63  }
0x28: {  	_ =	swait.ge [sflag:s16], $0x1000  }
0x29: {  	[sflag:s16] =	ssyncset.done $0x0  }
0x2a: {  	[sflag:s16] =	ssyncadd.s32 $0xFFFFF000  }
0x2b: {  	_ =	swait.ge [sflag:s16], $0x1000  }
0x2c: {  	[sflag:s16] =	ssyncset.done $0x0  }
0x2d: {  	[sflag:s16] =	ssyncadd.s32 $0xFFFFF000  }
0x2e: {  	_ =	swait.ge [sflag:s16], $0x1000  }
0x2f: {  	[sflag:s16] =	ssyncset.done $0x0  }
0x30: {  	s29 =	simm.s32 $0x0;
	[sflag:s16] =	ssyncadd.s32 $0xFFFFF000  }
0x31: {  	v8 =	vld [tilespmem:s29+$0x0];
	_ =	sdelay $0x4  }
0x32: {  	v8 =	vsub.s32 v8, v0  }
0x33: {  	vm0 =	vlt.u32 v8, $0x1000  }
0x34: {  	v9 =	vsel vm0, $0x1, v3  }
0x35: {  	(xrf0) =	vadd.scan.msk.s32 $0xffff, v9;
	_ =	sdelay $0x1  }
0x36: {  	[tilespmem:s12+$0x6000] =	vst.msk vm0, v8  }
0x37: {  	v8 =	vld [tilespmem:s29+$0x1000];
	_ =	sdelay $0x2  }
0x38: {  	v9, _, _ =	vpop (xrf0)  }
0x39: {  	(v2sf) =	vpush v9, $0xF  }
0x3a: {  	[tilespmem:s12+$0x7010] =	vst.msk vm0, v8  }
0x3b: {  	v8 =	vld [tilespmem:s29+$0x2000];
	_ =	sdelay $0x4  }
0x3c: {  	s28 =	simm.s32 $0x80;
	s26 =	simm.s32 $0x0;
	s25 =	simm.s32 $0x10;
	[tilespmem:s12+$0x8020] =	vst.msk vm0, v8  }
.LBB2_5:
0x3d: {  	p0 =	sne.s32 s28, $0x3FC0;
	v8 =	vld [tilespmem:s25+$0x0];
	_ =	sdelay $0x4  }
0x3e: {  	v8 =	vsub.s32 v8, v0  }
0x3f: {  	vm0 =	vlt.u32 v8, $0x1000  }
0x40: {  	v9 =	vsel vm0, $0x1, v3;
	s29 =	spop (v2sf)  }
0x41: {  	(xrf0) =	vadd.scan.msk.s32 $0xffff, v9;
	s26 =	sadd.s32 s26, s29  }
0x42: {  	[tilespmem:s26+$0x6000] =	vst.msk vm0, v8  }
0x43: {  	v8 =	vld [tilespmem:s25+$0x1000];
	_ =	sdelay $0x3  }
0x44: {  	v9, _, _ =	vpop (xrf0)  }
0x45: {  	[tilespmem:s26+$0x7010] =	vst.msk vm0, v8;
	(v2sf) =	vpush v9, $0xF  }
0x46: {  	v8 =	vld [tilespmem:s25+$0x2000];
	_ =	sdelay $0x1  }
.Ltmp3:
0x47: {  	(pc) =	sbr.rel @p0 .LBB2_5-.Ltmp3, $3  }
0x48: {  	_ =	sdelay $0x1  }
0x49: {  	[tilespmem:s26+$0x8020] =	vst.msk vm0, v8  }
0x4a: {  	s25 =	sshra.s32 s28, $0x2;
	s28 =	sadd.s32 $0x40, s28  }
0x4b: {  	v8 =	vld [tilespmem:s25+$0x0];
	_ =	sdelay $0x4  }
0x4c: {  	v8 =	vsub.s32 v8, v0  }
0x4d: {  	vm0 =	vlt.u32 v8, $0x1000  }
0x4e: {  	v9 =	vsel vm0, $0x1, v3  }
0x4f: {  	(xrf0) =	vadd.scan.msk.s32 $0xffff, v9;
	_ =	sdelay $0x5  }
0x50: {  	v9, _, _ =	vpop (xrf0)  }
0x51: {  	(v2sf) =	vpush v9, $0xF;
	_ =	sdelay $0xb  }
0x52: {  	s28 =	spop (v2sf)  }
0x53: {  	s28 =	sadd.s32 s26, s28  }
0x54: {  	[tilespmem:s28+$0x6000] =	vst.msk vm0, v8  }
0x55: {  	v8 =	vld [tilespmem:s25+$0x1000];
	s29 =	spop (v2sf)  }
0x56: {  	s26 =	sadd.s32 s28, s29  }
0x57: {  	s29 =	sadd.s32 $0xF, s26  }
0x58: {  	s0 =	sand.u32 $0xF, s29  }
0x59: {  	p1 =	slt.s32 s29, $0x1;
	p0 =	sne.s32 s0, $0x0;
	s0 =	sshra.s32 s29, $0x1F  }
0x5a: {  	[tilespmem:s28+$0x7010] =	vst.msk vm0, v8;
	s0 =	sshrl.u32 s0, $0x1C;
	p0 =	por !p1, !p0  }
0x5b: {  	v8 =	vld [tilespmem:s25+$0x2000];
	s25 =	simm.s32 $0x1;
	s0 =	sadd.s32 s0, s29;
	p0 =	por !p0, !p0  }
0x5c: {  	s0 =	sshra.s32 s0, $0x4;
	s25 =	simm.s32 @!p0 $0x0  }
0x5d: {  	s25 =	ssub.s32 s0, s25  }
0x5e: {  	p0 =	slt.s32 s25, $0x1  }
.Ltmp4:
0x5f: {  	_ = 	snop;
	(pc) =	sbr.rel @p0 .LBB2_13-.Ltmp4, $2  }
0x60: {  	_ =	sdelay $0x2  }
0x61: {  	[tilespmem:s28+$0x8020] =	vst.msk vm0, v8  }
.Ltmp5:
0x62: {  	(pc) =	sbr.rel .LBB2_8-.Ltmp5, $2  }
0x63: {  	_ =	sdelay $0x2  }
0x64: {  	v8 =	vmov s26;
	s26 =	simm.s32 $0x0  }
.LBB2_11:
0x65: {  	vm1 =	veq.s32 v10, v12;
	vm2 =	vlt.s32 v11, v13  }
0x66: {  	vm3 =	vlt.s32 v10, v12;
	vm1 =	vmand vm1, vm2  }
0x67: {  	vm1 =	vmor vm3, vm1  }
0x68: {  	vm0 =	vmand vm0, vm1;
	_ =	sdelay $0x5  }
0x69: {  	[tilespmem:v9+s17+$0x0] =	vst.idx.msk vm0, v10  }
0x6a: {  	[tilespmem:v9+s18+$0x0] =	vst.idx.msk vm0, v11  }
.LBB2_12:
0x6b: {  	s26 =	sadd.s32 $0x1, s26  }
0x6c: {  	p0 =	sne.s32 s26, s25  }
.Ltmp6:
0x6d: {  	_ = 	snop;
	(pc) =	sbr.rel @!p0 .LBB2_13-.Ltmp6, $1  }
0x6e: {  	_ =	sdelay $0x3  }
.LBB2_8:
0x6f: {  	s0 =	sshll.u32 s26, $0x4  }
0x70: {  	v9 =	vld [tilespmem:s0+$0x6000];
	_ =	sdelay $0x2  }
0x71: {  	v10 =	vor.u32 s0, v4  }
0x72: {  	vm0 =	vlt.s32 v10, v8  }
0x73: {  	v9 =	vnsel vm0, $0x0, v9;
	_ =	sdelay $0x2  }
0x74: {  	v11 =	vld [tilespmem:s0+$0x8020]  }
0x75: {  	v10 =	vld [tilespmem:s0+$0x7010]  }
0x76: {  	v12 =	vld.idx.msk [tilespmem:v9+s17+$0x0], vm0  }
0x77: {  	v13 =	vld.idx.msk [tilespmem:v9+s18+$0x0], vm0;
	_ =	sdelay $0x4  }
0x78: {  	vm1 =	veq.s32 v10, v12;
	vm2 =	vlt.s32 v11, v13  }
0x79: {  	vm3 =	vlt.s32 v10, v12;
	vm1 =	vmand vm1, vm2  }
0x7a: {  	vm1 =	vmor vm3, vm1  }
0x7b: {  	vm1 =	vmand vm0, vm1;
	_ =	sdelay $0x5  }
0x7c: {  	[tilespmem:v9+s17+$0x0] =	vst.idx.msk vm1, v10  }
0x7d: {  	[tilespmem:v9+s18+$0x0] =	vst.idx.msk vm1, v11  }
0x7e: {  	v61 =	vld.idx.msk [tilespmem:v9+s17+$0x0], vm0  }
0x7f: {  	v62 =	vld.idx.msk [tilespmem:v9+s18+$0x0], vm0;
	_ =	sdelay $0x4  }
0x80: {  	vm1 =	veq.s32 v10, v61;
	vm2 =	vlt.s32 v11, v62  }
0x81: {  	vm3 =	vlt.s32 v10, v61;
	vm1 =	vmand vm1, vm2  }
0x82: {  	vm1 =	vmor vm3, vm1  }
0x83: {  	vm1 =	vmand vm0, vm1  }
0x84: {  	v63 =	vsel vm1, $0x1, v3  }
0x85: {  	v12 =	vor.u32 $0x80000000, v63  }
0x86: {  	(xrf0) =	vmax.scan.msk.u32 $0xffff, v12;
	_ =	sdelay $0x5  }
0x87: {  	v12, _, _ =	vpop (xrf0)  }
0x88: {  	(v2sf) =	vpush v12, $0xF;
	_ =	sdelay $0xe  }
0x89: {  	s29 =	spop (v2sf)  }
0x8a: {  	p0 =	slt.u32 s29, $0x80000001  }
.Ltmp7:
0x8b: {  	_ = 	snop;
	(pc) =	sbr.rel @p0 .LBB2_12-.Ltmp7, $3  }
0x8c: {  	_ =	sdelay $0x1  }
0x8d: {  	[tilespmem:v9+s17+$0x0] =	vst.idx.msk vm1, v10  }
0x8e: {  	s28 =	simm.s32 $0xE;
	[tilespmem:v9+s18+$0x0] =	vst.idx.msk vm1, v11  }
0x8f: {  	_ =	sdelay $0x4  }
0x90: {  	v13 =	vld.idx.msk [tilespmem:v9+s18+$0x0], vm0  }
0x91: {  	v12 =	vld.idx.msk [tilespmem:v9+s17+$0x0], vm0;
	s28 =	sadd.s32 $0xFFFFFFFF, s28  }
.LBB2_10:
0x92: {  	p0 =	sne.s32 s28, $0x1;
	_ =	sdelay $0x3  }
0x93: {  	vm1 =	veq.s32 v10, v12;
	vm2 =	vlt.s32 v11, v13  }
0x94: {  	vm3 =	vlt.s32 v10, v12;
	vm1 =	vmand vm1, vm2  }
0x95: {  	vm1 =	vmor vm3, vm1  }
0x96: {  	vm1 =	vmand vm0, vm1;
	_ =	sdelay $0x5  }
.Ltmp8:
0x97: {  	[tilespmem:v9+s17+$0x0] =	vst.idx.msk vm1, v10;
	(pc) =	sbr.rel @p0 .LBB2_10-.Ltmp8, $4  }
0x98: {  	[tilespmem:v9+s18+$0x0] =	vst.idx.msk vm1, v11  }
0x99: {  	v13 =	vld.idx.msk [tilespmem:v9+s18+$0x0], vm0  }
0x9a: {  	v12 =	vld.idx.msk [tilespmem:v9+s17+$0x0], vm0  }
0x9b: {  	s28 =	sadd.s32 $0xFFFFFFFF, s28  }
.Ltmp9:
0x9c: {  	_ = 	snop;
	(pc) =	sbr.rel .LBB2_11-.Ltmp9, $1  }
0x9d: {  	_ =	sdelay $0x3  }
.LBB2_13:
0x9e: {  	p0 =	seq.s32 s22, $0xF  }
0x9f: {  	s0 =	sadd.s32 @!p0 $0x400, s24  }
0xa0: {  	s25 =	simm.s32 @!p0 $0x0;
	s24 =	sadd.s32 @!p0 s1, s0  }
0xa1: {  	[tilespmem:s25], [sflag:$0x1] =	stream.linear.gather @!p0 [hbm4b:s24+s25], $0x1000, $0x38;
	[tilespmem:$0x1E030] =	vst v63  }
0xa2: {  	s26 =	simm.s32 @!p0 $0x1000;
	s24 =	sadd.s32 @!p0 s2, s0  }
0xa3: {  	[tilespmem:s26], [sflag:$0x1] =	stream.linear.gather @!p0 [hbm4b:s24+s25], $0x1000, $0x38;
	[tilespmem:$0x1E030] =	vst v63  }
0xa4: {  	s0 =	sadd.s32 @!p0 s5, s0;
	s24 =	simm.s32 @!p0 $0x2000  }
0xa5: {  	[tilespmem:s24], [sflag:$0x1] =	stream.linear.gather @!p0 [hbm4b:s0+s25], $0x1000, $0x38;
	[tilespmem:$0x1E030] =	vst v63  }
0xa6: {  	_ =	swait.ge [sflag:s19], $0x1000  }
0xa7: {  	[sflag:s19] =	ssyncset.done $0x0  }
0xa8: {  	[sflag:s19] =	ssyncadd.s32 $0xFFFFF000  }
0xa9: {  	_ =	swait.ge [sflag:s19], $0x1000  }
0xaa: {  	[sflag:s19] =	ssyncset.done $0x0  }
0xab: {  	[sflag:s19] =	ssyncadd.s32 $0xFFFFF000  }
0xac: {  	_ =	swait.ge [sflag:s19], $0x1000  }
0xad: {  	[sflag:s19] =	ssyncset.done $0x0  }
0xae: {  	s29 =	simm.s32 $0x0;
	[sflag:s19] =	ssyncadd.s32 $0xFFFFF000  }
0xaf: {  	v8 =	vld [tilespmem:s29+$0x3000];
	_ =	sdelay $0x4  }
0xb0: {  	v8 =	vsub.s32 v8, v0  }
0xb1: {  	vm0 =	vlt.u32 v8, $0x1000  }
0xb2: {  	v9 =	vsel vm0, $0x1, v3  }
0xb3: {  	(xrf0) =	vadd.scan.msk.s32 $0xffff, v9  }
0xb4: {  	s24 =	simm.s32 $0x0  }
0xb5: {  	[tilespmem:s24+$0x6000] =	vst.msk vm0, v8  }
0xb6: {  	v8 =	vld [tilespmem:s29+$0x4000];
	_ =	sdelay $0x2  }
0xb7: {  	v9, _, _ =	vpop (xrf0)  }
0xb8: {  	(v2sf) =	vpush v9, $0xF  }
0xb9: {  	[tilespmem:s24+$0x7010] =	vst.msk vm0, v8  }
0xba: {  	v8 =	vld [tilespmem:s29+$0x5000];
	_ =	sdelay $0x4  }
0xbb: {  	s26 =	simm.s32 $0x80;
	s25 =	simm.s32 $0x10;
	[tilespmem:s24+$0x8020] =	vst.msk vm0, v8  }
.LBB2_14:
0xbc: {  	p0 =	sne.s32 s26, $0x3FC0;
	v8 =	vld [tilespmem:s25+$0x3000];
	_ =	sdelay $0x4  }
0xbd: {  	v8 =	vsub.s32 v8, v0  }
0xbe: {  	vm0 =	vlt.u32 v8, $0x1000  }
0xbf: {  	v9 =	vsel vm0, $0x1, v3;
	s0 =	spop (v2sf)  }
0xc0: {  	(xrf0) =	vadd.scan.msk.s32 $0xffff, v9;
	s24 =	sadd.s32 s24, s0  }
0xc1: {  	[tilespmem:s24+$0x6000] =	vst.msk vm0, v8  }
0xc2: {  	v8 =	vld [tilespmem:s25+$0x4000];
	_ =	sdelay $0x3  }
0xc3: {  	v9, _, _ =	vpop (xrf0)  }
0xc4: {  	[tilespmem:s24+$0x7010] =	vst.msk vm0, v8;
	(v2sf) =	vpush v9, $0xF  }
0xc5: {  	v8 =	vld [tilespmem:s25+$0x5000];
	_ =	sdelay $0x1  }
.Ltmp10:
0xc6: {  	(pc) =	sbr.rel @p0 .LBB2_14-.Ltmp10, $3  }
0xc7: {  	_ =	sdelay $0x1  }
0xc8: {  	[tilespmem:s24+$0x8020] =	vst.msk vm0, v8  }
0xc9: {  	s25 =	sshra.s32 s26, $0x2;
	s26 =	sadd.s32 $0x40, s26  }
0xca: {  	v8 =	vld [tilespmem:s25+$0x3000];
	_ =	sdelay $0x4  }
0xcb: {  	v8 =	vsub.s32 v8, v0  }
0xcc: {  	vm0 =	vlt.u32 v8, $0x1000  }
0xcd: {  	v9 =	vsel vm0, $0x1, v3  }
0xce: {  	(xrf0) =	vadd.scan.msk.s32 $0xffff, v9;
	_ =	sdelay $0x5  }
0xcf: {  	v9, _, _ =	vpop (xrf0)  }
0xd0: {  	(v2sf) =	vpush v9, $0xF;
	_ =	sdelay $0xb  }
0xd1: {  	s0 =	spop (v2sf)  }
0xd2: {  	s0 =	sadd.s32 s24, s0  }
0xd3: {  	[tilespmem:s0+$0x6000] =	vst.msk vm0, v8  }
0xd4: {  	v8 =	vld [tilespmem:s25+$0x4000];
	s28 =	spop (v2sf)  }
0xd5: {  	s26 =	sadd.s32 s0, s28  }
0xd6: {  	s24 =	sadd.s32 $0xF, s26  }
0xd7: {  	s28 =	sand.u32 $0xF, s24  }
0xd8: {  	s29 =	sshra.s32 s24, $0x1F;
	p1 =	slt.s32 s24, $0x1;
	p0 =	sne.s32 s28, $0x0  }
0xd9: {  	[tilespmem:s0+$0x7010] =	vst.msk vm0, v8;
	s29 =	sshrl.u32 s29, $0x1C;
	p0 =	por !p1, !p0  }
0xda: {  	v8 =	vld [tilespmem:s25+$0x5000];
	s25 =	simm.s32 $0x1;
	s24 =	sadd.s32 s29, s24;
	p0 =	por !p0, !p0  }
0xdb: {  	s24 =	sshra.s32 s24, $0x4;
	s25 =	simm.s32 @!p0 $0x0  }
0xdc: {  	s24 =	ssub.s32 s24, s25  }
0xdd: {  	p0 =	slt.s32 s24, $0x1  }
.Ltmp11:
0xde: {  	_ = 	snop;
	(pc) =	sbr.rel @p0 .LBB2_22-.Ltmp11, $2  }
0xdf: {  	_ =	sdelay $0x2  }
0xe0: {  	[tilespmem:s0+$0x8020] =	vst.msk vm0, v8  }
.Ltmp12:
0xe1: {  	(pc) =	sbr.rel .LBB2_17-.Ltmp12, $2  }
0xe2: {  	_ =	sdelay $0x2  }
0xe3: {  	v8 =	vmov s26;
	s25 =	simm.s32 $0x0  }
.LBB2_20:
0xe4: {  	vm1 =	veq.s32 v10, v12;
	vm2 =	vlt.s32 v11, v13  }
0xe5: {  	vm3 =	vlt.s32 v10, v12;
	vm1 =	vmand vm1, vm2  }
0xe6: {  	vm1 =	vmor vm3, vm1  }
0xe7: {  	vm0 =	vmand vm0, vm1;
	_ =	sdelay $0x5  }
0xe8: {  	[tilespmem:v9+s17+$0x0] =	vst.idx.msk vm0, v10  }
0xe9: {  	[tilespmem:v9+s18+$0x0] =	vst.idx.msk vm0, v11  }
.LBB2_21:
0xea: {  	s25 =	sadd.s32 $0x1, s25  }
0xeb: {  	p0 =	sne.s32 s25, s24  }
.Ltmp13:
0xec: {  	_ = 	snop;
	(pc) =	sbr.rel @!p0 .LBB2_22-.Ltmp13, $1  }
0xed: {  	_ =	sdelay $0x3  }
.LBB2_17:
0xee: {  	s0 =	sshll.u32 s25, $0x4  }
0xef: {  	v9 =	vld [tilespmem:s0+$0x6000];
	_ =	sdelay $0x2  }
0xf0: {  	v10 =	vor.u32 s0, v4  }
0xf1: {  	vm0 =	vlt.s32 v10, v8  }
0xf2: {  	v9 =	vnsel vm0, $0x0, v9;
	_ =	sdelay $0x2  }
0xf3: {  	v11 =	vld [tilespmem:s0+$0x8020]  }
0xf4: {  	v10 =	vld [tilespmem:s0+$0x7010]  }
0xf5: {  	v12 =	vld.idx.msk [tilespmem:v9+s17+$0x0], vm0  }
0xf6: {  	v13 =	vld.idx.msk [tilespmem:v9+s18+$0x0], vm0;
	_ =	sdelay $0x4  }
0xf7: {  	vm1 =	veq.s32 v10, v12;
	vm2 =	vlt.s32 v11, v13  }
0xf8: {  	vm3 =	vlt.s32 v10, v12;
	vm1 =	vmand vm1, vm2  }
0xf9: {  	vm1 =	vmor vm3, vm1  }
0xfa: {  	vm1 =	vmand vm0, vm1;
	_ =	sdelay $0x5  }
0xfb: {  	[tilespmem:v9+s17+$0x0] =	vst.idx.msk vm1, v10  }
0xfc: {  	[tilespmem:v9+s18+$0x0] =	vst.idx.msk vm1, v11  }
0xfd: {  	v61 =	vld.idx.msk [tilespmem:v9+s17+$0x0], vm0  }
0xfe: {  	v62 =	vld.idx.msk [tilespmem:v9+s18+$0x0], vm0;
	_ =	sdelay $0x4  }
0xff: {  	vm1 =	veq.s32 v10, v61;
	vm2 =	vlt.s32 v11, v62  }
0x100: {  	vm3 =	vlt.s32 v10, v61;
	vm1 =	vmand vm1, vm2  }
0x101: {  	vm1 =	vmor vm3, vm1  }
0x102: {  	vm1 =	vmand vm0, vm1  }
0x103: {  	v63 =	vsel vm1, $0x1, v3  }
0x104: {  	v12 =	vor.u32 $0x80000000, v63  }
0x105: {  	(xrf0) =	vmax.scan.msk.u32 $0xffff, v12;
	_ =	sdelay $0x5  }
0x106: {  	v12, _, _ =	vpop (xrf0)  }
0x107: {  	(v2sf) =	vpush v12, $0xF;
	_ =	sdelay $0xe  }
0x108: {  	s29 =	spop (v2sf)  }
0x109: {  	p0 =	slt.u32 s29, $0x80000001  }
.Ltmp14:
0x10a: {  	_ = 	snop;
	(pc) =	sbr.rel @p0 .LBB2_21-.Ltmp14, $3  }
0x10b: {  	_ =	sdelay $0x1  }
0x10c: {  	[tilespmem:v9+s17+$0x0] =	vst.idx.msk vm1, v10  }
0x10d: {  	s26 =	simm.s32 $0xE;
	[tilespmem:v9+s18+$0x0] =	vst.idx.msk vm1, v11  }
0x10e: {  	_ =	sdelay $0x4  }
0x10f: {  	v13 =	vld.idx.msk [tilespmem:v9+s18+$0x0], vm0  }
0x110: {  	v12 =	vld.idx.msk [tilespmem:v9+s17+$0x0], vm0;
	s26 =	sadd.s32 $0xFFFFFFFF, s26  }
.LBB2_19:
0x111: {  	p0 =	sne.s32 s26, $0x1;
	_ =	sdelay $0x3  }
0x112: {  	vm1 =	veq.s32 v10, v12;
	vm2 =	vlt.s32 v11, v13  }
0x113: {  	vm3 =	vlt.s32 v10, v12;
	vm1 =	vmand vm1, vm2  }
0x114: {  	vm1 =	vmor vm3, vm1  }
0x115: {  	vm1 =	vmand vm0, vm1;
	_ =	sdelay $0x5  }
.Ltmp15:
0x116: {  	[tilespmem:v9+s17+$0x0] =	vst.idx.msk vm1, v10;
	(pc) =	sbr.rel @p0 .LBB2_19-.Ltmp15, $4  }
0x117: {  	[tilespmem:v9+s18+$0x0] =	vst.idx.msk vm1, v11  }
0x118: {  	v13 =	vld.idx.msk [tilespmem:v9+s18+$0x0], vm0  }
0x119: {  	v12 =	vld.idx.msk [tilespmem:v9+s17+$0x0], vm0  }
0x11a: {  	s26 =	sadd.s32 $0xFFFFFFFF, s26  }
.Ltmp16:
0x11b: {  	_ = 	snop;
	(pc) =	sbr.rel .LBB2_20-.Ltmp16, $1  }
0x11c: {  	_ =	sdelay $0x3  }
.LBB2_23:
0x11d: {  	s12 =	simm.s32 $0x0  }
0x11e: {  	v9 =	vld [tilespmem:s12+$0x9030]  }
0x11f: {  	s22 =	simm.s32 $0x0;
	v10 =	vld [tilespmem:s12+$0xA030]  }
0x120: {  	v8 =	vmov s22  }
0x121: {  	v8 =	vshll.u32 v8, $0x3  }
0x122: {  	v8 =	vor.u32 v5, v8  }
0x123: {  	s0 =	sand.u32 $0x3E00, s22;
	v8 =	vor.u32 $0x4, v8  }
0x124: {  	s24 =	sand.u32 $0x70, s22;
	s0 =	sshrl.u32 s0, $0x2;
	vm0 =	veq.s32 v9, $0x7F800000;
	v11 =	vshra.s32 v10, $0x6;
	v12 =	vshrl.u32 v10, $0x1  }
0x125: {  	s0 =	sor.u32 s24, s0;
	v14 =	vand.u32 $0x1, v10;
	v13 =	vsel vm0, $0x20000, v11;
	v12 =	vand.u32 $0x1F, v12  }
0x126: {  	s25 =	simm.s32 $0x80;
	s24 =	simm.s32 $0x40;
	v11 =	vsel vm0, $0x0, v9;
	v9 =	vsel vm0, $0x0, v14;
	[tilespmem:s0+$0xB030] =	vst v13;
	v10 =	vsel vm0, $0xFFFFFFFF, v12  }
.LBB2_24:
0x127: {  	s0 =	sshra.s32 s24, $0x2  }
0x128: {  	[tilespmem:v8+s20+$0x0] =	vst.idx.msk $0xffff, v11;
	s22 =	sadd.s32 $0x10, s22;
	s26 =	smov.u32 s25;
	s28 =	sadd.s32 $0x40, s25  }
0x129: {  	p0 =	sne.s32 s25, $0x3FC0;
	v11 =	vld [tilespmem:s0+$0x9030];
	v8 =	vmov s22;
	[tilespmem:s12+$0x1C030] =	vst v10  }
0x12a: {  	v10 =	vld [tilespmem:s0+$0xA030];
	v8 =	vshll.u32 v8, $0x3;
	[tilespmem:s12+$0x1D030] =	vst v9;
	s12 =	smov.u32 s0  }
0x12b: {  	v8 =	vor.u32 v5, v8  }
0x12c: {  	v8 =	vor.u32 $0x4, v8  }
.Ltmp17:
0x12d: {  	s0 =	sand.u32 $0x3E00, s24;
	s24 =	smov.u32 s26;
	(pc) =	sbr.rel @p0 .LBB2_24-.Ltmp17, $4  }
0x12e: {  	s25 =	sand.u32 $0x70, s22;
	s0 =	sshrl.u32 s0, $0x2;
	vm0 =	veq.s32 v11, $0x7F800000  }
0x12f: {  	s0 =	sor.u32 s25, s0;
	v9 =	vshra.s32 v10, $0x6;
	v11 =	vsel vm0, $0x0, v11;
	v12 =	vshrl.u32 v10, $0x1  }
0x130: {  	v13 =	vand.u32 $0x1, v10;
	v9 =	vsel vm0, $0x20000, v9;
	v12 =	vand.u32 $0x1F, v12  }
0x131: {  	s25 =	smov.u32 s28;
	[tilespmem:s0+$0xB030] =	vst v9;
	v10 =	vsel vm0, $0xFFFFFFFF, v12;
	v9 =	vsel vm0, $0x0, v13  }
0x132: {  	_ =	sdelay $0x3  }
0x133: {  	s0 =	sshra.s32 s24, $0x2;
	[tilespmem:v8+s20+$0x0] =	vst.idx.msk $0xffff, v11  }
0x134: {  	s22 =	sadd.s32 $0x10, s22;
	v8 =	vld [tilespmem:s0+$0x9030];
	[tilespmem:s12+$0x1C030] =	vst v10  }
0x135: {  	v10 =	vmov s22;
	v11 =	vld [tilespmem:s0+$0xA030]  }
0x136: {  	v10 =	vshll.u32 v10, $0x3  }
0x137: {  	v10 =	vor.u32 v5, v10  }
0x138: {  	v10 =	vor.u32 $0x4, v10  }
0x139: {  	s29 =	sand.u32 $0x3E00, s24  }
0x13a: {  	s22 =	sand.u32 $0x70, s22;
	s24 =	sshrl.u32 s29, $0x2;
	vm0 =	veq.s32 v8, $0x7F800000;
	v12 =	vshra.s32 v11, $0x6  }
0x13b: {  	[tilespmem:s12+$0x1D030] =	vst v9;
	s22 =	sor.u32 s22, s24;
	v9 =	vshrl.u32 v11, $0x1;
	v12 =	vsel vm0, $0x20000, v12  }
0x13c: {  	v8 =	vsel vm0, $0x0, v8;
	v9 =	vand.u32 $0x1F, v9;
	[tilespmem:s22+$0xB030] =	vst v12  }
0x13d: {  	v11 =	vand.u32 $0x1, v11;
	v9 =	vsel vm0, $0xFFFFFFFF, v9;
	[tilespmem:v10+s20+$0x0] =	vst.idx.msk $0xffff, v8  }
0x13e: {  	v8 =	vsel vm0, $0x0, v11;
	[tilespmem:s0+$0x1C030] =	vst v9  }
0x13f: {  	s24 =	simm.s32 $0xB030;
	[tilespmem:s0+$0x1D030] =	vst v8  }
0x140: {  	[tilespmem:s23], [sflag:$0x3] =	stream.indirect.gather [hbm4b:s6+s21], $0x4, s24, s21, $0xb8;
	[tilespmem:$0x1E030] =	vst v63  }
0x141: {  	s25 =	simm.s32 $0xB0B0;
	s26 =	simm.s32 $0xC430  }
0x142: {  	[tilespmem:s26], [sflag:$0x3] =	stream.indirect.gather [hbm4b:s6+s21], $0x4, s25, s21, $0xb8;
	[tilespmem:$0x1E030] =	vst v63  }
0x143: {  	s28 =	simm.s32 $0xB130;
	s29 =	simm.s32 $0xC830  }
0x144: {  	[tilespmem:s29], [sflag:$0x3] =	stream.indirect.gather [hbm4b:s6+s21], $0x4, s28, s21, $0xb8;
	[tilespmem:$0x1E030] =	vst v63  }
0x145: {  	s22 =	simm.s32 $0xB1B0;
	s24 =	simm.s32 $0xCC30  }
0x146: {  	[tilespmem:s24], [sflag:$0x3] =	stream.indirect.gather [hbm4b:s6+s21], $0x4, s22, s21, $0xb8;
	[tilespmem:$0x1E030] =	vst v63  }
0x147: {  	s25 =	simm.s32 $0xB230;
	s26 =	simm.s32 $0xD030  }
0x148: {  	[tilespmem:s26], [sflag:$0x3] =	stream.indirect.gather [hbm4b:s6+s21], $0x4, s25, s21, $0xb8;
	[tilespmem:$0x1E030] =	vst v63  }
0x149: {  	s28 =	simm.s32 $0xB2B0;
	s29 =	simm.s32 $0xD430  }
0x14a: {  	[tilespmem:s29], [sflag:$0x3] =	stream.indirect.gather [hbm4b:s6+s21], $0x4, s28, s21, $0xb8;
	[tilespmem:$0x1E030] =	vst v63  }
0x14b: {  	s22 =	simm.s32 $0xB330;
	s24 =	simm.s32 $0xD830  }
0x14c: {  	[tilespmem:s24], [sflag:$0x3] =	stream.indirect.gather [hbm4b:s6+s21], $0x4, s22, s21, $0xb8;
	[tilespmem:$0x1E030] =	vst v63  }
0x14d: {  	s25 =	simm.s32 $0xB3B0;
	s26 =	simm.s32 $0xDC30  }
0x14e: {  	[tilespmem:s26], [sflag:$0x3] =	stream.indirect.gather [hbm4b:s6+s21], $0x4, s25, s21, $0xb8;
	[tilespmem:$0x1E030] =	vst v63  }
0x14f: {  	s28 =	simm.s32 $0xB430;
	s29 =	simm.s32 $0xE030  }
0x150: {  	[tilespmem:s29], [sflag:$0x3] =	stream.indirect.gather [hbm4b:s6+s21], $0x4, s28, s21, $0xb8;
	[tilespmem:$0x1E030] =	vst v63  }
0x151: {  	s22 =	simm.s32 $0xB4B0;
	s24 =	simm.s32 $0xE430  }
0x152: {  	[tilespmem:s24], [sflag:$0x3] =	stream.indirect.gather [hbm4b:s6+s21], $0x4, s22, s21, $0xb8;
	[tilespmem:$0x1E030] =	vst v63  }
0x153: {  	s25 =	simm.s32 $0xB530;
	s26 =	simm.s32 $0xE830  }
0x154: {  	[tilespmem:s26], [sflag:$0x3] =	stream.indirect.gather [hbm4b:s6+s21], $0x4, s25, s21, $0xb8;
	[tilespmem:$0x1E030] =	vst v63  }
0x155: {  	s28 =	simm.s32 $0xB5B0;
	s29 =	simm.s32 $0xEC30  }
0x156: {  	[tilespmem:s29], [sflag:$0x3] =	stream.indirect.gather [hbm4b:s6+s21], $0x4, s28, s21, $0xb8;
	[tilespmem:$0x1E030] =	vst v63  }
0x157: {  	s22 =	simm.s32 $0xB630;
	s24 =	simm.s32 $0xF030  }
0x158: {  	[tilespmem:s24], [sflag:$0x3] =	stream.indirect.gather [hbm4b:s6+s21], $0x4, s22, s21, $0xb8;
	[tilespmem:$0x1E030] =	vst v63  }
0x159: {  	s25 =	simm.s32 $0xB6B0;
	s26 =	simm.s32 $0xF430  }
0x15a: {  	[tilespmem:s26], [sflag:$0x3] =	stream.indirect.gather [hbm4b:s6+s21], $0x4, s25, s21, $0xb8;
	[tilespmem:$0x1E030] =	vst v63  }
0x15b: {  	s28 =	simm.s32 $0xB730;
	s29 =	simm.s32 $0xF830  }
0x15c: {  	[tilespmem:s29], [sflag:$0x3] =	stream.indirect.gather [hbm4b:s6+s21], $0x4, s28, s21, $0xb8;
	[tilespmem:$0x1E030] =	vst v63  }
0x15d: {  	s22 =	simm.s32 $0xB7B0;
	s24 =	simm.s32 $0xFC30  }
0x15e: {  	[tilespmem:s24], [sflag:$0x3] =	stream.indirect.gather [hbm4b:s6+s21], $0x4, s22, s21, $0xb8;
	[tilespmem:$0x1E030] =	vst v63  }
0x15f: {  	_ =	swait.ge [sflag:s31], $0x200  }
0x160: {  	[sflag:s31] =	ssyncset.done $0x0  }
0x161: {  	[sflag:s31] =	ssyncadd.s32 $0xFFFFFE00  }
0x162: {  	_ =	swait.ge [sflag:s31], $0x200  }
0x163: {  	[sflag:s31] =	ssyncset.done $0x0  }
0x164: {  	[sflag:s31] =	ssyncadd.s32 $0xFFFFFE00  }
0x165: {  	_ =	swait.ge [sflag:s31], $0x200  }
0x166: {  	[sflag:s31] =	ssyncset.done $0x0  }
0x167: {  	[sflag:s31] =	ssyncadd.s32 $0xFFFFFE00  }
0x168: {  	_ =	swait.ge [sflag:s31], $0x200  }
0x169: {  	[sflag:s31] =	ssyncset.done $0x0  }
0x16a: {  	[sflag:s31] =	ssyncadd.s32 $0xFFFFFE00  }
0x16b: {  	_ =	swait.ge [sflag:s31], $0x200  }
0x16c: {  	[sflag:s31] =	ssyncset.done $0x0  }
0x16d: {  	[sflag:s31] =	ssyncadd.s32 $0xFFFFFE00  }
0x16e: {  	_ =	swait.ge [sflag:s31], $0x200  }
0x16f: {  	[sflag:s31] =	ssyncset.done $0x0  }
0x170: {  	[sflag:s31] =	ssyncadd.s32 $0xFFFFFE00  }
0x171: {  	_ =	swait.ge [sflag:s31], $0x200  }
0x172: {  	[sflag:s31] =	ssyncset.done $0x0  }
0x173: {  	[sflag:s31] =	ssyncadd.s32 $0xFFFFFE00  }
0x174: {  	_ =	swait.ge [sflag:s31], $0x200  }
0x175: {  	[sflag:s31] =	ssyncset.done $0x0  }
0x176: {  	[sflag:s31] =	ssyncadd.s32 $0xFFFFFE00  }
0x177: {  	_ =	swait.ge [sflag:s31], $0x200  }
0x178: {  	[sflag:s31] =	ssyncset.done $0x0  }
0x179: {  	[sflag:s31] =	ssyncadd.s32 $0xFFFFFE00  }
0x17a: {  	_ =	swait.ge [sflag:s31], $0x200  }
0x17b: {  	[sflag:s31] =	ssyncset.done $0x0  }
0x17c: {  	[sflag:s31] =	ssyncadd.s32 $0xFFFFFE00  }
0x17d: {  	_ =	swait.ge [sflag:s31], $0x200  }
0x17e: {  	[sflag:s31] =	ssyncset.done $0x0  }
0x17f: {  	[sflag:s31] =	ssyncadd.s32 $0xFFFFFE00  }
0x180: {  	_ =	swait.ge [sflag:s31], $0x200  }
0x181: {  	[sflag:s31] =	ssyncset.done $0x0  }
0x182: {  	[sflag:s31] =	ssyncadd.s32 $0xFFFFFE00  }
0x183: {  	_ =	swait.ge [sflag:s31], $0x200  }
0x184: {  	[sflag:s31] =	ssyncset.done $0x0  }
0x185: {  	[sflag:s31] =	ssyncadd.s32 $0xFFFFFE00  }
0x186: {  	_ =	swait.ge [sflag:s31], $0x200  }
0x187: {  	[sflag:s31] =	ssyncset.done $0x0  }
0x188: {  	[sflag:s31] =	ssyncadd.s32 $0xFFFFFE00  }
0x189: {  	_ =	swait.ge [sflag:s31], $0x200  }
0x18a: {  	[sflag:s31] =	ssyncset.done $0x0  }
0x18b: {  	[sflag:s31] =	ssyncadd.s32 $0xFFFFFE00  }
0x18c: {  	_ =	swait.ge [sflag:s31], $0x200  }
0x18d: {  	[sflag:s31] =	ssyncset.done $0x0  }
0x18e: {  	s25 =	simm.s32 $0xB830;
	s26 =	simm.s32 $0x10030;
	[sflag:s31] =	ssyncadd.s32 $0xFFFFFE00  }
0x18f: {  	[tilespmem:s26], [sflag:$0x3] =	stream.indirect.gather [hbm4b:s6+s21], $0x4, s25, s21, $0xb8;
	[tilespmem:$0x1E030] =	vst v63  }
0x190: {  	s28 =	simm.s32 $0xB8B0;
	s29 =	simm.s32 $0x10430  }
0x191: {  	[tilespmem:s29], [sflag:$0x3] =	stream.indirect.gather [hbm4b:s6+s21], $0x4, s28, s21, $0xb8;
	[tilespmem:$0x1E030] =	vst v63  }
0x192: {  	s22 =	simm.s32 $0xB930;
	s24 =	simm.s32 $0x10830  }
0x193: {  	[tilespmem:s24], [sflag:$0x3] =	stream.indirect.gather [hbm4b:s6+s21], $0x4, s22, s21, $0xb8;
	[tilespmem:$0x1E030] =	vst v63  }
0x194: {  	s25 =	simm.s32 $0xB9B0;
	s26 =	simm.s32 $0x10C30  }
0x195: {  	[tilespmem:s26], [sflag:$0x3] =	stream.indirect.gather [hbm4b:s6+s21], $0x4, s25, s21, $0xb8;
	[tilespmem:$0x1E030] =	vst v63  }
0x196: {  	s28 =	simm.s32 $0xBA30;
	s29 =	simm.s32 $0x11030  }
0x197: {  	[tilespmem:s29], [sflag:$0x3] =	stream.indirect.gather [hbm4b:s6+s21], $0x4, s28, s21, $0xb8;
	[tilespmem:$0x1E030] =	vst v63  }
0x198: {  	s22 =	simm.s32 $0xBAB0;
	s24 =	simm.s32 $0x11430  }
0x199: {  	[tilespmem:s24], [sflag:$0x3] =	stream.indirect.gather [hbm4b:s6+s21], $0x4, s22, s21, $0xb8;
	[tilespmem:$0x1E030] =	vst v63  }
0x19a: {  	s25 =	simm.s32 $0xBB30;
	s26 =	simm.s32 $0x11830  }
0x19b: {  	[tilespmem:s26], [sflag:$0x3] =	stream.indirect.gather [hbm4b:s6+s21], $0x4, s25, s21, $0xb8;
	[tilespmem:$0x1E030] =	vst v63  }
0x19c: {  	s28 =	simm.s32 $0xBBB0;
	s29 =	simm.s32 $0x11C30  }
0x19d: {  	[tilespmem:s29], [sflag:$0x3] =	stream.indirect.gather [hbm4b:s6+s21], $0x4, s28, s21, $0xb8;
	[tilespmem:$0x1E030] =	vst v63  }
0x19e: {  	s22 =	simm.s32 $0xBC30;
	s24 =	simm.s32 $0x12030  }
0x19f: {  	[tilespmem:s24], [sflag:$0x3] =	stream.indirect.gather [hbm4b:s6+s21], $0x4, s22, s21, $0xb8;
	[tilespmem:$0x1E030] =	vst v63  }
0x1a0: {  	s25 =	simm.s32 $0xBCB0;
	s26 =	simm.s32 $0x12430  }
0x1a1: {  	[tilespmem:s26], [sflag:$0x3] =	stream.indirect.gather [hbm4b:s6+s21], $0x4, s25, s21, $0xb8;
	[tilespmem:$0x1E030] =	vst v63  }
0x1a2: {  	s28 =	simm.s32 $0xBD30;
	s29 =	simm.s32 $0x12830  }
0x1a3: {  	[tilespmem:s29], [sflag:$0x3] =	stream.indirect.gather [hbm4b:s6+s21], $0x4, s28, s21, $0xb8;
	[tilespmem:$0x1E030] =	vst v63  }
0x1a4: {  	s22 =	simm.s32 $0xBDB0;
	s24 =	simm.s32 $0x12C30  }
0x1a5: {  	[tilespmem:s24], [sflag:$0x3] =	stream.indirect.gather [hbm4b:s6+s21], $0x4, s22, s21, $0xb8;
	[tilespmem:$0x1E030] =	vst v63  }
0x1a6: {  	s25 =	simm.s32 $0xBE30;
	s26 =	simm.s32 $0x13030  }
0x1a7: {  	[tilespmem:s26], [sflag:$0x3] =	stream.indirect.gather [hbm4b:s6+s21], $0x4, s25, s21, $0xb8;
	[tilespmem:$0x1E030] =	vst v63  }
0x1a8: {  	s28 =	simm.s32 $0xBEB0;
	s29 =	simm.s32 $0x13430  }
0x1a9: {  	[tilespmem:s29], [sflag:$0x3] =	stream.indirect.gather [hbm4b:s6+s21], $0x4, s28, s21, $0xb8;
	[tilespmem:$0x1E030] =	vst v63  }
0x1aa: {  	s12 =	simm.s32 $0xBF30;
	s22 =	simm.s32 $0x13830  }
0x1ab: {  	[tilespmem:s22], [sflag:$0x3] =	stream.indirect.gather [hbm4b:s6+s21], $0x4, s12, s21, $0xb8;
	[tilespmem:$0x1E030] =	vst v63  }
0x1ac: {  	s24 =	simm.s32 $0xBFB0;
	s25 =	simm.s32 $0x13C30  }
0x1ad: {  	[tilespmem:s25], [sflag:$0x3] =	stream.indirect.gather [hbm4b:s6+s21], $0x4, s24, s21, $0xb8;
	[tilespmem:$0x1E030] =	vst v63  }
0x1ae: {  	_ =	swait.ge [sflag:s31], $0x200  }
0x1af: {  	[sflag:s31] =	ssyncset.done $0x0  }
0x1b0: {  	[sflag:s31] =	ssyncadd.s32 $0xFFFFFE00  }
0x1b1: {  	_ =	swait.ge [sflag:s31], $0x200  }
0x1b2: {  	[sflag:s31] =	ssyncset.done $0x0  }
0x1b3: {  	[sflag:s31] =	ssyncadd.s32 $0xFFFFFE00  }
0x1b4: {  	_ =	swait.ge [sflag:s31], $0x200  }
0x1b5: {  	[sflag:s31] =	ssyncset.done $0x0  }
0x1b6: {  	[sflag:s31] =	ssyncadd.s32 $0xFFFFFE00  }
0x1b7: {  	_ =	swait.ge [sflag:s31], $0x200  }
0x1b8: {  	[sflag:s31] =	ssyncset.done $0x0  }
0x1b9: {  	[sflag:s31] =	ssyncadd.s32 $0xFFFFFE00  }
0x1ba: {  	_ =	swait.ge [sflag:s31], $0x200  }
0x1bb: {  	[sflag:s31] =	ssyncset.done $0x0  }
0x1bc: {  	[sflag:s31] =	ssyncadd.s32 $0xFFFFFE00  }
0x1bd: {  	_ =	swait.ge [sflag:s31], $0x200  }
0x1be: {  	[sflag:s31] =	ssyncset.done $0x0  }
0x1bf: {  	[sflag:s31] =	ssyncadd.s32 $0xFFFFFE00  }
0x1c0: {  	_ =	swait.ge [sflag:s31], $0x200  }
0x1c1: {  	[sflag:s31] =	ssyncset.done $0x0  }
0x1c2: {  	[sflag:s31] =	ssyncadd.s32 $0xFFFFFE00  }
0x1c3: {  	_ =	swait.ge [sflag:s31], $0x200  }
0x1c4: {  	[sflag:s31] =	ssyncset.done $0x0  }
0x1c5: {  	[sflag:s31] =	ssyncadd.s32 $0xFFFFFE00  }
0x1c6: {  	_ =	swait.ge [sflag:s31], $0x200  }
0x1c7: {  	[sflag:s31] =	ssyncset.done $0x0  }
0x1c8: {  	[sflag:s31] =	ssyncadd.s32 $0xFFFFFE00  }
0x1c9: {  	_ =	swait.ge [sflag:s31], $0x200  }
0x1ca: {  	[sflag:s31] =	ssyncset.done $0x0  }
0x1cb: {  	[sflag:s31] =	ssyncadd.s32 $0xFFFFFE00  }
0x1cc: {  	_ =	swait.ge [sflag:s31], $0x200  }
0x1cd: {  	[sflag:s31] =	ssyncset.done $0x0  }
0x1ce: {  	[sflag:s31] =	ssyncadd.s32 $0xFFFFFE00  }
0x1cf: {  	_ =	swait.ge [sflag:s31], $0x200  }
0x1d0: {  	[sflag:s31] =	ssyncset.done $0x0  }
0x1d1: {  	[sflag:s31] =	ssyncadd.s32 $0xFFFFFE00  }
0x1d2: {  	_ =	swait.ge [sflag:s31], $0x200  }
0x1d3: {  	[sflag:s31] =	ssyncset.done $0x0  }
0x1d4: {  	s26 =	simm.s32 $0x0;
	[sflag:s31] =	ssyncadd.s32 $0xFFFFFE00  }
0x1d5: {  	v8 =	vmov s26;
	_ =	swait.ge [sflag:s31], $0x200  }
0x1d6: {  	v8 =	vshll.u32 v8, $0x1;
	[sflag:s31] =	ssyncset.done $0x0  }
0x1d7: {  	v8 =	vor.u32 v6, v8;
	[sflag:s31] =	ssyncadd.s32 $0xFFFFFE00  }
0x1d8: {  	v8 =	vand.u32 $0x7FF8, v8;
	_ =	swait.ge [sflag:s31], $0x200  }
0x1d9: {  	v8 =	vor.u32 v7, v8;
	[sflag:s31] =	ssyncset.done $0x0  }
0x1da: {  	[sflag:s31] =	ssyncadd.s32 $0xFFFFFE00  }
0x1db: {  	_ =	swait.ge [sflag:s31], $0x200  }
0x1dc: {  	[sflag:s31] =	ssyncset.done $0x0  }
0x1dd: {  	s28 =	simm.s32 $0x10;
	[sflag:s31] =	ssyncadd.s32 $0xFFFFFE00  }
0x1de: {  	v9 =	vmov s28;
	v10 =	vld.idx.msk [tilespmem:v8+s23+$0x0], $0xffff  }
0x1df: {  	v9 =	vshll.u32 v9, $0x1  }
0x1e0: {  	v9 =	vor.u32 v6, v9  }
0x1e1: {  	s29 =	simm.s32 $0x20;
	v9 =	vand.u32 $0x7FF8, v9  }
0x1e2: {  	v11 =	vmov s29;
	s12 =	simm.s32 $0x30;
	v9 =	vor.u32 v7, v9  }
.LBB2_26:
0x1e3: {  	p0 =	sne.s32 s12, $0x3FF0;
	v11 =	vshll.u32 v11, $0x1;
	[tilespmem:v8+s20+$0x0] =	vst.idx.msk $0xffff, v10;
	v8 =	vmov v9  }
0x1e4: {  	v11 =	vor.u32 v6, v11;
	v10 =	vld.idx.msk [tilespmem:v9+s23+$0x0], $0xffff  }
.Ltmp18:
0x1e5: {  	v9 =	vand.u32 $0x7FF8, v11;
	(pc) =	sbr.rel @p0 .LBB2_26-.Ltmp18, $2  }
0x1e6: {  	v9 =	vor.u32 v7, v9;
	_ =	sdelay $0x2  }
0x1e7: {  	v11 =	vmov s12;
	s12 =	sadd.s32 $0x10, s12  }
0x1e8: {  	_ =	sdelay $0x2  }
0x1e9: {  	v11 =	vshll.u32 v11, $0x1  }
0x1ea: {  	[tilespmem:v8+s20+$0x0] =	vst.idx.msk $0xffff, v10;
	v8 =	vor.u32 v6, v11  }
0x1eb: {  	v10 =	vld.idx.msk [tilespmem:v9+s23+$0x0], $0xffff;
	v8 =	vand.u32 $0x7FF8, v8  }
0x1ec: {  	v8 =	vor.u32 v7, v8;
	_ =	sdelay $0x3  }
0x1ed: {  	[tilespmem:v9+s20+$0x0] =	vst.idx.msk $0xffff, v10  }
0x1ee: {  	v9 =	vld.idx.msk [tilespmem:v8+s23+$0x0], $0xffff;
	_ =	sdelay $0x4  }
0x1ef: {  	[tilespmem:v8+s20+$0x0] =	vst.idx.msk $0xffff, v9  }
0x1f0: {  	[hbm4b:s7+s4] =	stream.linear.scatter [tilespmem:s20], [sflag:$0x4], $0x8000, $0x38;
	[tilespmem:$0x1E030] =	vst v63  }
0x1f1: {  	_ =	swait.ge [sflag:s30], $0x8000  }
0x1f2: {  	[sflag:s30] =	ssyncset.done $0x0  }
0x1f3: {  	s0 =	simm.s32 $0x1C030;
	[sflag:s30] =	ssyncadd.s32 $0xFFFF8000  }
0x1f4: {  	[hbm4b:s8+s4] =	stream.linear.scatter [tilespmem:s0], [sflag:$0x4], $0x1000, $0x38;
	[tilespmem:$0x1E030] =	vst v63  }
0x1f5: {  	s11 =	sadd.s32 $0x1, s11;
	_ =	swait.ge [sflag:s30], $0x1000  }
0x1f6: {  	p0 =	sne.s32 s11, s10;
	[sflag:s30] =	ssyncset.done $0x0  }
.Ltmp19:
0x1f7: {  	[sflag:s30] =	ssyncadd.s32 $0xFFFFF000;
	(pc) =	sbr.rel @p0 .LBB2_1-.Ltmp19, $4  }
0x1f8: {  	[hbm4b:s9+s4] =	stream.linear.scatter [tilespmem:s3], [sflag:$0x4], $0x1000, $0x38;
	[tilespmem:$0x1E030] =	vst v63  }
0x1f9: {  	_ =	swait.ge [sflag:s30], $0x1000  }
0x1fa: {  	[sflag:s30] =	ssyncset.done $0x0  }
0x1fb: {  	[sflag:s30] =	ssyncadd.s32 $0xFFFFF000  }
0x1fc: {  	_ =	sfence.sel $0x180000  }
0x1fd: {  	[bflag:$0x0] =	sbarrier.arrive $0xFFFF  }
0x1fe: {  	_ =	strace $0x90000047  }
0x1ff: {  	s0 =	stileid.u32;
	[bflag:$0x2] =	sbarrier.arrive $0xFFFF  }
0x200: {  	p0 =	sne.s32 s0, $0x0;
	s0 =	rddreg [dreg:$0x3]  }
0x201: {  	s0 =	sadd.s32 @!p0 $0x100000, s0  }
0x202: {  	[sflag:s0] =	ssyncadd.tile.s32 @!p0 $0x1;
	_ =	shalt  }
.Lfunc_end2:
_tile_overlayer_lowered:
.L_overlay_start_2:
0x203: {  	(tag) =	ssettag $0x2  }
0x204: {  	s0 =	rddreg [dreg:$0x0];
	s2 =	stileid.u32  }
0x205: {  	s1 =	rddreg [dreg:$0x1];
	p0 =	sne.s32 s2, $0x0  }
0x206: {  	s3 =	rddreg [dreg:$0x2];
	[bflag:$0x3] =	sbarrier.arrive $0xFFFF;
	s2 =	simm.s32 @!p0 $0x1C04  }
0x207: {  	[timem:s3], [sflag:s2] =	dma.local @!p0 [hbm:s0], s1  }
0x208: {  	s0 =	simm.s32 @!p0 $0x4  }
0x209: {  	_ =	swait.ge @!p0 [sflag:s0], s1  }
0x20a: {  	s1 =	ssub.s32 @!p0 $0x0, s1;
	[sflag:s0] =	ssyncset.done @!p0 $0x0  }
0x20b: {  	[sflag:s0] =	ssyncadd.s32 @!p0 s1  }
0x20c: {  	[bflag:$0x3] =	sbarrier.arrive $0xFFFF  }
0x20d: {  	_ =	shalt  }

</sc_bundles>
